<compile_context>
chip_gen: v7x
topology: tpu7x:2x2x1
jax: 0.10.2.dev20260603
libtpu: 0.0.44.dev20260713+nightly
codegen_flags: <defaults>
</compile_context>

<pallas_src>
import jax
import jax.numpy as jnp
from jax import lax
from jax.experimental import pallas as pl
from jax.experimental.pallas import tpu as pltpu
from jax.experimental.pallas import tpu_sc as plsc

_NC = 2
_NS = 16
_NW = _NC * _NS
_L = 16
_G = 24
_NB = 8


def _make_pool(B, N, C, K):
    rpw = (B * K) // _NW
    cl = C // _L

    def body(xs_hbm, ys_hbm, zs_hbm, feats_hbm, props_hbm, out_hbm,
             xs_v, ys_v, zs_v, props_v, meml, rows_a, rows_b, rows_c,
             rows_d, rows_e, rows_f, rows_g, rows_h, outrow_v,
             sem_a, sem_b, sem_c, sem_d, sem_e, sem_f, sem_g, sem_h):
        wid = lax.axis_index("s") * _NC + lax.axis_index("c")
        g0 = wid * rpw
        base = (g0 // K) * N
        pltpu.sync_copy(xs_hbm.at[pl.ds(base, N)], xs_v)
        pltpu.sync_copy(ys_hbm.at[pl.ds(base, N)], ys_v)
        pltpu.sync_copy(zs_hbm.at[pl.ds(base, N)], zs_v)
        pltpu.sync_copy(props_hbm.at[pl.ds(g0 * _L, rpw * _L)], props_v)

        iota = lax.iota(jnp.int32, _L)

        def roi_body(r, carry):
            prow = props_v[pl.ds(r * _L, _L)]
            lox, hix, loy, hiy, loz, hiz = (prow[0], prow[1], prow[2],
                                            prow[3], prow[4], prow[5])

            def chunk(i, off):
                x = xs_v[pl.ds(i * _L, _L)]
                y = ys_v[pl.ds(i * _L, _L)]
                z = zs_v[pl.ds(i * _L, _L)]
                m = ((x > lox) & (x < hix) & (y > loy) & (y < hiy)
                     & (z > loz) & (z < hiz))
                idxv = (base + i * _L) + iota
                plsc.store_compressed(meml.at[pl.ds(off, _L)], idxv, mask=m)
                return off + plsc.all_reduce_population_count(m)[0]

            def mask_body(i2, off):
                off = chunk(2 * i2, off)
                return chunk(2 * i2 + 1, off)

            cnt = lax.fori_loop(0, N // (2 * _L), mask_body, jnp.int32(0))

            mv = meml[pl.ds(0, _L)]
            padv = mv[0] + (iota * 0)
            for q in range(_NB * _G // _L):
                plsc.store_scatter(meml, [cnt + q * _L + iota], padv)
            nquad = (cnt + (_NB * _G - 1)) // (_NB * _G)
            nch = _NB * nquad

            def start(j, rows, sem):
                pltpu.async_copy(
                    feats_hbm.at[meml.at[pl.ds(j * _G, _G)]], rows, sem)

            def wait(j, rows, sem):
                pltpu.make_async_copy(
                    feats_hbm.at[meml.at[pl.ds(j * _G, _G)]],
                    rows, sem).wait()

            def accum(rows, acc):
                def row_body(t, a):
                    return tuple(
                        jnp.maximum(a[c], rows[t, pl.ds(c * _L, _L)])
                        for c in range(cl))
                return lax.fori_loop(0, _G, row_body, tuple(acc))

            ring = ((rows_a, sem_a), (rows_b, sem_b), (rows_c, sem_c),
                    (rows_d, sem_d), (rows_e, sem_e), (rows_f, sem_f),
                    (rows_g, sem_g), (rows_h, sem_h))

            @pl.when(nquad > 0)
            def _():
                for q in range(_NB - 1):
                    start(q, *ring[q])

            def quad_body(p, acc):
                j0 = _NB * p
                start(j0 + _NB - 1, *ring[_NB - 1])
                for q in range(_NB):
                    wait(j0 + q, *ring[q])
                    acc = accum(ring[q][0], acc)
                    if q < _NB - 1:
                        nxt = j0 + _NB + q

                        @pl.when(nxt < nch)
                        def _(q=q, nxt=nxt):
                            start(nxt, *ring[q])
                return acc

            acc0 = tuple(jnp.full((_L,), -jnp.inf, jnp.float32)
                         for _ in range(cl))
            acc = lax.fori_loop(0, nquad, quad_body, acc0)
            nonempty = cnt > 0
            for c in range(cl):
                outrow_v[pl.ds(c * _L, _L)] = jnp.where(
                    nonempty, acc[c], jnp.float32(0.0))
            pltpu.sync_copy(outrow_v, out_hbm.at[g0 + r])
            return carry

        lax.fori_loop(0, rpw, roi_body, jnp.int32(0))

    mesh = plsc.VectorSubcoreMesh(core_axis_name="c", subcore_axis_name="s",
                                  num_cores=_NC, num_subcores=_NS)
    return pl.kernel(
        body,
        out_type=jax.ShapeDtypeStruct((B * K, C), jnp.float32),
        mesh=mesh,
        compiler_params=pltpu.CompilerParams(
            needs_layout_passes=False,
            use_tc_tiling_on_sc=False,
        ),
        scratch_types=[
            pltpu.VMEM((N,), jnp.float32),
            pltpu.VMEM((N,), jnp.float32),
            pltpu.VMEM((N,), jnp.float32),
            pltpu.VMEM((rpw * _L,), jnp.float32),
            pltpu.VMEM((N + _NB * _G,), jnp.int32),
            pltpu.VMEM((_G, C), jnp.float32),
            pltpu.VMEM((_G, C), jnp.float32),
            pltpu.VMEM((_G, C), jnp.float32),
            pltpu.VMEM((_G, C), jnp.float32),
            pltpu.VMEM((_G, C), jnp.float32),
            pltpu.VMEM((_G, C), jnp.float32),
            pltpu.VMEM((_G, C), jnp.float32),
            pltpu.VMEM((_G, C), jnp.float32),
            pltpu.VMEM((C,), jnp.float32),
            pltpu.SemaphoreType.DMA,
            pltpu.SemaphoreType.DMA,
            pltpu.SemaphoreType.DMA,
            pltpu.SemaphoreType.DMA,
            pltpu.SemaphoreType.DMA,
            pltpu.SemaphoreType.DMA,
            pltpu.SemaphoreType.DMA,
            pltpu.SemaphoreType.DMA,
        ],
    )


def _fc_body(p_ref, w1_ref, b1_ref, w2_ref, b2_ref, o_ref):
    h = jnp.dot(p_ref[...], w1_ref[...],
                preferred_element_type=jnp.float32) + b1_ref[...]
    h = jnp.maximum(h, 0.0)
    o = jnp.dot(h, w2_ref[...],
                preferred_element_type=jnp.float32) + b2_ref[...]
    o_ref[...] = jnp.maximum(o, 0.0)


def kernel(points, point_features, proposals, W1, b1, W2, b2):
    B, N, C = point_features.shape
    K = proposals.shape[1]

    xs = points[..., 0].reshape(B * N)
    ys = points[..., 1].reshape(B * N)
    zs = points[..., 2].reshape(B * N)
    feats_flat = point_features.reshape(B * N, C)
    ctr = proposals[..., 0:3]
    half = proposals[..., 3:6] / 2
    lo = ctr - half
    hi = ctr + half
    props = jnp.stack([lo[..., 0], hi[..., 0], lo[..., 1], hi[..., 1],
                       lo[..., 2], hi[..., 2]], axis=-1)
    props = jnp.concatenate(
        [props, jnp.zeros((B, K, _L - 6), jnp.float32)],
        axis=-1).reshape(B * K * _L)

    pooled = _make_pool(B, N, C, K)(xs, ys, zs, feats_flat, props)

    out = pl.pallas_call(
        _fc_body,
        out_shape=jax.ShapeDtypeStruct((B * K, W2.shape[1]), jnp.float32),
    )(pooled, W1, b1.reshape(1, -1), W2, b2.reshape(1, -1))
    return out.reshape(B, K, W2.shape[1])

# --- scband reference (transcript-rebuilt; emitter-appended) ---
"""Pipeline reference for scband-ro-ifeature-extractor-43920335569143 (READ-ONLY COPY).

The authoritative reference and input builder live on the scoring server;
editing this copy changes nothing except your own understanding.
"""

import jax, jax.numpy as jnp
import numpy as np


def setup_inputs(seed: int = 0) -> dict:
    key = jax.random.key(seed)
    k1, k2, k3, k4, k5, k6, k7 = jax.random.split(key, 7)
    B, N, C, K = 4, 16384, 256, 128
    points = jax.random.normal(k1, (B, N, 3), dtype=jnp.float32)
    point_features = jax.random.normal(k2, (B, N, C), dtype=jnp.float32)
    centers = jax.random.uniform(k3, (B, K, 3), minval=-1.0, maxval=1.0)
    dims = jax.random.uniform(k4, (B, K, 3), minval=0.8, maxval=2.0)
    ry = jax.random.uniform(k5, (B, K, 1), minval=-np.pi, maxval=np.pi)
    proposals = jnp.concatenate([centers, dims, ry], axis=-1).astype(jnp.float32)
    W1 = (jax.random.normal(k6, (C, 256)) * 0.05).astype(jnp.float32)
    b1 = jnp.zeros((256,), dtype=jnp.float32)
    W2 = (jax.random.normal(k7, (256, 256)) * 0.05).astype(jnp.float32)
    b2 = jnp.zeros((256,), dtype=jnp.float32)
    return {"points": points, "point_features": point_features, "proposals": proposals,
            "W1": W1, "b1": b1, "W2": W2, "b2": b2}


def reference(points, point_features, proposals, W1, b1, W2, b2):
    # points: (B, N, 3); point_features: (B, N, C); proposals: (B, K, 7)
    def per_batch(pts, feats, props):
        def per_prop(p):
            cx, cy, cz, l, w, h = p[0], p[1], p[2], p[3], p[4], p[5]
            mx = (pts[:, 0] > cx - l / 2) & (pts[:, 0] < cx + l / 2)
            my = (pts[:, 1] > cy - w / 2) & (pts[:, 1] < cy + w / 2)
            mz = (pts[:, 2] > cz - h / 2) & (pts[:, 2] < cz + h / 2)
            mask = mx & my & mz
            # masked max-pool over points inside the RoI (pool_method='max')
            masked = jnp.where(mask[:, None], feats, -jnp.inf)
            pooled = jnp.max(masked, axis=0)
            pooled = jnp.where(mask.any(), pooled, jnp.zeros_like(pooled))
            return pooled
        return jax.lax.map(per_prop, props)  # (K, C)

    roi = jax.vmap(per_batch)(points, point_features, proposals)  # (B, K, C)
    h = jax.nn.relu(roi @ W1 + b1)
    out = jax.nn.relu(h @ W2 + b2)
    return out

if __name__ == "__main__":
    import jax
    _d = setup_inputs()
    print(jax.jit(kernel)(*tuple(_d.values())))

</pallas_src>

<mosaic_0001>
#map = affine_map<(d0, d1) -> (0)>
#map1 = affine_map<(d0, d1) -> (0, 0)>
module attributes {stable_mosaic.version = 14 : i64} {
  func.func @body(%arg0: i32, %arg1: i32, %arg2: memref<65536xf32, #tpu.memory_space<hbm>>, %arg3: memref<65536xf32, #tpu.memory_space<hbm>>, %arg4: memref<65536xf32, #tpu.memory_space<hbm>>, %arg5: memref<65536x256xf32, #tpu.memory_space<hbm>>, %arg6: memref<8192xf32, #tpu.memory_space<hbm>>, %arg7: memref<512x256xf32, #tpu.memory_space<hbm>>, %arg8: memref<16384xf32, #tpu.memory_space<vmem>>, %arg9: memref<16384xf32, #tpu.memory_space<vmem>>, %arg10: memref<16384xf32, #tpu.memory_space<vmem>>, %arg11: memref<256xf32, #tpu.memory_space<vmem>>, %arg12: memref<16576xi32, #tpu.memory_space<vmem>>, %arg13: memref<24x256xf32, #tpu.memory_space<vmem>>, %arg14: memref<24x256xf32, #tpu.memory_space<vmem>>, %arg15: memref<24x256xf32, #tpu.memory_space<vmem>>, %arg16: memref<24x256xf32, #tpu.memory_space<vmem>>, %arg17: memref<24x256xf32, #tpu.memory_space<vmem>>, %arg18: memref<24x256xf32, #tpu.memory_space<vmem>>, %arg19: memref<24x256xf32, #tpu.memory_space<vmem>>, %arg20: memref<24x256xf32, #tpu.memory_space<vmem>>, %arg21: memref<256xf32, #tpu.memory_space<vmem>>, %arg22: memref<!tpu.dma_semaphore, #tpu.memory_space<semaphore_mem>>, %arg23: memref<!tpu.dma_semaphore, #tpu.memory_space<semaphore_mem>>, %arg24: memref<!tpu.dma_semaphore, #tpu.memory_space<semaphore_mem>>, %arg25: memref<!tpu.dma_semaphore, #tpu.memory_space<semaphore_mem>>, %arg26: memref<!tpu.dma_semaphore, #tpu.memory_space<semaphore_mem>>, %arg27: memref<!tpu.dma_semaphore, #tpu.memory_space<semaphore_mem>>, %arg28: memref<!tpu.dma_semaphore, #tpu.memory_space<semaphore_mem>>, %arg29: memref<!tpu.dma_semaphore, #tpu.memory_space<semaphore_mem>>) attributes {dimension_semantics = [#tpu.dimension_semantics<core_parallel>, #tpu.dimension_semantics<subcore_parallel>], iteration_bounds = array<i64: 2, 16>, scalar_prefetch = 0 : i64, scratch_operands = 22 : i64, tpu.core_type = #tpu.core_type<sc_vector_subcore>, window_params = [{transform_indices = #map}, {transform_indices = #map}, {transform_indices = #map}, {transform_indices = #map1}, {transform_indices = #map}, {transform_indices = #map1}]} {
    %mul3A = arith.constant 2 : i32
    %mul3A_0 = arith.muli %arg1, %mul3A : i32
    %add3A = arith.addi %mul3A_0, %arg0 : i32
    %mul3A_1 = arith.constant 16 : i32
    %mul3A_2 = arith.muli %add3A, %mul3A_1 : i32
    %jit3A = arith.constant 128 : i32
    %div3A = arith.divsi %mul3A_2, %jit3A : i32
    %sign3A = arith.constant 0 : i32
    %sign3A_3 = arith.cmpi sgt, %mul3A_2, %sign3A : i32
    %sign3A_4 = arith.extui %sign3A_3 : i1 to i32
    %sign3A_5 = arith.constant 0 : i32
    %sign3A_6 = arith.cmpi slt, %mul3A_2, %sign3A_5 : i32
    %sign3A_7 = arith.extui %sign3A_6 : i1 to i32
    %sign3A_8 = arith.subi %sign3A_4, %sign3A_7 : i32
    %sign3A_9 = arith.constant 0 : i32
    %sign3A_10 = arith.cmpi sgt, %jit3A, %sign3A_9 : i32
    %sign3A_11 = arith.extui %sign3A_10 : i1 to i32
    %sign3A_12 = arith.constant 0 : i32
    %sign3A_13 = arith.cmpi slt, %jit3A, %sign3A_12 : i32
    %sign3A_14 = arith.extui %sign3A_13 : i1 to i32
    %sign3A_15 = arith.subi %sign3A_11, %sign3A_14 : i32
    %ne3A = arith.cmpi ne, %sign3A_8, %sign3A_15 : i32
    %rem3A = arith.remsi %mul3A_2, %jit3A : i32
    %ne3A_16 = arith.constant 0 : i32
    %ne3A_17 = arith.cmpi ne, %rem3A, %ne3A_16 : i32
    %and3A = arith.andi %ne3A, %ne3A_17 : i1
    %sub3A = arith.constant 1 : i32
    %sub3A_18 = arith.subi %div3A, %sub3A : i32
    %select_n3A = arith.select %and3A, %sub3A_18, %div3A : i32
    %mul3A_19 = arith.constant 16384 : i32
    %mul3A_20 = arith.muli %select_n3A, %mul3A_19 : i32
    "tpu.region"() ({
      %run_scoped3A = tpu.sem_alloc : memref<!tpu.dma_semaphore, #tpu.memory_space<semaphore_mem>>
      %dma_start3A = tpu.memref_slice %arg2[%mul3A_20] : memref<65536xf32, #tpu.memory_space<hbm>> -> memref<16384xf32, #tpu.memory_space<hbm>>
      %dma_start3A_28 = tpu.memref_slice %arg2[%mul3A_20] : memref<65536xf32, #tpu.memory_space<hbm>> -> memref<16384xf32, #tpu.memory_space<hbm>>
      tpu.enqueue_dma source(%dma_start3A_28 : memref<16384xf32, #tpu.memory_space<hbm>>) target(%arg8 : memref<16384xf32, #tpu.memory_space<vmem>>) target_semaphore(%run_scoped3A : memref<!tpu.dma_semaphore, #tpu.memory_space<semaphore_mem>>)
      %dma_wait3A = tpu.memref_slice %arg2[%mul3A_20] : memref<65536xf32, #tpu.memory_space<hbm>> -> memref<16384xf32, #tpu.memory_space<hbm>>
      %dma_wait3A_29 = tpu.memref_slice %arg2[%mul3A_20] : memref<65536xf32, #tpu.memory_space<hbm>> -> memref<16384xf32, #tpu.memory_space<hbm>>
      tpu.wait_dma2 semaphore(%run_scoped3A : memref<!tpu.dma_semaphore, #tpu.memory_space<semaphore_mem>>) src(%dma_wait3A_29 : memref<16384xf32, #tpu.memory_space<hbm>>) dst(%arg8 : memref<16384xf32, #tpu.memory_space<vmem>>)
      tpu.yield
    }) : () -> ()
    "tpu.region"() ({
      %run_scoped3A = tpu.sem_alloc : memref<!tpu.dma_semaphore, #tpu.memory_space<semaphore_mem>>
      %dma_start3A = tpu.memref_slice %arg3[%mul3A_20] : memref<65536xf32, #tpu.memory_space<hbm>> -> memref<16384xf32, #tpu.memory_space<hbm>>
      %dma_start3A_28 = tpu.memref_slice %arg3[%mul3A_20] : memref<65536xf32, #tpu.memory_space<hbm>> -> memref<16384xf32, #tpu.memory_space<hbm>>
      tpu.enqueue_dma source(%dma_start3A_28 : memref<16384xf32, #tpu.memory_space<hbm>>) target(%arg9 : memref<16384xf32, #tpu.memory_space<vmem>>) target_semaphore(%run_scoped3A : memref<!tpu.dma_semaphore, #tpu.memory_space<semaphore_mem>>)
      %dma_wait3A = tpu.memref_slice %arg3[%mul3A_20] : memref<65536xf32, #tpu.memory_space<hbm>> -> memref<16384xf32, #tpu.memory_space<hbm>>
      %dma_wait3A_29 = tpu.memref_slice %arg3[%mul3A_20] : memref<65536xf32, #tpu.memory_space<hbm>> -> memref<16384xf32, #tpu.memory_space<hbm>>
      tpu.wait_dma2 semaphore(%run_scoped3A : memref<!tpu.dma_semaphore, #tpu.memory_space<semaphore_mem>>) src(%dma_wait3A_29 : memref<16384xf32, #tpu.memory_space<hbm>>) dst(%arg9 : memref<16384xf32, #tpu.memory_space<vmem>>)
      tpu.yield
    }) : () -> ()
    "tpu.region"() ({
      %run_scoped3A = tpu.sem_alloc : memref<!tpu.dma_semaphore, #tpu.memory_space<semaphore_mem>>
      %dma_start3A = tpu.memref_slice %arg4[%mul3A_20] : memref<65536xf32, #tpu.memory_space<hbm>> -> memref<16384xf32, #tpu.memory_space<hbm>>
      %dma_start3A_28 = tpu.memref_slice %arg4[%mul3A_20] : memref<65536xf32, #tpu.memory_space<hbm>> -> memref<16384xf32, #tpu.memory_space<hbm>>
      tpu.enqueue_dma source(%dma_start3A_28 : memref<16384xf32, #tpu.memory_space<hbm>>) target(%arg10 : memref<16384xf32, #tpu.memory_space<vmem>>) target_semaphore(%run_scoped3A : memref<!tpu.dma_semaphore, #tpu.memory_space<semaphore_mem>>)
      %dma_wait3A = tpu.memref_slice %arg4[%mul3A_20] : memref<65536xf32, #tpu.memory_space<hbm>> -> memref<16384xf32, #tpu.memory_space<hbm>>
      %dma_wait3A_29 = tpu.memref_slice %arg4[%mul3A_20] : memref<65536xf32, #tpu.memory_space<hbm>> -> memref<16384xf32, #tpu.memory_space<hbm>>
      tpu.wait_dma2 semaphore(%run_scoped3A : memref<!tpu.dma_semaphore, #tpu.memory_space<semaphore_mem>>) src(%dma_wait3A_29 : memref<16384xf32, #tpu.memory_space<hbm>>) dst(%arg10 : memref<16384xf32, #tpu.memory_space<vmem>>)
      tpu.yield
    }) : () -> ()
    %mul3A_21 = arith.constant 16 : i32
    %mul3A_22 = arith.muli %mul3A_2, %mul3A_21 : i32
    "tpu.region"() ({
      %run_scoped3A = tpu.sem_alloc : memref<!tpu.dma_semaphore, #tpu.memory_space<semaphore_mem>>
      %dma_start3A = tpu.memref_slice %arg6[%mul3A_22] : memref<8192xf32, #tpu.memory_space<hbm>> -> memref<256xf32, #tpu.memory_space<hbm>>
      %dma_start3A_28 = tpu.memref_slice %arg6[%mul3A_22] : memref<8192xf32, #tpu.memory_space<hbm>> -> memref<256xf32, #tpu.memory_space<hbm>>
      tpu.enqueue_dma source(%dma_start3A_28 : memref<256xf32, #tpu.memory_space<hbm>>) target(%arg11 : memref<256xf32, #tpu.memory_space<vmem>>) target_semaphore(%run_scoped3A : memref<!tpu.dma_semaphore, #tpu.memory_space<semaphore_mem>>)
      %dma_wait3A = tpu.memref_slice %arg6[%mul3A_22] : memref<8192xf32, #tpu.memory_space<hbm>> -> memref<256xf32, #tpu.memory_space<hbm>>
      %dma_wait3A_29 = tpu.memref_slice %arg6[%mul3A_22] : memref<8192xf32, #tpu.memory_space<hbm>> -> memref<256xf32, #tpu.memory_space<hbm>>
      tpu.wait_dma2 semaphore(%run_scoped3A : memref<!tpu.dma_semaphore, #tpu.memory_space<semaphore_mem>>) src(%dma_wait3A_29 : memref<256xf32, #tpu.memory_space<hbm>>) dst(%arg11 : memref<256xf32, #tpu.memory_space<vmem>>)
      tpu.yield
    }) : () -> ()
    %iota3A = tpu.iota {dimensions = array<i32: 0>} : vector<16xi32>
    %scan3A = arith.constant 0 : i32
    %scan3A_23 = arith.constant 0 : i32
    %scan3A_24 = arith.constant 16 : i32
    %scan3A_25 = arith.addi %scan3A_23, %scan3A_24 : i32
    %scan3A_26 = arith.constant 1 : i32
    scf.for %scan3A_28 = %scan3A_23 to %scan3A_25 step %scan3A_26  : i32 {
      %mul3A_29 = arith.constant 16 : i32
      %mul3A_30 = arith.muli %scan3A_28, %mul3A_29 : i32
      %get3A = arith.index_cast %mul3A_30 : i32 to index
      %get3A_31 = tpu.vector_load %arg11[%get3A] {strides = array<i32>} : memref<256xf32, #tpu.memory_space<vmem>>, vector<16xf32>,
      %slice3A = vector.extract_strided_slice %get3A_31 {offsets = [0], sizes = [1], strides = [1]} : vector<16xf32> to vector<1xf32>
      %squeeze3A = vector.extract %slice3A[0] : f32 from vector<1xf32>
      %slice3A_32 = vector.extract_strided_slice %get3A_31 {offsets = [1], sizes = [1], strides = [1]} : vector<16xf32> to vector<1xf32>
      %squeeze3A_33 = vector.extract %slice3A_32[0] : f32 from vector<1xf32>
      %slice3A_34 = vector.extract_strided_slice %get3A_31 {offsets = [2], sizes = [1], strides = [1]} : vector<16xf32> to vector<1xf32>
      %squeeze3A_35 = vector.extract %slice3A_34[0] : f32 from vector<1xf32>
      %slice3A_36 = vector.extract_strided_slice %get3A_31 {offsets = [3], sizes = [1], strides = [1]} : vector<16xf32> to vector<1xf32>
      %squeeze3A_37 = vector.extract %slice3A_36[0] : f32 from vector<1xf32>
      %slice3A_38 = vector.extract_strided_slice %get3A_31 {offsets = [4], sizes = [1], strides = [1]} : vector<16xf32> to vector<1xf32>
      %squeeze3A_39 = vector.extract %slice3A_38[0] : f32 from vector<1xf32>
      %slice3A_40 = vector.extract_strided_slice %get3A_31 {offsets = [5], sizes = [1], strides = [1]} : vector<16xf32> to vector<1xf32>
      %squeeze3A_41 = vector.extract %slice3A_40[0] : f32 from vector<1xf32>
      %scan3A_42 = arith.constant 0 : i32
      %scan3A_43 = arith.constant 0 : i32
      %scan3A_44 = arith.constant 512 : i32
      %scan3A_45 = arith.addi %scan3A_43, %scan3A_44 : i32
      %scan3A_46 = arith.constant 1 : i32
      %scan3A_47 = scf.for %scan3A_259 = %scan3A_43 to %scan3A_45 step %scan3A_46 iter_args(%scan3A_260 = %scan3A_42) -> (i32)  : i32 {
        %mul3A_261 = arith.constant 2 : i32
        %mul3A_262 = arith.muli %mul3A_261, %scan3A_259 : i32
        %mul3A_263 = arith.constant 16 : i32
        %mul3A_264 = arith.muli %mul3A_262, %mul3A_263 : i32
        %get3A_265 = arith.index_cast %mul3A_264 : i32 to index
        %get3A_266 = tpu.vector_load %arg8[%get3A_265] {strides = array<i32>} : memref<16384xf32, #tpu.memory_space<vmem>>, vector<16xf32>,
        %mul3A_267 = arith.constant 16 : i32
        %mul3A_268 = arith.muli %mul3A_262, %mul3A_267 : i32
        %get3A_269 = arith.index_cast %mul3A_268 : i32 to index
        %get3A_270 = tpu.vector_load %arg9[%get3A_269] {strides = array<i32>} : memref<16384xf32, #tpu.memory_space<vmem>>, vector<16xf32>,
        %mul3A_271 = arith.constant 16 : i32
        %mul3A_272 = arith.muli %mul3A_262, %mul3A_271 : i32
        %get3A_273 = arith.index_cast %mul3A_272 : i32 to index
        %get3A_274 = tpu.vector_load %arg10[%get3A_273] {strides = array<i32>} : memref<16384xf32, #tpu.memory_space<vmem>>, vector<16xf32>,
        %gt3A_275 = vector.broadcast %squeeze3A : f32 to vector<16xf32>
        %gt3A_276 = arith.cmpf ogt, %get3A_266, %gt3A_275 : vector<16xf32>
        %lt3A = vector.broadcast %squeeze3A_33 : f32 to vector<16xf32>
        %lt3A_277 = arith.cmpf olt, %get3A_266, %lt3A : vector<16xf32>
        %and3A_278 = arith.andi %gt3A_276, %lt3A_277 : vector<16xi1>
        %gt3A_279 = vector.broadcast %squeeze3A_35 : f32 to vector<16xf32>
        %gt3A_280 = arith.cmpf ogt, %get3A_270, %gt3A_279 : vector<16xf32>
        %and3A_281 = arith.andi %and3A_278, %gt3A_280 : vector<16xi1>
        %lt3A_282 = vector.broadcast %squeeze3A_37 : f32 to vector<16xf32>
        %lt3A_283 = arith.cmpf olt, %get3A_270, %lt3A_282 : vector<16xf32>
        %and3A_284 = arith.andi %and3A_281, %lt3A_283 : vector<16xi1>
        %gt3A_285 = vector.broadcast %squeeze3A_39 : f32 to vector<16xf32>
        %gt3A_286 = arith.cmpf ogt, %get3A_274, %gt3A_285 : vector<16xf32>
        %and3A_287 = arith.andi %and3A_284, %gt3A_286 : vector<16xi1>
        %lt3A_288 = vector.broadcast %squeeze3A_41 : f32 to vector<16xf32>
        %lt3A_289 = arith.cmpf olt, %get3A_274, %lt3A_288 : vector<16xf32>
        %and3A_290 = arith.andi %and3A_287, %lt3A_289 : vector<16xi1>
        %mul3A_291 = arith.constant 16 : i32
        %mul3A_292 = arith.muli %mul3A_262, %mul3A_291 : i32
        %add3A_293 = arith.addi %mul3A_20, %mul3A_292 : i32
        %add3A_294 = vector.broadcast %add3A_293 : i32 to vector<16xi32>
        %add3A_295 = arith.addi %add3A_294, %iota3A : vector<16xi32>
        %swap3A_296 = arith.index_cast %scan3A_260 : i32 to index
        %swap3A_297 = tpu.vector_load %arg12[%swap3A_296] masked %and3A_290 {strides = array<i32>} : memref<16576xi32, #tpu.memory_space<vmem>>, vector<16xi32>, vector<16xi1>
        tpu.vector_store %arg12[%swap3A_296], %add3A_295 masked %and3A_290 {strides = array<i32>} : memref<16576xi32, #tpu.memory_space<vmem>>, vector<16xi32>, vector<16xi1>
        %all_reduce_population_count3A = tpu.all_reduce %and3A_290 {dim = 0 : i64, kind = #tpu.reduction_kind<sum>} : vector<16xi1> -> vector<16xi32>
        %slice3A_298 = vector.extract_strided_slice %all_reduce_population_count3A {offsets = [0], sizes = [1], strides = [1]} : vector<16xi32> to vector<1xi32>
        %squeeze3A_299 = vector.extract %slice3A_298[0] : i32 from vector<1xi32>
        %add3A_300 = arith.addi %scan3A_260, %squeeze3A_299 : i32
        %mul3A_301 = arith.constant 2 : i32
        %mul3A_302 = arith.muli %mul3A_301, %scan3A_259 : i32
        %add3A_303 = arith.constant 1 : i32
        %add3A_304 = arith.addi %mul3A_302, %add3A_303 : i32
        %mul3A_305 = arith.constant 16 : i32
        %mul3A_306 = arith.muli %add3A_304, %mul3A_305 : i32
        %get3A_307 = arith.index_cast %mul3A_306 : i32 to index
        %get3A_308 = tpu.vector_load %arg8[%get3A_307] {strides = array<i32>} : memref<16384xf32, #tpu.memory_space<vmem>>, vector<16xf32>,
        %mul3A_309 = arith.constant 16 : i32
        %mul3A_310 = arith.muli %add3A_304, %mul3A_309 : i32
        %get3A_311 = arith.index_cast %mul3A_310 : i32 to index
        %get3A_312 = tpu.vector_load %arg9[%get3A_311] {strides = array<i32>} : memref<16384xf32, #tpu.memory_space<vmem>>, vector<16xf32>,
        %mul3A_313 = arith.constant 16 : i32
        %mul3A_314 = arith.muli %add3A_304, %mul3A_313 : i32
        %get3A_315 = arith.index_cast %mul3A_314 : i32 to index
        %get3A_316 = tpu.vector_load %arg10[%get3A_315] {strides = array<i32>} : memref<16384xf32, #tpu.memory_space<vmem>>, vector<16xf32>,
        %gt3A_317 = vector.broadcast %squeeze3A : f32 to vector<16xf32>
        %gt3A_318 = arith.cmpf ogt, %get3A_308, %gt3A_317 : vector<16xf32>
        %lt3A_319 = vector.broadcast %squeeze3A_33 : f32 to vector<16xf32>
        %lt3A_320 = arith.cmpf olt, %get3A_308, %lt3A_319 : vector<16xf32>
        %and3A_321 = arith.andi %gt3A_318, %lt3A_320 : vector<16xi1>
        %gt3A_322 = vector.broadcast %squeeze3A_35 : f32 to vector<16xf32>
        %gt3A_323 = arith.cmpf ogt, %get3A_312, %gt3A_322 : vector<16xf32>
        %and3A_324 = arith.andi %and3A_321, %gt3A_323 : vector<16xi1>
        %lt3A_325 = vector.broadcast %squeeze3A_37 : f32 to vector<16xf32>
        %lt3A_326 = arith.cmpf olt, %get3A_312, %lt3A_325 : vector<16xf32>
        %and3A_327 = arith.andi %and3A_324, %lt3A_326 : vector<16xi1>
        %gt3A_328 = vector.broadcast %squeeze3A_39 : f32 to vector<16xf32>
        %gt3A_329 = arith.cmpf ogt, %get3A_316, %gt3A_328 : vector<16xf32>
        %and3A_330 = arith.andi %and3A_327, %gt3A_329 : vector<16xi1>
        %lt3A_331 = vector.broadcast %squeeze3A_41 : f32 to vector<16xf32>
        %lt3A_332 = arith.cmpf olt, %get3A_316, %lt3A_331 : vector<16xf32>
        %and3A_333 = arith.andi %and3A_330, %lt3A_332 : vector<16xi1>
        %mul3A_334 = arith.constant 16 : i32
        %mul3A_335 = arith.muli %add3A_304, %mul3A_334 : i32
        %add3A_336 = arith.addi %mul3A_20, %mul3A_335 : i32
        %add3A_337 = vector.broadcast %add3A_336 : i32 to vector<16xi32>
        %add3A_338 = arith.addi %add3A_337, %iota3A : vector<16xi32>
        %swap3A_339 = arith.index_cast %add3A_300 : i32 to index
        %swap3A_340 = tpu.vector_load %arg12[%swap3A_339] masked %and3A_333 {strides = array<i32>} : memref<16576xi32, #tpu.memory_space<vmem>>, vector<16xi32>, vector<16xi1>
        tpu.vector_store %arg12[%swap3A_339], %add3A_338 masked %and3A_333 {strides = array<i32>} : memref<16576xi32, #tpu.memory_space<vmem>>, vector<16xi32>, vector<16xi1>
        %all_reduce_population_count3A_341 = tpu.all_reduce %and3A_333 {dim = 0 : i64, kind = #tpu.reduction_kind<sum>} : vector<16xi1> -> vector<16xi32>
        %slice3A_342 = vector.extract_strided_slice %all_reduce_population_count3A_341 {offsets = [0], sizes = [1], strides = [1]} : vector<16xi32> to vector<1xi32>
        %squeeze3A_343 = vector.extract %slice3A_342[0] : i32 from vector<1xi32>
        %add3A_344 = arith.addi %add3A_300, %squeeze3A_343 : i32
        scf.yield %add3A_344 : i32
      }
      %scan3A_48 = arith.constant 512 : i32
      %get3A_49 = arith.constant 0 : index
      %get3A_50 = tpu.vector_load %arg12[%get3A_49] {strides = array<i32>} : memref<16576xi32, #tpu.memory_space<vmem>>, vector<16xi32>,
      %slice3A_51 = vector.extract_strided_slice %get3A_50 {offsets = [0], sizes = [1], strides = [1]} : vector<16xi32> to vector<1xi32>
      %squeeze3A_52 = vector.extract %slice3A_51[0] : i32 from vector<1xi32>
      %mul3A_53 = arith.constant 0 : i32
      %mul3A_54 = vector.broadcast %mul3A_53 : i32 to vector<16xi32>
      %mul3A_55 = arith.muli %iota3A, %mul3A_54 : vector<16xi32>
      %add3A_56 = vector.broadcast %squeeze3A_52 : i32 to vector<16xi32>
      %add3A_57 = arith.addi %add3A_56, %mul3A_55 : vector<16xi32>
      %add3A_58 = arith.constant 0 : i32
      %add3A_59 = arith.addi %scan3A_47, %add3A_58 : i32
      %add3A_60 = vector.broadcast %add3A_59 : i32 to vector<16xi32>
      %add3A_61 = arith.addi %add3A_60, %iota3A : vector<16xi32>
      tpu.vector_store_idx %arg12[%add3A_61], %add3A_57 : memref<16576xi32, #tpu.memory_space<vmem>>[vector<16xi32>], vector<16xi32>,
      %add3A_62 = arith.constant 16 : i32
      %add3A_63 = arith.addi %scan3A_47, %add3A_62 : i32
      %add3A_64 = vector.broadcast %add3A_63 : i32 to vector<16xi32>
      %add3A_65 = arith.addi %add3A_64, %iota3A : vector<16xi32>
      tpu.vector_store_idx %arg12[%add3A_65], %add3A_57 : memref<16576xi32, #tpu.memory_space<vmem>>[vector<16xi32>], vector<16xi32>,
      %add3A_66 = arith.constant 32 : i32
      %add3A_67 = arith.addi %scan3A_47, %add3A_66 : i32
      %add3A_68 = vector.broadcast %add3A_67 : i32 to vector<16xi32>
      %add3A_69 = arith.addi %add3A_68, %iota3A : vector<16xi32>
      tpu.vector_store_idx %arg12[%add3A_69], %add3A_57 : memref<16576xi32, #tpu.memory_space<vmem>>[vector<16xi32>], vector<16xi32>,
      %add3A_70 = arith.constant 48 : i32
      %add3A_71 = arith.addi %scan3A_47, %add3A_70 : i32
      %add3A_72 = vector.broadcast %add3A_71 : i32 to vector<16xi32>
      %add3A_73 = arith.addi %add3A_72, %iota3A : vector<16xi32>
      tpu.vector_store_idx %arg12[%add3A_73], %add3A_57 : memref<16576xi32, #tpu.memory_space<vmem>>[vector<16xi32>], vector<16xi32>,
      %add3A_74 = arith.constant 64 : i32
      %add3A_75 = arith.addi %scan3A_47, %add3A_74 : i32
      %add3A_76 = vector.broadcast %add3A_75 : i32 to vector<16xi32>
      %add3A_77 = arith.addi %add3A_76, %iota3A : vector<16xi32>
      tpu.vector_store_idx %arg12[%add3A_77], %add3A_57 : memref<16576xi32, #tpu.memory_space<vmem>>[vector<16xi32>], vector<16xi32>,
      %add3A_78 = arith.constant 80 : i32
      %add3A_79 = arith.addi %scan3A_47, %add3A_78 : i32
      %add3A_80 = vector.broadcast %add3A_79 : i32 to vector<16xi32>
      %add3A_81 = arith.addi %add3A_80, %iota3A : vector<16xi32>
      tpu.vector_store_idx %arg12[%add3A_81], %add3A_57 : memref<16576xi32, #tpu.memory_space<vmem>>[vector<16xi32>], vector<16xi32>,
      %add3A_82 = arith.constant 96 : i32
      %add3A_83 = arith.addi %scan3A_47, %add3A_82 : i32
      %add3A_84 = vector.broadcast %add3A_83 : i32 to vector<16xi32>
      %add3A_85 = arith.addi %add3A_84, %iota3A : vector<16xi32>
      tpu.vector_store_idx %arg12[%add3A_85], %add3A_57 : memref<16576xi32, #tpu.memory_space<vmem>>[vector<16xi32>], vector<16xi32>,
      %add3A_86 = arith.constant 112 : i32
      %add3A_87 = arith.addi %scan3A_47, %add3A_86 : i32
      %add3A_88 = vector.broadcast %add3A_87 : i32 to vector<16xi32>
      %add3A_89 = arith.addi %add3A_88, %iota3A : vector<16xi32>
      tpu.vector_store_idx %arg12[%add3A_89], %add3A_57 : memref<16576xi32, #tpu.memory_space<vmem>>[vector<16xi32>], vector<16xi32>,
      %add3A_90 = arith.constant 128 : i32
      %add3A_91 = arith.addi %scan3A_47, %add3A_90 : i32
      %add3A_92 = vector.broadcast %add3A_91 : i32 to vector<16xi32>
      %add3A_93 = arith.addi %add3A_92, %iota3A : vector<16xi32>
      tpu.vector_store_idx %arg12[%add3A_93], %add3A_57 : memref<16576xi32, #tpu.memory_space<vmem>>[vector<16xi32>], vector<16xi32>,
      %add3A_94 = arith.constant 144 : i32
      %add3A_95 = arith.addi %scan3A_47, %add3A_94 : i32
      %add3A_96 = vector.broadcast %add3A_95 : i32 to vector<16xi32>
      %add3A_97 = arith.addi %add3A_96, %iota3A : vector<16xi32>
      tpu.vector_store_idx %arg12[%add3A_97], %add3A_57 : memref<16576xi32, #tpu.memory_space<vmem>>[vector<16xi32>], vector<16xi32>,
      %add3A_98 = arith.constant 160 : i32
      %add3A_99 = arith.addi %scan3A_47, %add3A_98 : i32
      %add3A_100 = vector.broadcast %add3A_99 : i32 to vector<16xi32>
      %add3A_101 = arith.addi %add3A_100, %iota3A : vector<16xi32>
      tpu.vector_store_idx %arg12[%add3A_101], %add3A_57 : memref<16576xi32, #tpu.memory_space<vmem>>[vector<16xi32>], vector<16xi32>,
      %add3A_102 = arith.constant 176 : i32
      %add3A_103 = arith.addi %scan3A_47, %add3A_102 : i32
      %add3A_104 = vector.broadcast %add3A_103 : i32 to vector<16xi32>
      %add3A_105 = arith.addi %add3A_104, %iota3A : vector<16xi32>
      tpu.vector_store_idx %arg12[%add3A_105], %add3A_57 : memref<16576xi32, #tpu.memory_space<vmem>>[vector<16xi32>], vector<16xi32>,
      %add3A_106 = arith.constant 191 : i32
      %add3A_107 = arith.addi %scan3A_47, %add3A_106 : i32
      %jit3A_108 = arith.constant 192 : i32
      %div3A_109 = arith.divsi %add3A_107, %jit3A_108 : i32
      %sign3A_110 = arith.constant 0 : i32
      %sign3A_111 = arith.cmpi sgt, %add3A_107, %sign3A_110 : i32
      %sign3A_112 = arith.extui %sign3A_111 : i1 to i32
      %sign3A_113 = arith.constant 0 : i32
      %sign3A_114 = arith.cmpi slt, %add3A_107, %sign3A_113 : i32
      %sign3A_115 = arith.extui %sign3A_114 : i1 to i32
      %sign3A_116 = arith.subi %sign3A_112, %sign3A_115 : i32
      %sign3A_117 = arith.constant 0 : i32
      %sign3A_118 = arith.cmpi sgt, %jit3A_108, %sign3A_117 : i32
      %sign3A_119 = arith.extui %sign3A_118 : i1 to i32
      %sign3A_120 = arith.constant 0 : i32
      %sign3A_121 = arith.cmpi slt, %jit3A_108, %sign3A_120 : i32
      %sign3A_122 = arith.extui %sign3A_121 : i1 to i32
      %sign3A_123 = arith.subi %sign3A_119, %sign3A_122 : i32
      %ne3A_124 = arith.cmpi ne, %sign3A_116, %sign3A_123 : i32
      %rem3A_125 = arith.remsi %add3A_107, %jit3A_108 : i32
      %ne3A_126 = arith.constant 0 : i32
      %ne3A_127 = arith.cmpi ne, %rem3A_125, %ne3A_126 : i32
      %and3A_128 = arith.andi %ne3A_124, %ne3A_127 : i1
      %sub3A_129 = arith.constant 1 : i32
      %sub3A_130 = arith.subi %div3A_109, %sub3A_129 : i32
      %select_n3A_131 = arith.select %and3A_128, %sub3A_130, %div3A_109 : i32
      %mul3A_132 = arith.constant 8 : i32
      %mul3A_133 = arith.muli %mul3A_132, %select_n3A_131 : i32
      %gt3A = arith.constant 0 : i32
      %gt3A_134 = arith.cmpi sgt, %select_n3A_131, %gt3A : i32
      %convert_element_type3A = arith.extui %gt3A_134 : i1 to i32
      %cond3A = arith.constant 0 : i32
      %cond3A_135 = arith.cmpi ne, %convert_element_type3A, %cond3A : i32
      scf.if %cond3A_135 {
        %dma_start3A = arith.constant 0 : i32
        %dma_start3A_259 = tpu.memref_slice %arg12[%dma_start3A] : memref<16576xi32, #tpu.memory_space<vmem>> -> memref<24xi32, #tpu.memory_space<vmem>>
        %dma_start3A_260 = arith.constant 0 : i32
        %dma_start3A_261 = arith.constant 0 : i32
        %dma_start3A_262 = tpu.memref_slice %arg5[%dma_start3A_260, %dma_start3A_261] : memref<65536x256xf32, #tpu.memory_space<hbm>> -> memref<65536x256xf32, #tpu.memory_space<hbm>>
        tpu.enqueue_indirect_dma source(%dma_start3A_262 : memref<65536x256xf32, #tpu.memory_space<hbm>>) target(%arg13 : memref<24x256xf32, #tpu.memory_space<vmem>>) offsets(%dma_start3A_259 : memref<24xi32, #tpu.memory_space<vmem>>) semaphore(%arg22 : memref<!tpu.dma_semaphore, #tpu.memory_space<semaphore_mem>>)
        %dma_start3A_263 = arith.constant 24 : i32
        %dma_start3A_264 = tpu.memref_slice %arg12[%dma_start3A_263] : memref<16576xi32, #tpu.memory_space<vmem>> -> memref<24xi32, #tpu.memory_space<vmem>>
        %dma_start3A_265 = arith.constant 0 : i32
        %dma_start3A_266 = arith.constant 0 : i32
        %dma_start3A_267 = tpu.memref_slice %arg5[%dma_start3A_265, %dma_start3A_266] : memref<65536x256xf32, #tpu.memory_space<hbm>> -> memref<65536x256xf32, #tpu.memory_space<hbm>>
        tpu.enqueue_indirect_dma source(%dma_start3A_267 : memref<65536x256xf32, #tpu.memory_space<hbm>>) target(%arg14 : memref<24x256xf32, #tpu.memory_space<vmem>>) offsets(%dma_start3A_264 : memref<24xi32, #tpu.memory_space<vmem>>) semaphore(%arg23 : memref<!tpu.dma_semaphore, #tpu.memory_space<semaphore_mem>>)
        %dma_start3A_268 = arith.constant 48 : i32
        %dma_start3A_269 = tpu.memref_slice %arg12[%dma_start3A_268] : memref<16576xi32, #tpu.memory_space<vmem>> -> memref<24xi32, #tpu.memory_space<vmem>>
        %dma_start3A_270 = arith.constant 0 : i32
        %dma_start3A_271 = arith.constant 0 : i32
        %dma_start3A_272 = tpu.memref_slice %arg5[%dma_start3A_270, %dma_start3A_271] : memref<65536x256xf32, #tpu.memory_space<hbm>> -> memref<65536x256xf32, #tpu.memory_space<hbm>>
        tpu.enqueue_indirect_dma source(%dma_start3A_272 : memref<65536x256xf32, #tpu.memory_space<hbm>>) target(%arg15 : memref<24x256xf32, #tpu.memory_space<vmem>>) offsets(%dma_start3A_269 : memref<24xi32, #tpu.memory_space<vmem>>) semaphore(%arg24 : memref<!tpu.dma_semaphore, #tpu.memory_space<semaphore_mem>>)
        %dma_start3A_273 = arith.constant 72 : i32
        %dma_start3A_274 = tpu.memref_slice %arg12[%dma_start3A_273] : memref<16576xi32, #tpu.memory_space<vmem>> -> memref<24xi32, #tpu.memory_space<vmem>>
        %dma_start3A_275 = arith.constant 0 : i32
        %dma_start3A_276 = arith.constant 0 : i32
        %dma_start3A_277 = tpu.memref_slice %arg5[%dma_start3A_275, %dma_start3A_276] : memref<65536x256xf32, #tpu.memory_space<hbm>> -> memref<65536x256xf32, #tpu.memory_space<hbm>>
        tpu.enqueue_indirect_dma source(%dma_start3A_277 : memref<65536x256xf32, #tpu.memory_space<hbm>>) target(%arg16 : memref<24x256xf32, #tpu.memory_space<vmem>>) offsets(%dma_start3A_274 : memref<24xi32, #tpu.memory_space<vmem>>) semaphore(%arg25 : memref<!tpu.dma_semaphore, #tpu.memory_space<semaphore_mem>>)
        %dma_start3A_278 = arith.constant 96 : i32
        %dma_start3A_279 = tpu.memref_slice %arg12[%dma_start3A_278] : memref<16576xi32, #tpu.memory_space<vmem>> -> memref<24xi32, #tpu.memory_space<vmem>>
        %dma_start3A_280 = arith.constant 0 : i32
        %dma_start3A_281 = arith.constant 0 : i32
        %dma_start3A_282 = tpu.memref_slice %arg5[%dma_start3A_280, %dma_start3A_281] : memref<65536x256xf32, #tpu.memory_space<hbm>> -> memref<65536x256xf32, #tpu.memory_space<hbm>>
        tpu.enqueue_indirect_dma source(%dma_start3A_282 : memref<65536x256xf32, #tpu.memory_space<hbm>>) target(%arg17 : memref<24x256xf32, #tpu.memory_space<vmem>>) offsets(%dma_start3A_279 : memref<24xi32, #tpu.memory_space<vmem>>) semaphore(%arg26 : memref<!tpu.dma_semaphore, #tpu.memory_space<semaphore_mem>>)
        %dma_start3A_283 = arith.constant 120 : i32
        %dma_start3A_284 = tpu.memref_slice %arg12[%dma_start3A_283] : memref<16576xi32, #tpu.memory_space<vmem>> -> memref<24xi32, #tpu.memory_space<vmem>>
        %dma_start3A_285 = arith.constant 0 : i32
        %dma_start3A_286 = arith.constant 0 : i32
        %dma_start3A_287 = tpu.memref_slice %arg5[%dma_start3A_285, %dma_start3A_286] : memref<65536x256xf32, #tpu.memory_space<hbm>> -> memref<65536x256xf32, #tpu.memory_space<hbm>>
        tpu.enqueue_indirect_dma source(%dma_start3A_287 : memref<65536x256xf32, #tpu.memory_space<hbm>>) target(%arg18 : memref<24x256xf32, #tpu.memory_space<vmem>>) offsets(%dma_start3A_284 : memref<24xi32, #tpu.memory_space<vmem>>) semaphore(%arg27 : memref<!tpu.dma_semaphore, #tpu.memory_space<semaphore_mem>>)
        %dma_start3A_288 = arith.constant 144 : i32
        %dma_start3A_289 = tpu.memref_slice %arg12[%dma_start3A_288] : memref<16576xi32, #tpu.memory_space<vmem>> -> memref<24xi32, #tpu.memory_space<vmem>>
        %dma_start3A_290 = arith.constant 0 : i32
        %dma_start3A_291 = arith.constant 0 : i32
        %dma_start3A_292 = tpu.memref_slice %arg5[%dma_start3A_290, %dma_start3A_291] : memref<65536x256xf32, #tpu.memory_space<hbm>> -> memref<65536x256xf32, #tpu.memory_space<hbm>>
        tpu.enqueue_indirect_dma source(%dma_start3A_292 : memref<65536x256xf32, #tpu.memory_space<hbm>>) target(%arg19 : memref<24x256xf32, #tpu.memory_space<vmem>>) offsets(%dma_start3A_289 : memref<24xi32, #tpu.memory_space<vmem>>) semaphore(%arg28 : memref<!tpu.dma_semaphore, #tpu.memory_space<semaphore_mem>>)
      } else {
      }
      %broadcast_in_dim3A = arith.constant 0xFF800000 : f32
      %broadcast_in_dim3A_136 = vector.broadcast %broadcast_in_dim3A : f32 to vector<16xf32>
      %broadcast_in_dim3A_137 = arith.constant 0xFF800000 : f32
      %broadcast_in_dim3A_138 = vector.broadcast %broadcast_in_dim3A_137 : f32 to vector<16xf32>
      %broadcast_in_dim3A_139 = arith.constant 0xFF800000 : f32
      %broadcast_in_dim3A_140 = vector.broadcast %broadcast_in_dim3A_139 : f32 to vector<16xf32>
      %broadcast_in_dim3A_141 = arith.constant 0xFF800000 : f32
      %broadcast_in_dim3A_142 = vector.broadcast %broadcast_in_dim3A_141 : f32 to vector<16xf32>
      %broadcast_in_dim3A_143 = arith.constant 0xFF800000 : f32
      %broadcast_in_dim3A_144 = vector.broadcast %broadcast_in_dim3A_143 : f32 to vector<16xf32>
      %broadcast_in_dim3A_145 = arith.constant 0xFF800000 : f32
      %broadcast_in_dim3A_146 = vector.broadcast %broadcast_in_dim3A_145 : f32 to vector<16xf32>
      %broadcast_in_dim3A_147 = arith.constant 0xFF800000 : f32
      %broadcast_in_dim3A_148 = vector.broadcast %broadcast_in_dim3A_147 : f32 to vector<16xf32>
      %broadcast_in_dim3A_149 = arith.constant 0xFF800000 : f32
      %broadcast_in_dim3A_150 = vector.broadcast %broadcast_in_dim3A_149 : f32 to vector<16xf32>
      %broadcast_in_dim3A_151 = arith.constant 0xFF800000 : f32
      %broadcast_in_dim3A_152 = vector.broadcast %broadcast_in_dim3A_151 : f32 to vector<16xf32>
      %broadcast_in_dim3A_153 = arith.constant 0xFF800000 : f32
      %broadcast_in_dim3A_154 = vector.broadcast %broadcast_in_dim3A_153 : f32 to vector<16xf32>
      %broadcast_in_dim3A_155 = arith.constant 0xFF800000 : f32
      %broadcast_in_dim3A_156 = vector.broadcast %broadcast_in_dim3A_155 : f32 to vector<16xf32>
      %broadcast_in_dim3A_157 = arith.constant 0xFF800000 : f32
      %broadcast_in_dim3A_158 = vector.broadcast %broadcast_in_dim3A_157 : f32 to vector<16xf32>
      %broadcast_in_dim3A_159 = arith.constant 0xFF800000 : f32
      %broadcast_in_dim3A_160 = vector.broadcast %broadcast_in_dim3A_159 : f32 to vector<16xf32>
      %broadcast_in_dim3A_161 = arith.constant 0xFF800000 : f32
      %broadcast_in_dim3A_162 = vector.broadcast %broadcast_in_dim3A_161 : f32 to vector<16xf32>
      %broadcast_in_dim3A_163 = arith.constant 0xFF800000 : f32
      %broadcast_in_dim3A_164 = vector.broadcast %broadcast_in_dim3A_163 : f32 to vector<16xf32>
      %broadcast_in_dim3A_165 = arith.constant 0xFF800000 : f32
      %broadcast_in_dim3A_166 = vector.broadcast %broadcast_in_dim3A_165 : f32 to vector<16xf32>
      %while3A = arith.constant 0 : i32
      %while3A_167 = arith.subi %select_n3A_131, %while3A : i32
      %while3A_168 = arith.addi %while3A, %while3A_167 : i32
      %while3A_169 = arith.constant 1 : i32
      %while3A_170 = arith.divsi %while3A_167, %while3A_169 : i32
      %while3A_171 = arith.muli %while3A_170, %while3A_169 : i32
      %while3A_172 = arith.addi %while3A, %while3A_171 : i32
      %while3A_173 = arith.constant 1 : i32
      %while3A_174:16 = scf.for %while3A_259 = %while3A to %while3A_172 step %while3A_173 iter_args(%while3A_260 = %broadcast_in_dim3A_136, %while3A_261 = %broadcast_in_dim3A_138, %while3A_262 = %broadcast_in_dim3A_140, %while3A_263 = %broadcast_in_dim3A_142, %while3A_264 = %broadcast_in_dim3A_144, %while3A_265 = %broadcast_in_dim3A_146, %while3A_266 = %broadcast_in_dim3A_148, %while3A_267 = %broadcast_in_dim3A_150, %while3A_268 = %broadcast_in_dim3A_152, %while3A_269 = %broadcast_in_dim3A_154, %while3A_270 = %broadcast_in_dim3A_156, %while3A_271 = %broadcast_in_dim3A_158, %while3A_272 = %broadcast_in_dim3A_160, %while3A_273 = %broadcast_in_dim3A_162, %while3A_274 = %broadcast_in_dim3A_164, %while3A_275 = %broadcast_in_dim3A_166) -> (vector<16xf32>, vector<16xf32>, vector<16xf32>, vector<16xf32>, vector<16xf32>, vector<16xf32>, vector<16xf32>, vector<16xf32>, vector<16xf32>, vector<16xf32>, vector<16xf32>, vector<16xf32>, vector<16xf32>, vector<16xf32>, vector<16xf32>, vector<16xf32>)  : i32 {
        %mul3A_276 = arith.constant 8 : i32
        %mul3A_277 = arith.muli %mul3A_276, %while3A_259 : i32
        %add3A_278 = arith.constant 8 : i32
        %add3A_279 = arith.addi %mul3A_277, %add3A_278 : i32
        %sub3A_280 = arith.constant 1 : i32
        %sub3A_281 = arith.subi %add3A_279, %sub3A_280 : i32
        %mul3A_282 = arith.constant 24 : i32
        %mul3A_283 = arith.muli %sub3A_281, %mul3A_282 : i32
        %dma_start3A = tpu.memref_slice %arg12[%mul3A_283] : memref<16576xi32, #tpu.memory_space<vmem>> -> memref<24xi32, #tpu.memory_space<vmem>>
        %dma_start3A_284 = arith.constant 0 : i32
        %dma_start3A_285 = arith.constant 0 : i32
        %dma_start3A_286 = tpu.memref_slice %arg5[%dma_start3A_284, %dma_start3A_285] : memref<65536x256xf32, #tpu.memory_space<hbm>> -> memref<65536x256xf32, #tpu.memory_space<hbm>>
        tpu.enqueue_indirect_dma source(%dma_start3A_286 : memref<65536x256xf32, #tpu.memory_space<hbm>>) target(%arg20 : memref<24x256xf32, #tpu.memory_space<vmem>>) offsets(%dma_start3A : memref<24xi32, #tpu.memory_space<vmem>>) semaphore(%arg29 : memref<!tpu.dma_semaphore, #tpu.memory_space<semaphore_mem>>)
        %add3A_287 = arith.constant 0 : i32
        %add3A_288 = arith.addi %mul3A_277, %add3A_287 : i32
        %mul3A_289 = arith.constant 24 : i32
        %mul3A_290 = arith.muli %add3A_288, %mul3A_289 : i32
        %dma_wait3A = tpu.memref_slice %arg12[%mul3A_290] : memref<16576xi32, #tpu.memory_space<vmem>> -> memref<24xi32, #tpu.memory_space<vmem>>
        %dma_wait3A_291 = arith.constant 0 : i32
        %dma_wait3A_292 = arith.constant 0 : i32
        %dma_wait3A_293 = tpu.memref_slice %arg5[%dma_wait3A_291, %dma_wait3A_292] : memref<65536x256xf32, #tpu.memory_space<hbm>> -> memref<65536x256xf32, #tpu.memory_space<hbm>>
        tpu.wait_indirect_dma semaphore(%arg22 : memref<!tpu.dma_semaphore, #tpu.memory_space<semaphore_mem>>) src(%dma_wait3A_293 : memref<65536x256xf32, #tpu.memory_space<hbm>>) dst(%arg13 : memref<24x256xf32, #tpu.memory_space<vmem>>)
        %scan3A_294 = arith.constant 0 : i32
        %scan3A_295 = arith.constant 24 : i32
        %scan3A_296 = arith.addi %scan3A_294, %scan3A_295 : i32
        %scan3A_297 = arith.constant 1 : i32
        %scan3A_298:16 = scf.for %scan3A_453 = %scan3A_294 to %scan3A_296 step %scan3A_297 iter_args(%scan3A_454 = %while3A_260, %scan3A_455 = %while3A_261, %scan3A_456 = %while3A_262, %scan3A_457 = %while3A_263, %scan3A_458 = %while3A_264, %scan3A_459 = %while3A_265, %scan3A_460 = %while3A_266, %scan3A_461 = %while3A_267, %scan3A_462 = %while3A_268, %scan3A_463 = %while3A_269, %scan3A_464 = %while3A_270, %scan3A_465 = %while3A_271, %scan3A_466 = %while3A_272, %scan3A_467 = %while3A_273, %scan3A_468 = %while3A_274, %scan3A_469 = %while3A_275) -> (vector<16xf32>, vector<16xf32>, vector<16xf32>, vector<16xf32>, vector<16xf32>, vector<16xf32>, vector<16xf32>, vector<16xf32>, vector<16xf32>, vector<16xf32>, vector<16xf32>, vector<16xf32>, vector<16xf32>, vector<16xf32>, vector<16xf32>, vector<16xf32>)  : i32 {
          %get3A_470 = arith.index_cast %scan3A_453 : i32 to index
          %get3A_471 = arith.constant 0 : index
          %get3A_472 = tpu.vector_load %arg13[%get3A_470, %get3A_471] {strides = array<i32>} : memref<24x256xf32, #tpu.memory_space<vmem>>, vector<16xf32>,
          %max3A = arith.maximumf %scan3A_454, %get3A_472 : vector<16xf32>
          %get3A_473 = arith.index_cast %scan3A_453 : i32 to index
          %get3A_474 = arith.constant 16 : index
          %get3A_475 = tpu.vector_load %arg13[%get3A_473, %get3A_474] {strides = array<i32>} : memref<24x256xf32, #tpu.memory_space<vmem>>, vector<16xf32>,
          %max3A_476 = arith.maximumf %scan3A_455, %get3A_475 : vector<16xf32>
          %get3A_477 = arith.index_cast %scan3A_453 : i32 to index
          %get3A_478 = arith.constant 32 : index
          %get3A_479 = tpu.vector_load %arg13[%get3A_477, %get3A_478] {strides = array<i32>} : memref<24x256xf32, #tpu.memory_space<vmem>>, vector<16xf32>,
          %max3A_480 = arith.maximumf %scan3A_456, %get3A_479 : vector<16xf32>
          %get3A_481 = arith.index_cast %scan3A_453 : i32 to index
          %get3A_482 = arith.constant 48 : index
          %get3A_483 = tpu.vector_load %arg13[%get3A_481, %get3A_482] {strides = array<i32>} : memref<24x256xf32, #tpu.memory_space<vmem>>, vector<16xf32>,
          %max3A_484 = arith.maximumf %scan3A_457, %get3A_483 : vector<16xf32>
          %get3A_485 = arith.index_cast %scan3A_453 : i32 to index
          %get3A_486 = arith.constant 64 : index
          %get3A_487 = tpu.vector_load %arg13[%get3A_485, %get3A_486] {strides = array<i32>} : memref<24x256xf32, #tpu.memory_space<vmem>>, vector<16xf32>,
          %max3A_488 = arith.maximumf %scan3A_458, %get3A_487 : vector<16xf32>
          %get3A_489 = arith.index_cast %scan3A_453 : i32 to index
          %get3A_490 = arith.constant 80 : index
          %get3A_491 = tpu.vector_load %arg13[%get3A_489, %get3A_490] {strides = array<i32>} : memref<24x256xf32, #tpu.memory_space<vmem>>, vector<16xf32>,
          %max3A_492 = arith.maximumf %scan3A_459, %get3A_491 : vector<16xf32>
          %get3A_493 = arith.index_cast %scan3A_453 : i32 to index
          %get3A_494 = arith.constant 96 : index
          %get3A_495 = tpu.vector_load %arg13[%get3A_493, %get3A_494] {strides = array<i32>} : memref<24x256xf32, #tpu.memory_space<vmem>>, vector<16xf32>,
          %max3A_496 = arith.maximumf %scan3A_460, %get3A_495 : vector<16xf32>
          %get3A_497 = arith.index_cast %scan3A_453 : i32 to index
          %get3A_498 = arith.constant 112 : index
          %get3A_499 = tpu.vector_load %arg13[%get3A_497, %get3A_498] {strides = array<i32>} : memref<24x256xf32, #tpu.memory_space<vmem>>, vector<16xf32>,
          %max3A_500 = arith.maximumf %scan3A_461, %get3A_499 : vector<16xf32>
          %get3A_501 = arith.index_cast %scan3A_453 : i32 to index
          %get3A_502 = arith.constant 128 : index
          %get3A_503 = tpu.vector_load %arg13[%get3A_501, %get3A_502] {strides = array<i32>} : memref<24x256xf32, #tpu.memory_space<vmem>>, vector<16xf32>,
          %max3A_504 = arith.maximumf %scan3A_462, %get3A_503 : vector<16xf32>
          %get3A_505 = arith.index_cast %scan3A_453 : i32 to index
          %get3A_506 = arith.constant 144 : index
          %get3A_507 = tpu.vector_load %arg13[%get3A_505, %get3A_506] {strides = array<i32>} : memref<24x256xf32, #tpu.memory_space<vmem>>, vector<16xf32>,
          %max3A_508 = arith.maximumf %scan3A_463, %get3A_507 : vector<16xf32>
          %get3A_509 = arith.index_cast %scan3A_453 : i32 to index
          %get3A_510 = arith.constant 160 : index
          %get3A_511 = tpu.vector_load %arg13[%get3A_509, %get3A_510] {strides = array<i32>} : memref<24x256xf32, #tpu.memory_space<vmem>>, vector<16xf32>,
          %max3A_512 = arith.maximumf %scan3A_464, %get3A_511 : vector<16xf32>
          %get3A_513 = arith.index_cast %scan3A_453 : i32 to index
          %get3A_514 = arith.constant 176 : index
          %get3A_515 = tpu.vector_load %arg13[%get3A_513, %get3A_514] {strides = array<i32>} : memref<24x256xf32, #tpu.memory_space<vmem>>, vector<16xf32>,
          %max3A_516 = arith.maximumf %scan3A_465, %get3A_515 : vector<16xf32>
          %get3A_517 = arith.index_cast %scan3A_453 : i32 to index
          %get3A_518 = arith.constant 192 : index
          %get3A_519 = tpu.vector_load %arg13[%get3A_517, %get3A_518] {strides = array<i32>} : memref<24x256xf32, #tpu.memory_space<vmem>>, vector<16xf32>,
          %max3A_520 = arith.maximumf %scan3A_466, %get3A_519 : vector<16xf32>
          %get3A_521 = arith.index_cast %scan3A_453 : i32 to index
          %get3A_522 = arith.constant 208 : index
          %get3A_523 = tpu.vector_load %arg13[%get3A_521, %get3A_522] {strides = array<i32>} : memref<24x256xf32, #tpu.memory_space<vmem>>, vector<16xf32>,
          %max3A_524 = arith.maximumf %scan3A_467, %get3A_523 : vector<16xf32>
          %get3A_525 = arith.index_cast %scan3A_453 : i32 to index
          %get3A_526 = arith.constant 224 : index
          %get3A_527 = tpu.vector_load %arg13[%get3A_525, %get3A_526] {strides = array<i32>} : memref<24x256xf32, #tpu.memory_space<vmem>>, vector<16xf32>,
          %max3A_528 = arith.maximumf %scan3A_468, %get3A_527 : vector<16xf32>
          %get3A_529 = arith.index_cast %scan3A_453 : i32 to index
          %get3A_530 = arith.constant 240 : index
          %get3A_531 = tpu.vector_load %arg13[%get3A_529, %get3A_530] {strides = array<i32>} : memref<24x256xf32, #tpu.memory_space<vmem>>, vector<16xf32>,
          %max3A_532 = arith.maximumf %scan3A_469, %get3A_531 : vector<16xf32>
          scf.yield %max3A, %max3A_476, %max3A_480, %max3A_484, %max3A_488, %max3A_492, %max3A_496, %max3A_500, %max3A_504, %max3A_508, %max3A_512, %max3A_516, %max3A_520, %max3A_524, %max3A_528, %max3A_532 : vector<16xf32>, vector<16xf32>, vector<16xf32>, vector<16xf32>, vector<16xf32>, vector<16xf32>, vector<16xf32>, vector<16xf32>, vector<16xf32>, vector<16xf32>, vector<16xf32>, vector<16xf32>, vector<16xf32>, vector<16xf32>, vector<16xf32>, vector<16xf32>
        }
        %scan3A_299 = arith.constant 24 : i32
        %add3A_300 = arith.constant 8 : i32
        %add3A_301 = arith.addi %mul3A_277, %add3A_300 : i32
        %add3A_302 = arith.constant 0 : i32
        %add3A_303 = arith.addi %add3A_301, %add3A_302 : i32
        %lt3A = arith.cmpi slt, %add3A_303, %mul3A_133 : i32
        %convert_element_type3A_304 = arith.extui %lt3A : i1 to i32
        %cond3A_305 = arith.constant 0 : i32
        %cond3A_306 = arith.cmpi ne, %convert_element_type3A_304, %cond3A_305 : i32
        scf.if %cond3A_306 {
          %mul3A_453 = arith.constant 24 : i32
          %mul3A_454 = arith.muli %add3A_303, %mul3A_453 : i32
          %dma_start3A_455 = tpu.memref_slice %arg12[%mul3A_454] : memref<16576xi32, #tpu.memory_space<vmem>> -> memref<24xi32, #tpu.memory_space<vmem>>
          %dma_start3A_456 = arith.constant 0 : i32
          %dma_start3A_457 = arith.constant 0 : i32
          %dma_start3A_458 = tpu.memref_slice %arg5[%dma_start3A_456, %dma_start3A_457] : memref<65536x256xf32, #tpu.memory_space<hbm>> -> memref<65536x256xf32, #tpu.memory_space<hbm>>
          tpu.enqueue_indirect_dma source(%dma_start3A_458 : memref<65536x256xf32, #tpu.memory_space<hbm>>) target(%arg13 : memref<24x256xf32, #tpu.memory_space<vmem>>) offsets(%dma_start3A_455 : memref<24xi32, #tpu.memory_space<vmem>>) semaphore(%arg22 : memref<!tpu.dma_semaphore, #tpu.memory_space<semaphore_mem>>)
        } else {
        }
        %add3A_307 = arith.constant 1 : i32
        %add3A_308 = arith.addi %mul3A_277, %add3A_307 : i32
        %mul3A_309 = arith.constant 24 : i32
        %mul3A_310 = arith.muli %add3A_308, %mul3A_309 : i32
        %dma_wait3A_311 = tpu.memref_slice %arg12[%mul3A_310] : memref<16576xi32, #tpu.memory_space<vmem>> -> memref<24xi32, #tpu.memory_space<vmem>>
        %dma_wait3A_312 = arith.constant 0 : i32
        %dma_wait3A_313 = arith.constant 0 : i32
        %dma_wait3A_314 = tpu.memref_slice %arg5[%dma_wait3A_312, %dma_wait3A_313] : memref<65536x256xf32, #tpu.memory_space<hbm>> -> memref<65536x256xf32, #tpu.memory_space<hbm>>
        tpu.wait_indirect_dma semaphore(%arg23 : memref<!tpu.dma_semaphore, #tpu.memory_space<semaphore_mem>>) src(%dma_wait3A_314 : memref<65536x256xf32, #tpu.memory_space<hbm>>) dst(%arg14 : memref<24x256xf32, #tpu.memory_space<vmem>>)
        %scan3A_315 = arith.constant 0 : i32
        %scan3A_316 = arith.constant 24 : i32
        %scan3A_317 = arith.addi %scan3A_315, %scan3A_316 : i32
        %scan3A_318 = arith.constant 1 : i32
        %scan3A_319:16 = scf.for %scan3A_453 = %scan3A_315 to %scan3A_317 step %scan3A_318 iter_args(%scan3A_454 = %scan3A_298#0, %scan3A_455 = %scan3A_298#1, %scan3A_456 = %scan3A_298#2, %scan3A_457 = %scan3A_298#3, %scan3A_458 = %scan3A_298#4, %scan3A_459 = %scan3A_298#5, %scan3A_460 = %scan3A_298#6, %scan3A_461 = %scan3A_298#7, %scan3A_462 = %scan3A_298#8, %scan3A_463 = %scan3A_298#9, %scan3A_464 = %scan3A_298#10, %scan3A_465 = %scan3A_298#11, %scan3A_466 = %scan3A_298#12, %scan3A_467 = %scan3A_298#13, %scan3A_468 = %scan3A_298#14, %scan3A_469 = %scan3A_298#15) -> (vector<16xf32>, vector<16xf32>, vector<16xf32>, vector<16xf32>, vector<16xf32>, vector<16xf32>, vector<16xf32>, vector<16xf32>, vector<16xf32>, vector<16xf32>, vector<16xf32>, vector<16xf32>, vector<16xf32>, vector<16xf32>, vector<16xf32>, vector<16xf32>)  : i32 {
          %get3A_470 = arith.index_cast %scan3A_453 : i32 to index
          %get3A_471 = arith.constant 0 : index
          %get3A_472 = tpu.vector_load %arg14[%get3A_470, %get3A_471] {strides = array<i32>} : memref<24x256xf32, #tpu.memory_space<vmem>>, vector<16xf32>,
          %max3A = arith.maximumf %scan3A_454, %get3A_472 : vector<16xf32>
          %get3A_473 = arith.index_cast %scan3A_453 : i32 to index
          %get3A_474 = arith.constant 16 : index
          %get3A_475 = tpu.vector_load %arg14[%get3A_473, %get3A_474] {strides = array<i32>} : memref<24x256xf32, #tpu.memory_space<vmem>>, vector<16xf32>,
          %max3A_476 = arith.maximumf %scan3A_455, %get3A_475 : vector<16xf32>
          %get3A_477 = arith.index_cast %scan3A_453 : i32 to index
          %get3A_478 = arith.constant 32 : index
          %get3A_479 = tpu.vector_load %arg14[%get3A_477, %get3A_478] {strides = array<i32>} : memref<24x256xf32, #tpu.memory_space<vmem>>, vector<16xf32>,
          %max3A_480 = arith.maximumf %scan3A_456, %get3A_479 : vector<16xf32>
          %get3A_481 = arith.index_cast %scan3A_453 : i32 to index
          %get3A_482 = arith.constant 48 : index
          %get3A_483 = tpu.vector_load %arg14[%get3A_481, %get3A_482] {strides = array<i32>} : memref<24x256xf32, #tpu.memory_space<vmem>>, vector<16xf32>,
          %max3A_484 = arith.maximumf %scan3A_457, %get3A_483 : vector<16xf32>
          %get3A_485 = arith.index_cast %scan3A_453 : i32 to index
          %get3A_486 = arith.constant 64 : index
          %get3A_487 = tpu.vector_load %arg14[%get3A_485, %get3A_486] {strides = array<i32>} : memref<24x256xf32, #tpu.memory_space<vmem>>, vector<16xf32>,
          %max3A_488 = arith.maximumf %scan3A_458, %get3A_487 : vector<16xf32>
          %get3A_489 = arith.index_cast %scan3A_453 : i32 to index
          %get3A_490 = arith.constant 80 : index
          %get3A_491 = tpu.vector_load %arg14[%get3A_489, %get3A_490] {strides = array<i32>} : memref<24x256xf32, #tpu.memory_space<vmem>>, vector<16xf32>,
          %max3A_492 = arith.maximumf %scan3A_459, %get3A_491 : vector<16xf32>
          %get3A_493 = arith.index_cast %scan3A_453 : i32 to index
          %get3A_494 = arith.constant 96 : index
          %get3A_495 = tpu.vector_load %arg14[%get3A_493, %get3A_494] {strides = array<i32>} : memref<24x256xf32, #tpu.memory_space<vmem>>, vector<16xf32>,
          %max3A_496 = arith.maximumf %scan3A_460, %get3A_495 : vector<16xf32>
          %get3A_497 = arith.index_cast %scan3A_453 : i32 to index
          %get3A_498 = arith.constant 112 : index
          %get3A_499 = tpu.vector_load %arg14[%get3A_497, %get3A_498] {strides = array<i32>} : memref<24x256xf32, #tpu.memory_space<vmem>>, vector<16xf32>,
          %max3A_500 = arith.maximumf %scan3A_461, %get3A_499 : vector<16xf32>
          %get3A_501 = arith.index_cast %scan3A_453 : i32 to index
          %get3A_502 = arith.constant 128 : index
          %get3A_503 = tpu.vector_load %arg14[%get3A_501, %get3A_502] {strides = array<i32>} : memref<24x256xf32, #tpu.memory_space<vmem>>, vector<16xf32>,
          %max3A_504 = arith.maximumf %scan3A_462, %get3A_503 : vector<16xf32>
          %get3A_505 = arith.index_cast %scan3A_453 : i32 to index
          %get3A_506 = arith.constant 144 : index
          %get3A_507 = tpu.vector_load %arg14[%get3A_505, %get3A_506] {strides = array<i32>} : memref<24x256xf32, #tpu.memory_space<vmem>>, vector<16xf32>,
          %max3A_508 = arith.maximumf %scan3A_463, %get3A_507 : vector<16xf32>
          %get3A_509 = arith.index_cast %scan3A_453 : i32 to index
          %get3A_510 = arith.constant 160 : index
          %get3A_511 = tpu.vector_load %arg14[%get3A_509, %get3A_510] {strides = array<i32>} : memref<24x256xf32, #tpu.memory_space<vmem>>, vector<16xf32>,
          %max3A_512 = arith.maximumf %scan3A_464, %get3A_511 : vector<16xf32>
          %get3A_513 = arith.index_cast %scan3A_453 : i32 to index
          %get3A_514 = arith.constant 176 : index
          %get3A_515 = tpu.vector_load %arg14[%get3A_513, %get3A_514] {strides = array<i32>} : memref<24x256xf32, #tpu.memory_space<vmem>>, vector<16xf32>,
          %max3A_516 = arith.maximumf %scan3A_465, %get3A_515 : vector<16xf32>
          %get3A_517 = arith.index_cast %scan3A_453 : i32 to index
          %get3A_518 = arith.constant 192 : index
          %get3A_519 = tpu.vector_load %arg14[%get3A_517, %get3A_518] {strides = array<i32>} : memref<24x256xf32, #tpu.memory_space<vmem>>, vector<16xf32>,
          %max3A_520 = arith.maximumf %scan3A_466, %get3A_519 : vector<16xf32>
          %get3A_521 = arith.index_cast %scan3A_453 : i32 to index
          %get3A_522 = arith.constant 208 : index
          %get3A_523 = tpu.vector_load %arg14[%get3A_521, %get3A_522] {strides = array<i32>} : memref<24x256xf32, #tpu.memory_space<vmem>>, vector<16xf32>,
          %max3A_524 = arith.maximumf %scan3A_467, %get3A_523 : vector<16xf32>
          %get3A_525 = arith.index_cast %scan3A_453 : i32 to index
          %get3A_526 = arith.constant 224 : index
          %get3A_527 = tpu.vector_load %arg14[%get3A_525, %get3A_526] {strides = array<i32>} : memref<24x256xf32, #tpu.memory_space<vmem>>, vector<16xf32>,
          %max3A_528 = arith.maximumf %scan3A_468, %get3A_527 : vector<16xf32>
          %get3A_529 = arith.index_cast %scan3A_453 : i32 to index
          %get3A_530 = arith.constant 240 : index
          %get3A_531 = tpu.vector_load %arg14[%get3A_529, %get3A_530] {strides = array<i32>} : memref<24x256xf32, #tpu.memory_space<vmem>>, vector<16xf32>,
          %max3A_532 = arith.maximumf %scan3A_469, %get3A_531 : vector<16xf32>
          scf.yield %max3A, %max3A_476, %max3A_480, %max3A_484, %max3A_488, %max3A_492, %max3A_496, %max3A_500, %max3A_504, %max3A_508, %max3A_512, %max3A_516, %max3A_520, %max3A_524, %max3A_528, %max3A_532 : vector<16xf32>, vector<16xf32>, vector<16xf32>, vector<16xf32>, vector<16xf32>, vector<16xf32>, vector<16xf32>, vector<16xf32>, vector<16xf32>, vector<16xf32>, vector<16xf32>, vector<16xf32>, vector<16xf32>, vector<16xf32>, vector<16xf32>, vector<16xf32>
        }
        %scan3A_320 = arith.constant 24 : i32
        %add3A_321 = arith.constant 8 : i32
        %add3A_322 = arith.addi %mul3A_277, %add3A_321 : i32
        %add3A_323 = arith.constant 1 : i32
        %add3A_324 = arith.addi %add3A_322, %add3A_323 : i32
        %lt3A_325 = arith.cmpi slt, %add3A_324, %mul3A_133 : i32
        %convert_element_type3A_326 = arith.extui %lt3A_325 : i1 to i32
        %cond3A_327 = arith.constant 0 : i32
        %cond3A_328 = arith.cmpi ne, %convert_element_type3A_326, %cond3A_327 : i32
        scf.if %cond3A_328 {
          %mul3A_453 = arith.constant 24 : i32
          %mul3A_454 = arith.muli %add3A_324, %mul3A_453 : i32
          %dma_start3A_455 = tpu.memref_slice %arg12[%mul3A_454] : memref<16576xi32, #tpu.memory_space<vmem>> -> memref<24xi32, #tpu.memory_space<vmem>>
          %dma_start3A_456 = arith.constant 0 : i32
          %dma_start3A_457 = arith.constant 0 : i32
          %dma_start3A_458 = tpu.memref_slice %arg5[%dma_start3A_456, %dma_start3A_457] : memref<65536x256xf32, #tpu.memory_space<hbm>> -> memref<65536x256xf32, #tpu.memory_space<hbm>>
          tpu.enqueue_indirect_dma source(%dma_start3A_458 : memref<65536x256xf32, #tpu.memory_space<hbm>>) target(%arg14 : memref<24x256xf32, #tpu.memory_space<vmem>>) offsets(%dma_start3A_455 : memref<24xi32, #tpu.memory_space<vmem>>) semaphore(%arg23 : memref<!tpu.dma_semaphore, #tpu.memory_space<semaphore_mem>>)
        } else {
        }
        %add3A_329 = arith.constant 2 : i32
        %add3A_330 = arith.addi %mul3A_277, %add3A_329 : i32
        %mul3A_331 = arith.constant 24 : i32
        %mul3A_332 = arith.muli %add3A_330, %mul3A_331 : i32
        %dma_wait3A_333 = tpu.memref_slice %arg12[%mul3A_332] : memref<16576xi32, #tpu.memory_space<vmem>> -> memref<24xi32, #tpu.memory_space<vmem>>
        %dma_wait3A_334 = arith.constant 0 : i32
        %dma_wait3A_335 = arith.constant 0 : i32
        %dma_wait3A_336 = tpu.memref_slice %arg5[%dma_wait3A_334, %dma_wait3A_335] : memref<65536x256xf32, #tpu.memory_space<hbm>> -> memref<65536x256xf32, #tpu.memory_space<hbm>>
        tpu.wait_indirect_dma semaphore(%arg24 : memref<!tpu.dma_semaphore, #tpu.memory_space<semaphore_mem>>) src(%dma_wait3A_336 : memref<65536x256xf32, #tpu.memory_space<hbm>>) dst(%arg15 : memref<24x256xf32, #tpu.memory_space<vmem>>)
        %scan3A_337 = arith.constant 0 : i32
        %scan3A_338 = arith.constant 24 : i32
        %scan3A_339 = arith.addi %scan3A_337, %scan3A_338 : i32
        %scan3A_340 = arith.constant 1 : i32
        %scan3A_341:16 = scf.for %scan3A_453 = %scan3A_337 to %scan3A_339 step %scan3A_340 iter_args(%scan3A_454 = %scan3A_319#0, %scan3A_455 = %scan3A_319#1, %scan3A_456 = %scan3A_319#2, %scan3A_457 = %scan3A_319#3, %scan3A_458 = %scan3A_319#4, %scan3A_459 = %scan3A_319#5, %scan3A_460 = %scan3A_319#6, %scan3A_461 = %scan3A_319#7, %scan3A_462 = %scan3A_319#8, %scan3A_463 = %scan3A_319#9, %scan3A_464 = %scan3A_319#10, %scan3A_465 = %scan3A_319#11, %scan3A_466 = %scan3A_319#12, %scan3A_467 = %scan3A_319#13, %scan3A_468 = %scan3A_319#14, %scan3A_469 = %scan3A_319#15) -> (vector<16xf32>, vector<16xf32>, vector<16xf32>, vector<16xf32>, vector<16xf32>, vector<16xf32>, vector<16xf32>, vector<16xf32>, vector<16xf32>, vector<16xf32>, vector<16xf32>, vector<16xf32>, vector<16xf32>, vector<16xf32>, vector<16xf32>, vector<16xf32>)  : i32 {
          %get3A_470 = arith.index_cast %scan3A_453 : i32 to index
          %get3A_471 = arith.constant 0 : index
          %get3A_472 = tpu.vector_load %arg15[%get3A_470, %get3A_471] {strides = array<i32>} : memref<24x256xf32, #tpu.memory_space<vmem>>, vector<16xf32>,
          %max3A = arith.maximumf %scan3A_454, %get3A_472 : vector<16xf32>
          %get3A_473 = arith.index_cast %scan3A_453 : i32 to index
          %get3A_474 = arith.constant 16 : index
          %get3A_475 = tpu.vector_load %arg15[%get3A_473, %get3A_474] {strides = array<i32>} : memref<24x256xf32, #tpu.memory_space<vmem>>, vector<16xf32>,
          %max3A_476 = arith.maximumf %scan3A_455, %get3A_475 : vector<16xf32>
          %get3A_477 = arith.index_cast %scan3A_453 : i32 to index
          %get3A_478 = arith.constant 32 : index
          %get3A_479 = tpu.vector_load %arg15[%get3A_477, %get3A_478] {strides = array<i32>} : memref<24x256xf32, #tpu.memory_space<vmem>>, vector<16xf32>,
          %max3A_480 = arith.maximumf %scan3A_456, %get3A_479 : vector<16xf32>
          %get3A_481 = arith.index_cast %scan3A_453 : i32 to index
          %get3A_482 = arith.constant 48 : index
          %get3A_483 = tpu.vector_load %arg15[%get3A_481, %get3A_482] {strides = array<i32>} : memref<24x256xf32, #tpu.memory_space<vmem>>, vector<16xf32>,
          %max3A_484 = arith.maximumf %scan3A_457, %get3A_483 : vector<16xf32>
          %get3A_485 = arith.index_cast %scan3A_453 : i32 to index
          %get3A_486 = arith.constant 64 : index
          %get3A_487 = tpu.vector_load %arg15[%get3A_485, %get3A_486] {strides = array<i32>} : memref<24x256xf32, #tpu.memory_space<vmem>>, vector<16xf32>,
          %max3A_488 = arith.maximumf %scan3A_458, %get3A_487 : vector<16xf32>
          %get3A_489 = arith.index_cast %scan3A_453 : i32 to index
          %get3A_490 = arith.constant 80 : index
          %get3A_491 = tpu.vector_load %arg15[%get3A_489, %get3A_490] {strides = array<i32>} : memref<24x256xf32, #tpu.memory_space<vmem>>, vector<16xf32>,
          %max3A_492 = arith.maximumf %scan3A_459, %get3A_491 : vector<16xf32>
          %get3A_493 = arith.index_cast %scan3A_453 : i32 to index
          %get3A_494 = arith.constant 96 : index
          %get3A_495 = tpu.vector_load %arg15[%get3A_493, %get3A_494] {strides = array<i32>} : memref<24x256xf32, #tpu.memory_space<vmem>>, vector<16xf32>,
          %max3A_496 = arith.maximumf %scan3A_460, %get3A_495 : vector<16xf32>
          %get3A_497 = arith.index_cast %scan3A_453 : i32 to index
          %get3A_498 = arith.constant 112 : index
          %get3A_499 = tpu.vector_load %arg15[%get3A_497, %get3A_498] {strides = array<i32>} : memref<24x256xf32, #tpu.memory_space<vmem>>, vector<16xf32>,
          %max3A_500 = arith.maximumf %scan3A_461, %get3A_499 : vector<16xf32>
          %get3A_501 = arith.index_cast %scan3A_453 : i32 to index
          %get3A_502 = arith.constant 128 : index
          %get3A_503 = tpu.vector_load %arg15[%get3A_501, %get3A_502] {strides = array<i32>} : memref<24x256xf32, #tpu.memory_space<vmem>>, vector<16xf32>,
          %max3A_504 = arith.maximumf %scan3A_462, %get3A_503 : vector<16xf32>
          %get3A_505 = arith.index_cast %scan3A_453 : i32 to index
          %get3A_506 = arith.constant 144 : index
          %get3A_507 = tpu.vector_load %arg15[%get3A_505, %get3A_506] {strides = array<i32>} : memref<24x256xf32, #tpu.memory_space<vmem>>, vector<16xf32>,
          %max3A_508 = arith.maximumf %scan3A_463, %get3A_507 : vector<16xf32>
          %get3A_509 = arith.index_cast %scan3A_453 : i32 to index
          %get3A_510 = arith.constant 160 : index
          %get3A_511 = tpu.vector_load %arg15[%get3A_509, %get3A_510] {strides = array<i32>} : memref<24x256xf32, #tpu.memory_space<vmem>>, vector<16xf32>,
          %max3A_512 = arith.maximumf %scan3A_464, %get3A_511 : vector<16xf32>
          %get3A_513 = arith.index_cast %scan3A_453 : i32 to index
          %get3A_514 = arith.constant 176 : index
          %get3A_515 = tpu.vector_load %arg15[%get3A_513, %get3A_514] {strides = array<i32>} : memref<24x256xf32, #tpu.memory_space<vmem>>, vector<16xf32>,
          %max3A_516 = arith.maximumf %scan3A_465, %get3A_515 : vector<16xf32>
          %get3A_517 = arith.index_cast %scan3A_453 : i32 to index
          %get3A_518 = arith.constant 192 : index
          %get3A_519 = tpu.vector_load %arg15[%get3A_517, %get3A_518] {strides = array<i32>} : memref<24x256xf32, #tpu.memory_space<vmem>>, vector<16xf32>,
          %max3A_520 = arith.maximumf %scan3A_466, %get3A_519 : vector<16xf32>
          %get3A_521 = arith.index_cast %scan3A_453 : i32 to index
          %get3A_522 = arith.constant 208 : index
          %get3A_523 = tpu.vector_load %arg15[%get3A_521, %get3A_522] {strides = array<i32>} : memref<24x256xf32, #tpu.memory_space<vmem>>, vector<16xf32>,
          %max3A_524 = arith.maximumf %scan3A_467, %get3A_523 : vector<16xf32>
          %get3A_525 = arith.index_cast %scan3A_453 : i32 to index
          %get3A_526 = arith.constant 224 : index
          %get3A_527 = tpu.vector_load %arg15[%get3A_525, %get3A_526] {strides = array<i32>} : memref<24x256xf32, #tpu.memory_space<vmem>>, vector<16xf32>,
          %max3A_528 = arith.maximumf %scan3A_468, %get3A_527 : vector<16xf32>
          %get3A_529 = arith.index_cast %scan3A_453 : i32 to index
          %get3A_530 = arith.constant 240 : index
          %get3A_531 = tpu.vector_load %arg15[%get3A_529, %get3A_530] {strides = array<i32>} : memref<24x256xf32, #tpu.memory_space<vmem>>, vector<16xf32>,
          %max3A_532 = arith.maximumf %scan3A_469, %get3A_531 : vector<16xf32>
          scf.yield %max3A, %max3A_476, %max3A_480, %max3A_484, %max3A_488, %max3A_492, %max3A_496, %max3A_500, %max3A_504, %max3A_508, %max3A_512, %max3A_516, %max3A_520, %max3A_524, %max3A_528, %max3A_532 : vector<16xf32>, vector<16xf32>, vector<16xf32>, vector<16xf32>, vector<16xf32>, vector<16xf32>, vector<16xf32>, vector<16xf32>, vector<16xf32>, vector<16xf32>, vector<16xf32>, vector<16xf32>, vector<16xf32>, vector<16xf32>, vector<16xf32>, vector<16xf32>
        }
        %scan3A_342 = arith.constant 24 : i32
        %add3A_343 = arith.constant 8 : i32
        %add3A_344 = arith.addi %mul3A_277, %add3A_343 : i32
        %add3A_345 = arith.constant 2 : i32
        %add3A_346 = arith.addi %add3A_344, %add3A_345 : i32
        %lt3A_347 = arith.cmpi slt, %add3A_346, %mul3A_133 : i32
        %convert_element_type3A_348 = arith.extui %lt3A_347 : i1 to i32
        %cond3A_349 = arith.constant 0 : i32
        %cond3A_350 = arith.cmpi ne, %convert_element_type3A_348, %cond3A_349 : i32
        scf.if %cond3A_350 {
          %mul3A_453 = arith.constant 24 : i32
          %mul3A_454 = arith.muli %add3A_346, %mul3A_453 : i32
          %dma_start3A_455 = tpu.memref_slice %arg12[%mul3A_454] : memref<16576xi32, #tpu.memory_space<vmem>> -> memref<24xi32, #tpu.memory_space<vmem>>
          %dma_start3A_456 = arith.constant 0 : i32
          %dma_start3A_457 = arith.constant 0 : i32
          %dma_start3A_458 = tpu.memref_slice %arg5[%dma_start3A_456, %dma_start3A_457] : memref<65536x256xf32, #tpu.memory_space<hbm>> -> memref<65536x256xf32, #tpu.memory_space<hbm>>
          tpu.enqueue_indirect_dma source(%dma_start3A_458 : memref<65536x256xf32, #tpu.memory_space<hbm>>) target(%arg15 : memref<24x256xf32, #tpu.memory_space<vmem>>) offsets(%dma_start3A_455 : memref<24xi32, #tpu.memory_space<vmem>>) semaphore(%arg24 : memref<!tpu.dma_semaphore, #tpu.memory_space<semaphore_mem>>)
        } else {
        }
        %add3A_351 = arith.constant 3 : i32
        %add3A_352 = arith.addi %mul3A_277, %add3A_351 : i32
        %mul3A_353 = arith.constant 24 : i32
        %mul3A_354 = arith.muli %add3A_352, %mul3A_353 : i32
        %dma_wait3A_355 = tpu.memref_slice %arg12[%mul3A_354] : memref<16576xi32, #tpu.memory_space<vmem>> -> memref<24xi32, #tpu.memory_space<vmem>>
        %dma_wait3A_356 = arith.constant 0 : i32
        %dma_wait3A_357 = arith.constant 0 : i32
        %dma_wait3A_358 = tpu.memref_slice %arg5[%dma_wait3A_356, %dma_wait3A_357] : memref<65536x256xf32, #tpu.memory_space<hbm>> -> memref<65536x256xf32, #tpu.memory_space<hbm>>
        tpu.wait_indirect_dma semaphore(%arg25 : memref<!tpu.dma_semaphore, #tpu.memory_space<semaphore_mem>>) src(%dma_wait3A_358 : memref<65536x256xf32, #tpu.memory_space<hbm>>) dst(%arg16 : memref<24x256xf32, #tpu.memory_space<vmem>>)
        %scan3A_359 = arith.constant 0 : i32
        %scan3A_360 = arith.constant 24 : i32
        %scan3A_361 = arith.addi %scan3A_359, %scan3A_360 : i32
        %scan3A_362 = arith.constant 1 : i32
        %scan3A_363:16 = scf.for %scan3A_453 = %scan3A_359 to %scan3A_361 step %scan3A_362 iter_args(%scan3A_454 = %scan3A_341#0, %scan3A_455 = %scan3A_341#1, %scan3A_456 = %scan3A_341#2, %scan3A_457 = %scan3A_341#3, %scan3A_458 = %scan3A_341#4, %scan3A_459 = %scan3A_341#5, %scan3A_460 = %scan3A_341#6, %scan3A_461 = %scan3A_341#7, %scan3A_462 = %scan3A_341#8, %scan3A_463 = %scan3A_341#9, %scan3A_464 = %scan3A_341#10, %scan3A_465 = %scan3A_341#11, %scan3A_466 = %scan3A_341#12, %scan3A_467 = %scan3A_341#13, %scan3A_468 = %scan3A_341#14, %scan3A_469 = %scan3A_341#15) -> (vector<16xf32>, vector<16xf32>, vector<16xf32>, vector<16xf32>, vector<16xf32>, vector<16xf32>, vector<16xf32>, vector<16xf32>, vector<16xf32>, vector<16xf32>, vector<16xf32>, vector<16xf32>, vector<16xf32>, vector<16xf32>, vector<16xf32>, vector<16xf32>)  : i32 {
          %get3A_470 = arith.index_cast %scan3A_453 : i32 to index
          %get3A_471 = arith.constant 0 : index
          %get3A_472 = tpu.vector_load %arg16[%get3A_470, %get3A_471] {strides = array<i32>} : memref<24x256xf32, #tpu.memory_space<vmem>>, vector<16xf32>,
          %max3A = arith.maximumf %scan3A_454, %get3A_472 : vector<16xf32>
          %get3A_473 = arith.index_cast %scan3A_453 : i32 to index
          %get3A_474 = arith.constant 16 : index
          %get3A_475 = tpu.vector_load %arg16[%get3A_473, %get3A_474] {strides = array<i32>} : memref<24x256xf32, #tpu.memory_space<vmem>>, vector<16xf32>,
          %max3A_476 = arith.maximumf %scan3A_455, %get3A_475 : vector<16xf32>
          %get3A_477 = arith.index_cast %scan3A_453 : i32 to index
          %get3A_478 = arith.constant 32 : index
          %get3A_479 = tpu.vector_load %arg16[%get3A_477, %get3A_478] {strides = array<i32>} : memref<24x256xf32, #tpu.memory_space<vmem>>, vector<16xf32>,
          %max3A_480 = arith.maximumf %scan3A_456, %get3A_479 : vector<16xf32>
          %get3A_481 = arith.index_cast %scan3A_453 : i32 to index
          %get3A_482 = arith.constant 48 : index
          %get3A_483 = tpu.vector_load %arg16[%get3A_481, %get3A_482] {strides = array<i32>} : memref<24x256xf32, #tpu.memory_space<vmem>>, vector<16xf32>,
          %max3A_484 = arith.maximumf %scan3A_457, %get3A_483 : vector<16xf32>
          %get3A_485 = arith.index_cast %scan3A_453 : i32 to index
          %get3A_486 = arith.constant 64 : index
          %get3A_487 = tpu.vector_load %arg16[%get3A_485, %get3A_486] {strides = array<i32>} : memref<24x256xf32, #tpu.memory_space<vmem>>, vector<16xf32>,
          %max3A_488 = arith.maximumf %scan3A_458, %get3A_487 : vector<16xf32>
          %get3A_489 = arith.index_cast %scan3A_453 : i32 to index
          %get3A_490 = arith.constant 80 : index
          %get3A_491 = tpu.vector_load %arg16[%get3A_489, %get3A_490] {strides = array<i32>} : memref<24x256xf32, #tpu.memory_space<vmem>>, vector<16xf32>,
          %max3A_492 = arith.maximumf %scan3A_459, %get3A_491 : vector<16xf32>
          %get3A_493 = arith.index_cast %scan3A_453 : i32 to index
          %get3A_494 = arith.constant 96 : index
          %get3A_495 = tpu.vector_load %arg16[%get3A_493, %get3A_494] {strides = array<i32>} : memref<24x256xf32, #tpu.memory_space<vmem>>, vector<16xf32>,
          %max3A_496 = arith.maximumf %scan3A_460, %get3A_495 : vector<16xf32>
          %get3A_497 = arith.index_cast %scan3A_453 : i32 to index
          %get3A_498 = arith.constant 112 : index
          %get3A_499 = tpu.vector_load %arg16[%get3A_497, %get3A_498] {strides = array<i32>} : memref<24x256xf32, #tpu.memory_space<vmem>>, vector<16xf32>,
          %max3A_500 = arith.maximumf %scan3A_461, %get3A_499 : vector<16xf32>
          %get3A_501 = arith.index_cast %scan3A_453 : i32 to index
          %get3A_502 = arith.constant 128 : index
          %get3A_503 = tpu.vector_load %arg16[%get3A_501, %get3A_502] {strides = array<i32>} : memref<24x256xf32, #tpu.memory_space<vmem>>, vector<16xf32>,
          %max3A_504 = arith.maximumf %scan3A_462, %get3A_503 : vector<16xf32>
          %get3A_505 = arith.index_cast %scan3A_453 : i32 to index
          %get3A_506 = arith.constant 144 : index
          %get3A_507 = tpu.vector_load %arg16[%get3A_505, %get3A_506] {strides = array<i32>} : memref<24x256xf32, #tpu.memory_space<vmem>>, vector<16xf32>,
          %max3A_508 = arith.maximumf %scan3A_463, %get3A_507 : vector<16xf32>
          %get3A_509 = arith.index_cast %scan3A_453 : i32 to index
          %get3A_510 = arith.constant 160 : index
          %get3A_511 = tpu.vector_load %arg16[%get3A_509, %get3A_510] {strides = array<i32>} : memref<24x256xf32, #tpu.memory_space<vmem>>, vector<16xf32>,
          %max3A_512 = arith.maximumf %scan3A_464, %get3A_511 : vector<16xf32>
          %get3A_513 = arith.index_cast %scan3A_453 : i32 to index
          %get3A_514 = arith.constant 176 : index
          %get3A_515 = tpu.vector_load %arg16[%get3A_513, %get3A_514] {strides = array<i32>} : memref<24x256xf32, #tpu.memory_space<vmem>>, vector<16xf32>,
          %max3A_516 = arith.maximumf %scan3A_465, %get3A_515 : vector<16xf32>
          %get3A_517 = arith.index_cast %scan3A_453 : i32 to index
          %get3A_518 = arith.constant 192 : index
          %get3A_519 = tpu.vector_load %arg16[%get3A_517, %get3A_518] {strides = array<i32>} : memref<24x256xf32, #tpu.memory_space<vmem>>, vector<16xf32>,
          %max3A_520 = arith.maximumf %scan3A_466, %get3A_519 : vector<16xf32>
          %get3A_521 = arith.index_cast %scan3A_453 : i32 to index
          %get3A_522 = arith.constant 208 : index
          %get3A_523 = tpu.vector_load %arg16[%get3A_521, %get3A_522] {strides = array<i32>} : memref<24x256xf32, #tpu.memory_space<vmem>>, vector<16xf32>,
          %max3A_524 = arith.maximumf %scan3A_467, %get3A_523 : vector<16xf32>
          %get3A_525 = arith.index_cast %scan3A_453 : i32 to index
          %get3A_526 = arith.constant 224 : index
          %get3A_527 = tpu.vector_load %arg16[%get3A_525, %get3A_526] {strides = array<i32>} : memref<24x256xf32, #tpu.memory_space<vmem>>, vector<16xf32>,
          %max3A_528 = arith.maximumf %scan3A_468, %get3A_527 : vector<16xf32>
          %get3A_529 = arith.index_cast %scan3A_453 : i32 to index
          %get3A_530 = arith.constant 240 : index
          %get3A_531 = tpu.vector_load %arg16[%get3A_529, %get3A_530] {strides = array<i32>} : memref<24x256xf32, #tpu.memory_space<vmem>>, vector<16xf32>,
          %max3A_532 = arith.maximumf %scan3A_469, %get3A_531 : vector<16xf32>
          scf.yield %max3A, %max3A_476, %max3A_480, %max3A_484, %max3A_488, %max3A_492, %max3A_496, %max3A_500, %max3A_504, %max3A_508, %max3A_512, %max3A_516, %max3A_520, %max3A_524, %max3A_528, %max3A_532 : vector<16xf32>, vector<16xf32>, vector<16xf32>, vector<16xf32>, vector<16xf32>, vector<16xf32>, vector<16xf32>, vector<16xf32>, vector<16xf32>, vector<16xf32>, vector<16xf32>, vector<16xf32>, vector<16xf32>, vector<16xf32>, vector<16xf32>, vector<16xf32>
        }
        %scan3A_364 = arith.constant 24 : i32
        %add3A_365 = arith.constant 8 : i32
        %add3A_366 = arith.addi %mul3A_277, %add3A_365 : i32
        %add3A_367 = arith.constant 3 : i32
        %add3A_368 = arith.addi %add3A_366, %add3A_367 : i32
        %lt3A_369 = arith.cmpi slt, %add3A_368, %mul3A_133 : i32
        %convert_element_type3A_370 = arith.extui %lt3A_369 : i1 to i32
        %cond3A_371 = arith.constant 0 : i32
        %cond3A_372 = arith.cmpi ne, %convert_element_type3A_370, %cond3A_371 : i32
        scf.if %cond3A_372 {
          %mul3A_453 = arith.constant 24 : i32
          %mul3A_454 = arith.muli %add3A_368, %mul3A_453 : i32
          %dma_start3A_455 = tpu.memref_slice %arg12[%mul3A_454] : memref<16576xi32, #tpu.memory_space<vmem>> -> memref<24xi32, #tpu.memory_space<vmem>>
          %dma_start3A_456 = arith.constant 0 : i32
          %dma_start3A_457 = arith.constant 0 : i32
          %dma_start3A_458 = tpu.memref_slice %arg5[%dma_start3A_456, %dma_start3A_457] : memref<65536x256xf32, #tpu.memory_space<hbm>> -> memref<65536x256xf32, #tpu.memory_space<hbm>>
          tpu.enqueue_indirect_dma source(%dma_start3A_458 : memref<65536x256xf32, #tpu.memory_space<hbm>>) target(%arg16 : memref<24x256xf32, #tpu.memory_space<vmem>>) offsets(%dma_start3A_455 : memref<24xi32, #tpu.memory_space<vmem>>) semaphore(%arg25 : memref<!tpu.dma_semaphore, #tpu.memory_space<semaphore_mem>>)
        } else {
        }
        %add3A_373 = arith.constant 4 : i32
        %add3A_374 = arith.addi %mul3A_277, %add3A_373 : i32
        %mul3A_375 = arith.constant 24 : i32
        %mul3A_376 = arith.muli %add3A_374, %mul3A_375 : i32
        %dma_wait3A_377 = tpu.memref_slice %arg12[%mul3A_376] : memref<16576xi32, #tpu.memory_space<vmem>> -> memref<24xi32, #tpu.memory_space<vmem>>
        %dma_wait3A_378 = arith.constant 0 : i32
        %dma_wait3A_379 = arith.constant 0 : i32
        %dma_wait3A_380 = tpu.memref_slice %arg5[%dma_wait3A_378, %dma_wait3A_379] : memref<65536x256xf32, #tpu.memory_space<hbm>> -> memref<65536x256xf32, #tpu.memory_space<hbm>>
        tpu.wait_indirect_dma semaphore(%arg26 : memref<!tpu.dma_semaphore, #tpu.memory_space<semaphore_mem>>) src(%dma_wait3A_380 : memref<65536x256xf32, #tpu.memory_space<hbm>>) dst(%arg17 : memref<24x256xf32, #tpu.memory_space<vmem>>)
        %scan3A_381 = arith.constant 0 : i32
        %scan3A_382 = arith.constant 24 : i32
        %scan3A_383 = arith.addi %scan3A_381, %scan3A_382 : i32
        %scan3A_384 = arith.constant 1 : i32
        %scan3A_385:16 = scf.for %scan3A_453 = %scan3A_381 to %scan3A_383 step %scan3A_384 iter_args(%scan3A_454 = %scan3A_363#0, %scan3A_455 = %scan3A_363#1, %scan3A_456 = %scan3A_363#2, %scan3A_457 = %scan3A_363#3, %scan3A_458 = %scan3A_363#4, %scan3A_459 = %scan3A_363#5, %scan3A_460 = %scan3A_363#6, %scan3A_461 = %scan3A_363#7, %scan3A_462 = %scan3A_363#8, %scan3A_463 = %scan3A_363#9, %scan3A_464 = %scan3A_363#10, %scan3A_465 = %scan3A_363#11, %scan3A_466 = %scan3A_363#12, %scan3A_467 = %scan3A_363#13, %scan3A_468 = %scan3A_363#14, %scan3A_469 = %scan3A_363#15) -> (vector<16xf32>, vector<16xf32>, vector<16xf32>, vector<16xf32>, vector<16xf32>, vector<16xf32>, vector<16xf32>, vector<16xf32>, vector<16xf32>, vector<16xf32>, vector<16xf32>, vector<16xf32>, vector<16xf32>, vector<16xf32>, vector<16xf32>, vector<16xf32>)  : i32 {
          %get3A_470 = arith.index_cast %scan3A_453 : i32 to index
          %get3A_471 = arith.constant 0 : index
          %get3A_472 = tpu.vector_load %arg17[%get3A_470, %get3A_471] {strides = array<i32>} : memref<24x256xf32, #tpu.memory_space<vmem>>, vector<16xf32>,
          %max3A = arith.maximumf %scan3A_454, %get3A_472 : vector<16xf32>
          %get3A_473 = arith.index_cast %scan3A_453 : i32 to index
          %get3A_474 = arith.constant 16 : index
          %get3A_475 = tpu.vector_load %arg17[%get3A_473, %get3A_474] {strides = array<i32>} : memref<24x256xf32, #tpu.memory_space<vmem>>, vector<16xf32>,
          %max3A_476 = arith.maximumf %scan3A_455, %get3A_475 : vector<16xf32>
          %get3A_477 = arith.index_cast %scan3A_453 : i32 to index
          %get3A_478 = arith.constant 32 : index
          %get3A_479 = tpu.vector_load %arg17[%get3A_477, %get3A_478] {strides = array<i32>} : memref<24x256xf32, #tpu.memory_space<vmem>>, vector<16xf32>,
          %max3A_480 = arith.maximumf %scan3A_456, %get3A_479 : vector<16xf32>
          %get3A_481 = arith.index_cast %scan3A_453 : i32 to index
          %get3A_482 = arith.constant 48 : index
          %get3A_483 = tpu.vector_load %arg17[%get3A_481, %get3A_482] {strides = array<i32>} : memref<24x256xf32, #tpu.memory_space<vmem>>, vector<16xf32>,
          %max3A_484 = arith.maximumf %scan3A_457, %get3A_483 : vector<16xf32>
          %get3A_485 = arith.index_cast %scan3A_453 : i32 to index
          %get3A_486 = arith.constant 64 : index
          %get3A_487 = tpu.vector_load %arg17[%get3A_485, %get3A_486] {strides = array<i32>} : memref<24x256xf32, #tpu.memory_space<vmem>>, vector<16xf32>,
          %max3A_488 = arith.maximumf %scan3A_458, %get3A_487 : vector<16xf32>
          %get3A_489 = arith.index_cast %scan3A_453 : i32 to index
          %get3A_490 = arith.constant 80 : index
          %get3A_491 = tpu.vector_load %arg17[%get3A_489, %get3A_490] {strides = array<i32>} : memref<24x256xf32, #tpu.memory_space<vmem>>, vector<16xf32>,
          %max3A_492 = arith.maximumf %scan3A_459, %get3A_491 : vector<16xf32>
          %get3A_493 = arith.index_cast %scan3A_453 : i32 to index
          %get3A_494 = arith.constant 96 : index
          %get3A_495 = tpu.vector_load %arg17[%get3A_493, %get3A_494] {strides = array<i32>} : memref<24x256xf32, #tpu.memory_space<vmem>>, vector<16xf32>,
          %max3A_496 = arith.maximumf %scan3A_460, %get3A_495 : vector<16xf32>
          %get3A_497 = arith.index_cast %scan3A_453 : i32 to index
          %get3A_498 = arith.constant 112 : index
          %get3A_499 = tpu.vector_load %arg17[%get3A_497, %get3A_498] {strides = array<i32>} : memref<24x256xf32, #tpu.memory_space<vmem>>, vector<16xf32>,
          %max3A_500 = arith.maximumf %scan3A_461, %get3A_499 : vector<16xf32>
          %get3A_501 = arith.index_cast %scan3A_453 : i32 to index
          %get3A_502 = arith.constant 128 : index
          %get3A_503 = tpu.vector_load %arg17[%get3A_501, %get3A_502] {strides = array<i32>} : memref<24x256xf32, #tpu.memory_space<vmem>>, vector<16xf32>,
          %max3A_504 = arith.maximumf %scan3A_462, %get3A_503 : vector<16xf32>
          %get3A_505 = arith.index_cast %scan3A_453 : i32 to index
          %get3A_506 = arith.constant 144 : index
          %get3A_507 = tpu.vector_load %arg17[%get3A_505, %get3A_506] {strides = array<i32>} : memref<24x256xf32, #tpu.memory_space<vmem>>, vector<16xf32>,
          %max3A_508 = arith.maximumf %scan3A_463, %get3A_507 : vector<16xf32>
          %get3A_509 = arith.index_cast %scan3A_453 : i32 to index
          %get3A_510 = arith.constant 160 : index
          %get3A_511 = tpu.vector_load %arg17[%get3A_509, %get3A_510] {strides = array<i32>} : memref<24x256xf32, #tpu.memory_space<vmem>>, vector<16xf32>,
          %max3A_512 = arith.maximumf %scan3A_464, %get3A_511 : vector<16xf32>
          %get3A_513 = arith.index_cast %scan3A_453 : i32 to index
          %get3A_514 = arith.constant 176 : index
          %get3A_515 = tpu.vector_load %arg17[%get3A_513, %get3A_514] {strides = array<i32>} : memref<24x256xf32, #tpu.memory_space<vmem>>, vector<16xf32>,
          %max3A_516 = arith.maximumf %scan3A_465, %get3A_515 : vector<16xf32>
          %get3A_517 = arith.index_cast %scan3A_453 : i32 to index
          %get3A_518 = arith.constant 192 : index
          %get3A_519 = tpu.vector_load %arg17[%get3A_517, %get3A_518] {strides = array<i32>} : memref<24x256xf32, #tpu.memory_space<vmem>>, vector<16xf32>,
          %max3A_520 = arith.maximumf %scan3A_466, %get3A_519 : vector<16xf32>
          %get3A_521 = arith.index_cast %scan3A_453 : i32 to index
          %get3A_522 = arith.constant 208 : index
          %get3A_523 = tpu.vector_load %arg17[%get3A_521, %get3A_522] {strides = array<i32>} : memref<24x256xf32, #tpu.memory_space<vmem>>, vector<16xf32>,
          %max3A_524 = arith.maximumf %scan3A_467, %get3A_523 : vector<16xf32>
          %get3A_525 = arith.index_cast %scan3A_453 : i32 to index
          %get3A_526 = arith.constant 224 : index
          %get3A_527 = tpu.vector_load %arg17[%get3A_525, %get3A_526] {strides = array<i32>} : memref<24x256xf32, #tpu.memory_space<vmem>>, vector<16xf32>,
          %max3A_528 = arith.maximumf %scan3A_468, %get3A_527 : vector<16xf32>
          %get3A_529 = arith.index_cast %scan3A_453 : i32 to index
          %get3A_530 = arith.constant 240 : index
          %get3A_531 = tpu.vector_load %arg17[%get3A_529, %get3A_530] {strides = array<i32>} : memref<24x256xf32, #tpu.memory_space<vmem>>, vector<16xf32>,
          %max3A_532 = arith.maximumf %scan3A_469, %get3A_531 : vector<16xf32>
          scf.yield %max3A, %max3A_476, %max3A_480, %max3A_484, %max3A_488, %max3A_492, %max3A_496, %max3A_500, %max3A_504, %max3A_508, %max3A_512, %max3A_516, %max3A_520, %max3A_524, %max3A_528, %max3A_532 : vector<16xf32>, vector<16xf32>, vector<16xf32>, vector<16xf32>, vector<16xf32>, vector<16xf32>, vector<16xf32>, vector<16xf32>, vector<16xf32>, vector<16xf32>, vector<16xf32>, vector<16xf32>, vector<16xf32>, vector<16xf32>, vector<16xf32>, vector<16xf32>
        }
        %scan3A_386 = arith.constant 24 : i32
        %add3A_387 = arith.constant 8 : i32
        %add3A_388 = arith.addi %mul3A_277, %add3A_387 : i32
        %add3A_389 = arith.constant 4 : i32
        %add3A_390 = arith.addi %add3A_388, %add3A_389 : i32
        %lt3A_391 = arith.cmpi slt, %add3A_390, %mul3A_133 : i32
        %convert_element_type3A_392 = arith.extui %lt3A_391 : i1 to i32
        %cond3A_393 = arith.constant 0 : i32
        %cond3A_394 = arith.cmpi ne, %convert_element_type3A_392, %cond3A_393 : i32
        scf.if %cond3A_394 {
          %mul3A_453 = arith.constant 24 : i32
          %mul3A_454 = arith.muli %add3A_390, %mul3A_453 : i32
          %dma_start3A_455 = tpu.memref_slice %arg12[%mul3A_454] : memref<16576xi32, #tpu.memory_space<vmem>> -> memref<24xi32, #tpu.memory_space<vmem>>
          %dma_start3A_456 = arith.constant 0 : i32
          %dma_start3A_457 = arith.constant 0 : i32
          %dma_start3A_458 = tpu.memref_slice %arg5[%dma_start3A_456, %dma_start3A_457] : memref<65536x256xf32, #tpu.memory_space<hbm>> -> memref<65536x256xf32, #tpu.memory_space<hbm>>
          tpu.enqueue_indirect_dma source(%dma_start3A_458 : memref<65536x256xf32, #tpu.memory_space<hbm>>) target(%arg17 : memref<24x256xf32, #tpu.memory_space<vmem>>) offsets(%dma_start3A_455 : memref<24xi32, #tpu.memory_space<vmem>>) semaphore(%arg26 : memref<!tpu.dma_semaphore, #tpu.memory_space<semaphore_mem>>)
        } else {
        }
        %add3A_395 = arith.constant 5 : i32
        %add3A_396 = arith.addi %mul3A_277, %add3A_395 : i32
        %mul3A_397 = arith.constant 24 : i32
        %mul3A_398 = arith.muli %add3A_396, %mul3A_397 : i32
        %dma_wait3A_399 = tpu.memref_slice %arg12[%mul3A_398] : memref<16576xi32, #tpu.memory_space<vmem>> -> memref<24xi32, #tpu.memory_space<vmem>>
        %dma_wait3A_400 = arith.constant 0 : i32
        %dma_wait3A_401 = arith.constant 0 : i32
        %dma_wait3A_402 = tpu.memref_slice %arg5[%dma_wait3A_400, %dma_wait3A_401] : memref<65536x256xf32, #tpu.memory_space<hbm>> -> memref<65536x256xf32, #tpu.memory_space<hbm>>
        tpu.wait_indirect_dma semaphore(%arg27 : memref<!tpu.dma_semaphore, #tpu.memory_space<semaphore_mem>>) src(%dma_wait3A_402 : memref<65536x256xf32, #tpu.memory_space<hbm>>) dst(%arg18 : memref<24x256xf32, #tpu.memory_space<vmem>>)
        %scan3A_403 = arith.constant 0 : i32
        %scan3A_404 = arith.constant 24 : i32
        %scan3A_405 = arith.addi %scan3A_403, %scan3A_404 : i32
        %scan3A_406 = arith.constant 1 : i32
        %scan3A_407:16 = scf.for %scan3A_453 = %scan3A_403 to %scan3A_405 step %scan3A_406 iter_args(%scan3A_454 = %scan3A_385#0, %scan3A_455 = %scan3A_385#1, %scan3A_456 = %scan3A_385#2, %scan3A_457 = %scan3A_385#3, %scan3A_458 = %scan3A_385#4, %scan3A_459 = %scan3A_385#5, %scan3A_460 = %scan3A_385#6, %scan3A_461 = %scan3A_385#7, %scan3A_462 = %scan3A_385#8, %scan3A_463 = %scan3A_385#9, %scan3A_464 = %scan3A_385#10, %scan3A_465 = %scan3A_385#11, %scan3A_466 = %scan3A_385#12, %scan3A_467 = %scan3A_385#13, %scan3A_468 = %scan3A_385#14, %scan3A_469 = %scan3A_385#15) -> (vector<16xf32>, vector<16xf32>, vector<16xf32>, vector<16xf32>, vector<16xf32>, vector<16xf32>, vector<16xf32>, vector<16xf32>, vector<16xf32>, vector<16xf32>, vector<16xf32>, vector<16xf32>, vector<16xf32>, vector<16xf32>, vector<16xf32>, vector<16xf32>)  : i32 {
          %get3A_470 = arith.index_cast %scan3A_453 : i32 to index
          %get3A_471 = arith.constant 0 : index
          %get3A_472 = tpu.vector_load %arg18[%get3A_470, %get3A_471] {strides = array<i32>} : memref<24x256xf32, #tpu.memory_space<vmem>>, vector<16xf32>,
          %max3A = arith.maximumf %scan3A_454, %get3A_472 : vector<16xf32>
          %get3A_473 = arith.index_cast %scan3A_453 : i32 to index
          %get3A_474 = arith.constant 16 : index
          %get3A_475 = tpu.vector_load %arg18[%get3A_473, %get3A_474] {strides = array<i32>} : memref<24x256xf32, #tpu.memory_space<vmem>>, vector<16xf32>,
          %max3A_476 = arith.maximumf %scan3A_455, %get3A_475 : vector<16xf32>
          %get3A_477 = arith.index_cast %scan3A_453 : i32 to index
          %get3A_478 = arith.constant 32 : index
          %get3A_479 = tpu.vector_load %arg18[%get3A_477, %get3A_478] {strides = array<i32>} : memref<24x256xf32, #tpu.memory_space<vmem>>, vector<16xf32>,
          %max3A_480 = arith.maximumf %scan3A_456, %get3A_479 : vector<16xf32>
          %get3A_481 = arith.index_cast %scan3A_453 : i32 to index
          %get3A_482 = arith.constant 48 : index
          %get3A_483 = tpu.vector_load %arg18[%get3A_481, %get3A_482] {strides = array<i32>} : memref<24x256xf32, #tpu.memory_space<vmem>>, vector<16xf32>,
          %max3A_484 = arith.maximumf %scan3A_457, %get3A_483 : vector<16xf32>
          %get3A_485 = arith.index_cast %scan3A_453 : i32 to index
          %get3A_486 = arith.constant 64 : index
          %get3A_487 = tpu.vector_load %arg18[%get3A_485, %get3A_486] {strides = array<i32>} : memref<24x256xf32, #tpu.memory_space<vmem>>, vector<16xf32>,
          %max3A_488 = arith.maximumf %scan3A_458, %get3A_487 : vector<16xf32>
          %get3A_489 = arith.index_cast %scan3A_453 : i32 to index
          %get3A_490 = arith.constant 80 : index
          %get3A_491 = tpu.vector_load %arg18[%get3A_489, %get3A_490] {strides = array<i32>} : memref<24x256xf32, #tpu.memory_space<vmem>>, vector<16xf32>,
          %max3A_492 = arith.maximumf %scan3A_459, %get3A_491 : vector<16xf32>
          %get3A_493 = arith.index_cast %scan3A_453 : i32 to index
          %get3A_494 = arith.constant 96 : index
          %get3A_495 = tpu.vector_load %arg18[%get3A_493, %get3A_494] {strides = array<i32>} : memref<24x256xf32, #tpu.memory_space<vmem>>, vector<16xf32>,
          %max3A_496 = arith.maximumf %scan3A_460, %get3A_495 : vector<16xf32>
          %get3A_497 = arith.index_cast %scan3A_453 : i32 to index
          %get3A_498 = arith.constant 112 : index
          %get3A_499 = tpu.vector_load %arg18[%get3A_497, %get3A_498] {strides = array<i32>} : memref<24x256xf32, #tpu.memory_space<vmem>>, vector<16xf32>,
          %max3A_500 = arith.maximumf %scan3A_461, %get3A_499 : vector<16xf32>
          %get3A_501 = arith.index_cast %scan3A_453 : i32 to index
          %get3A_502 = arith.constant 128 : index
          %get3A_503 = tpu.vector_load %arg18[%get3A_501, %get3A_502] {strides = array<i32>} : memref<24x256xf32, #tpu.memory_space<vmem>>, vector<16xf32>,
          %max3A_504 = arith.maximumf %scan3A_462, %get3A_503 : vector<16xf32>
          %get3A_505 = arith.index_cast %scan3A_453 : i32 to index
          %get3A_506 = arith.constant 144 : index
          %get3A_507 = tpu.vector_load %arg18[%get3A_505, %get3A_506] {strides = array<i32>} : memref<24x256xf32, #tpu.memory_space<vmem>>, vector<16xf32>,
          %max3A_508 = arith.maximumf %scan3A_463, %get3A_507 : vector<16xf32>
          %get3A_509 = arith.index_cast %scan3A_453 : i32 to index
          %get3A_510 = arith.constant 160 : index
          %get3A_511 = tpu.vector_load %arg18[%get3A_509, %get3A_510] {strides = array<i32>} : memref<24x256xf32, #tpu.memory_space<vmem>>, vector<16xf32>,
          %max3A_512 = arith.maximumf %scan3A_464, %get3A_511 : vector<16xf32>
          %get3A_513 = arith.index_cast %scan3A_453 : i32 to index
          %get3A_514 = arith.constant 176 : index
          %get3A_515 = tpu.vector_load %arg18[%get3A_513, %get3A_514] {strides = array<i32>} : memref<24x256xf32, #tpu.memory_space<vmem>>, vector<16xf32>,
          %max3A_516 = arith.maximumf %scan3A_465, %get3A_515 : vector<16xf32>
          %get3A_517 = arith.index_cast %scan3A_453 : i32 to index
          %get3A_518 = arith.constant 192 : index
          %get3A_519 = tpu.vector_load %arg18[%get3A_517, %get3A_518] {strides = array<i32>} : memref<24x256xf32, #tpu.memory_space<vmem>>, vector<16xf32>,
          %max3A_520 = arith.maximumf %scan3A_466, %get3A_519 : vector<16xf32>
          %get3A_521 = arith.index_cast %scan3A_453 : i32 to index
          %get3A_522 = arith.constant 208 : index
          %get3A_523 = tpu.vector_load %arg18[%get3A_521, %get3A_522] {strides = array<i32>} : memref<24x256xf32, #tpu.memory_space<vmem>>, vector<16xf32>,
          %max3A_524 = arith.maximumf %scan3A_467, %get3A_523 : vector<16xf32>
          %get3A_525 = arith.index_cast %scan3A_453 : i32 to index
          %get3A_526 = arith.constant 224 : index
          %get3A_527 = tpu.vector_load %arg18[%get3A_525, %get3A_526] {strides = array<i32>} : memref<24x256xf32, #tpu.memory_space<vmem>>, vector<16xf32>,
          %max3A_528 = arith.maximumf %scan3A_468, %get3A_527 : vector<16xf32>
          %get3A_529 = arith.index_cast %scan3A_453 : i32 to index
          %get3A_530 = arith.constant 240 : index
          %get3A_531 = tpu.vector_load %arg18[%get3A_529, %get3A_530] {strides = array<i32>} : memref<24x256xf32, #tpu.memory_space<vmem>>, vector<16xf32>,
          %max3A_532 = arith.maximumf %scan3A_469, %get3A_531 : vector<16xf32>
          scf.yield %max3A, %max3A_476, %max3A_480, %max3A_484, %max3A_488, %max3A_492, %max3A_496, %max3A_500, %max3A_504, %max3A_508, %max3A_512, %max3A_516, %max3A_520, %max3A_524, %max3A_528, %max3A_532 : vector<16xf32>, vector<16xf32>, vector<16xf32>, vector<16xf32>, vector<16xf32>, vector<16xf32>, vector<16xf32>, vector<16xf32>, vector<16xf32>, vector<16xf32>, vector<16xf32>, vector<16xf32>, vector<16xf32>, vector<16xf32>, vector<16xf32>, vector<16xf32>
        }
        %scan3A_408 = arith.constant 24 : i32
        %add3A_409 = arith.constant 8 : i32
        %add3A_410 = arith.addi %mul3A_277, %add3A_409 : i32
        %add3A_411 = arith.constant 5 : i32
        %add3A_412 = arith.addi %add3A_410, %add3A_411 : i32
        %lt3A_413 = arith.cmpi slt, %add3A_412, %mul3A_133 : i32
        %convert_element_type3A_414 = arith.extui %lt3A_413 : i1 to i32
        %cond3A_415 = arith.constant 0 : i32
        %cond3A_416 = arith.cmpi ne, %convert_element_type3A_414, %cond3A_415 : i32
        scf.if %cond3A_416 {
          %mul3A_453 = arith.constant 24 : i32
          %mul3A_454 = arith.muli %add3A_412, %mul3A_453 : i32
          %dma_start3A_455 = tpu.memref_slice %arg12[%mul3A_454] : memref<16576xi32, #tpu.memory_space<vmem>> -> memref<24xi32, #tpu.memory_space<vmem>>
          %dma_start3A_456 = arith.constant 0 : i32
          %dma_start3A_457 = arith.constant 0 : i32
          %dma_start3A_458 = tpu.memref_slice %arg5[%dma_start3A_456, %dma_start3A_457] : memref<65536x256xf32, #tpu.memory_space<hbm>> -> memref<65536x256xf32, #tpu.memory_space<hbm>>
          tpu.enqueue_indirect_dma source(%dma_start3A_458 : memref<65536x256xf32, #tpu.memory_space<hbm>>) target(%arg18 : memref<24x256xf32, #tpu.memory_space<vmem>>) offsets(%dma_start3A_455 : memref<24xi32, #tpu.memory_space<vmem>>) semaphore(%arg27 : memref<!tpu.dma_semaphore, #tpu.memory_space<semaphore_mem>>)
        } else {
        }
        %add3A_417 = arith.constant 6 : i32
        %add3A_418 = arith.addi %mul3A_277, %add3A_417 : i32
        %mul3A_419 = arith.constant 24 : i32
        %mul3A_420 = arith.muli %add3A_418, %mul3A_419 : i32
        %dma_wait3A_421 = tpu.memref_slice %arg12[%mul3A_420] : memref<16576xi32, #tpu.memory_space<vmem>> -> memref<24xi32, #tpu.memory_space<vmem>>
        %dma_wait3A_422 = arith.constant 0 : i32
        %dma_wait3A_423 = arith.constant 0 : i32
        %dma_wait3A_424 = tpu.memref_slice %arg5[%dma_wait3A_422, %dma_wait3A_423] : memref<65536x256xf32, #tpu.memory_space<hbm>> -> memref<65536x256xf32, #tpu.memory_space<hbm>>
        tpu.wait_indirect_dma semaphore(%arg28 : memref<!tpu.dma_semaphore, #tpu.memory_space<semaphore_mem>>) src(%dma_wait3A_424 : memref<65536x256xf32, #tpu.memory_space<hbm>>) dst(%arg19 : memref<24x256xf32, #tpu.memory_space<vmem>>)
        %scan3A_425 = arith.constant 0 : i32
        %scan3A_426 = arith.constant 24 : i32
        %scan3A_427 = arith.addi %scan3A_425, %scan3A_426 : i32
        %scan3A_428 = arith.constant 1 : i32
        %scan3A_429:16 = scf.for %scan3A_453 = %scan3A_425 to %scan3A_427 step %scan3A_428 iter_args(%scan3A_454 = %scan3A_407#0, %scan3A_455 = %scan3A_407#1, %scan3A_456 = %scan3A_407#2, %scan3A_457 = %scan3A_407#3, %scan3A_458 = %scan3A_407#4, %scan3A_459 = %scan3A_407#5, %scan3A_460 = %scan3A_407#6, %scan3A_461 = %scan3A_407#7, %scan3A_462 = %scan3A_407#8, %scan3A_463 = %scan3A_407#9, %scan3A_464 = %scan3A_407#10, %scan3A_465 = %scan3A_407#11, %scan3A_466 = %scan3A_407#12, %scan3A_467 = %scan3A_407#13, %scan3A_468 = %scan3A_407#14, %scan3A_469 = %scan3A_407#15) -> (vector<16xf32>, vector<16xf32>, vector<16xf32>, vector<16xf32>, vector<16xf32>, vector<16xf32>, vector<16xf32>, vector<16xf32>, vector<16xf32>, vector<16xf32>, vector<16xf32>, vector<16xf32>, vector<16xf32>, vector<16xf32>, vector<16xf32>, vector<16xf32>)  : i32 {
          %get3A_470 = arith.index_cast %scan3A_453 : i32 to index
          %get3A_471 = arith.constant 0 : index
          %get3A_472 = tpu.vector_load %arg19[%get3A_470, %get3A_471] {strides = array<i32>} : memref<24x256xf32, #tpu.memory_space<vmem>>, vector<16xf32>,
          %max3A = arith.maximumf %scan3A_454, %get3A_472 : vector<16xf32>
          %get3A_473 = arith.index_cast %scan3A_453 : i32 to index
          %get3A_474 = arith.constant 16 : index
          %get3A_475 = tpu.vector_load %arg19[%get3A_473, %get3A_474] {strides = array<i32>} : memref<24x256xf32, #tpu.memory_space<vmem>>, vector<16xf32>,
          %max3A_476 = arith.maximumf %scan3A_455, %get3A_475 : vector<16xf32>
          %get3A_477 = arith.index_cast %scan3A_453 : i32 to index
          %get3A_478 = arith.constant 32 : index
          %get3A_479 = tpu.vector_load %arg19[%get3A_477, %get3A_478] {strides = array<i32>} : memref<24x256xf32, #tpu.memory_space<vmem>>, vector<16xf32>,
          %max3A_480 = arith.maximumf %scan3A_456, %get3A_479 : vector<16xf32>
          %get3A_481 = arith.index_cast %scan3A_453 : i32 to index
          %get3A_482 = arith.constant 48 : index
          %get3A_483 = tpu.vector_load %arg19[%get3A_481, %get3A_482] {strides = array<i32>} : memref<24x256xf32, #tpu.memory_space<vmem>>, vector<16xf32>,
          %max3A_484 = arith.maximumf %scan3A_457, %get3A_483 : vector<16xf32>
          %get3A_485 = arith.index_cast %scan3A_453 : i32 to index
          %get3A_486 = arith.constant 64 : index
          %get3A_487 = tpu.vector_load %arg19[%get3A_485, %get3A_486] {strides = array<i32>} : memref<24x256xf32, #tpu.memory_space<vmem>>, vector<16xf32>,
          %max3A_488 = arith.maximumf %scan3A_458, %get3A_487 : vector<16xf32>
          %get3A_489 = arith.index_cast %scan3A_453 : i32 to index
          %get3A_490 = arith.constant 80 : index
          %get3A_491 = tpu.vector_load %arg19[%get3A_489, %get3A_490] {strides = array<i32>} : memref<24x256xf32, #tpu.memory_space<vmem>>, vector<16xf32>,
          %max3A_492 = arith.maximumf %scan3A_459, %get3A_491 : vector<16xf32>
          %get3A_493 = arith.index_cast %scan3A_453 : i32 to index
          %get3A_494 = arith.constant 96 : index
          %get3A_495 = tpu.vector_load %arg19[%get3A_493, %get3A_494] {strides = array<i32>} : memref<24x256xf32, #tpu.memory_space<vmem>>, vector<16xf32>,
          %max3A_496 = arith.maximumf %scan3A_460, %get3A_495 : vector<16xf32>
          %get3A_497 = arith.index_cast %scan3A_453 : i32 to index
          %get3A_498 = arith.constant 112 : index
          %get3A_499 = tpu.vector_load %arg19[%get3A_497, %get3A_498] {strides = array<i32>} : memref<24x256xf32, #tpu.memory_space<vmem>>, vector<16xf32>,
          %max3A_500 = arith.maximumf %scan3A_461, %get3A_499 : vector<16xf32>
          %get3A_501 = arith.index_cast %scan3A_453 : i32 to index
          %get3A_502 = arith.constant 128 : index
          %get3A_503 = tpu.vector_load %arg19[%get3A_501, %get3A_502] {strides = array<i32>} : memref<24x256xf32, #tpu.memory_space<vmem>>, vector<16xf32>,
          %max3A_504 = arith.maximumf %scan3A_462, %get3A_503 : vector<16xf32>
          %get3A_505 = arith.index_cast %scan3A_453 : i32 to index
          %get3A_506 = arith.constant 144 : index
          %get3A_507 = tpu.vector_load %arg19[%get3A_505, %get3A_506] {strides = array<i32>} : memref<24x256xf32, #tpu.memory_space<vmem>>, vector<16xf32>,
          %max3A_508 = arith.maximumf %scan3A_463, %get3A_507 : vector<16xf32>
          %get3A_509 = arith.index_cast %scan3A_453 : i32 to index
          %get3A_510 = arith.constant 160 : index
          %get3A_511 = tpu.vector_load %arg19[%get3A_509, %get3A_510] {strides = array<i32>} : memref<24x256xf32, #tpu.memory_space<vmem>>, vector<16xf32>,
          %max3A_512 = arith.maximumf %scan3A_464, %get3A_511 : vector<16xf32>
          %get3A_513 = arith.index_cast %scan3A_453 : i32 to index
          %get3A_514 = arith.constant 176 : index
          %get3A_515 = tpu.vector_load %arg19[%get3A_513, %get3A_514] {strides = array<i32>} : memref<24x256xf32, #tpu.memory_space<vmem>>, vector<16xf32>,
          %max3A_516 = arith.maximumf %scan3A_465, %get3A_515 : vector<16xf32>
          %get3A_517 = arith.index_cast %scan3A_453 : i32 to index
          %get3A_518 = arith.constant 192 : index
          %get3A_519 = tpu.vector_load %arg19[%get3A_517, %get3A_518] {strides = array<i32>} : memref<24x256xf32, #tpu.memory_space<vmem>>, vector<16xf32>,
          %max3A_520 = arith.maximumf %scan3A_466, %get3A_519 : vector<16xf32>
          %get3A_521 = arith.index_cast %scan3A_453 : i32 to index
          %get3A_522 = arith.constant 208 : index
          %get3A_523 = tpu.vector_load %arg19[%get3A_521, %get3A_522] {strides = array<i32>} : memref<24x256xf32, #tpu.memory_space<vmem>>, vector<16xf32>,
          %max3A_524 = arith.maximumf %scan3A_467, %get3A_523 : vector<16xf32>
          %get3A_525 = arith.index_cast %scan3A_453 : i32 to index
          %get3A_526 = arith.constant 224 : index
          %get3A_527 = tpu.vector_load %arg19[%get3A_525, %get3A_526] {strides = array<i32>} : memref<24x256xf32, #tpu.memory_space<vmem>>, vector<16xf32>,
          %max3A_528 = arith.maximumf %scan3A_468, %get3A_527 : vector<16xf32>
          %get3A_529 = arith.index_cast %scan3A_453 : i32 to index
          %get3A_530 = arith.constant 240 : index
          %get3A_531 = tpu.vector_load %arg19[%get3A_529, %get3A_530] {strides = array<i32>} : memref<24x256xf32, #tpu.memory_space<vmem>>, vector<16xf32>,
          %max3A_532 = arith.maximumf %scan3A_469, %get3A_531 : vector<16xf32>
          scf.yield %max3A, %max3A_476, %max3A_480, %max3A_484, %max3A_488, %max3A_492, %max3A_496, %max3A_500, %max3A_504, %max3A_508, %max3A_512, %max3A_516, %max3A_520, %max3A_524, %max3A_528, %max3A_532 : vector<16xf32>, vector<16xf32>, vector<16xf32>, vector<16xf32>, vector<16xf32>, vector<16xf32>, vector<16xf32>, vector<16xf32>, vector<16xf32>, vector<16xf32>, vector<16xf32>, vector<16xf32>, vector<16xf32>, vector<16xf32>, vector<16xf32>, vector<16xf32>
        }
        %scan3A_430 = arith.constant 24 : i32
        %add3A_431 = arith.constant 8 : i32
        %add3A_432 = arith.addi %mul3A_277, %add3A_431 : i32
        %add3A_433 = arith.constant 6 : i32
        %add3A_434 = arith.addi %add3A_432, %add3A_433 : i32
        %lt3A_435 = arith.cmpi slt, %add3A_434, %mul3A_133 : i32
        %convert_element_type3A_436 = arith.extui %lt3A_435 : i1 to i32
        %cond3A_437 = arith.constant 0 : i32
        %cond3A_438 = arith.cmpi ne, %convert_element_type3A_436, %cond3A_437 : i32
        scf.if %cond3A_438 {
          %mul3A_453 = arith.constant 24 : i32
          %mul3A_454 = arith.muli %add3A_434, %mul3A_453 : i32
          %dma_start3A_455 = tpu.memref_slice %arg12[%mul3A_454] : memref<16576xi32, #tpu.memory_space<vmem>> -> memref<24xi32, #tpu.memory_space<vmem>>
          %dma_start3A_456 = arith.constant 0 : i32
          %dma_start3A_457 = arith.constant 0 : i32
          %dma_start3A_458 = tpu.memref_slice %arg5[%dma_start3A_456, %dma_start3A_457] : memref<65536x256xf32, #tpu.memory_space<hbm>> -> memref<65536x256xf32, #tpu.memory_space<hbm>>
          tpu.enqueue_indirect_dma source(%dma_start3A_458 : memref<65536x256xf32, #tpu.memory_space<hbm>>) target(%arg19 : memref<24x256xf32, #tpu.memory_space<vmem>>) offsets(%dma_start3A_455 : memref<24xi32, #tpu.memory_space<vmem>>) semaphore(%arg28 : memref<!tpu.dma_semaphore, #tpu.memory_space<semaphore_mem>>)
        } else {
        }
        %add3A_439 = arith.constant 7 : i32
        %add3A_440 = arith.addi %mul3A_277, %add3A_439 : i32
        %mul3A_441 = arith.constant 24 : i32
        %mul3A_442 = arith.muli %add3A_440, %mul3A_441 : i32
        %dma_wait3A_443 = tpu.memref_slice %arg12[%mul3A_442] : memref<16576xi32, #tpu.memory_space<vmem>> -> memref<24xi32, #tpu.memory_space<vmem>>
        %dma_wait3A_444 = arith.constant 0 : i32
        %dma_wait3A_445 = arith.constant 0 : i32
        %dma_wait3A_446 = tpu.memref_slice %arg5[%dma_wait3A_444, %dma_wait3A_445] : memref<65536x256xf32, #tpu.memory_space<hbm>> -> memref<65536x256xf32, #tpu.memory_space<hbm>>
        tpu.wait_indirect_dma semaphore(%arg29 : memref<!tpu.dma_semaphore, #tpu.memory_space<semaphore_mem>>) src(%dma_wait3A_446 : memref<65536x256xf32, #tpu.memory_space<hbm>>) dst(%arg20 : memref<24x256xf32, #tpu.memory_space<vmem>>)
        %scan3A_447 = arith.constant 0 : i32
        %scan3A_448 = arith.constant 24 : i32
        %scan3A_449 = arith.addi %scan3A_447, %scan3A_448 : i32
        %scan3A_450 = arith.constant 1 : i32
        %scan3A_451:16 = scf.for %scan3A_453 = %scan3A_447 to %scan3A_449 step %scan3A_450 iter_args(%scan3A_454 = %scan3A_429#0, %scan3A_455 = %scan3A_429#1, %scan3A_456 = %scan3A_429#2, %scan3A_457 = %scan3A_429#3, %scan3A_458 = %scan3A_429#4, %scan3A_459 = %scan3A_429#5, %scan3A_460 = %scan3A_429#6, %scan3A_461 = %scan3A_429#7, %scan3A_462 = %scan3A_429#8, %scan3A_463 = %scan3A_429#9, %scan3A_464 = %scan3A_429#10, %scan3A_465 = %scan3A_429#11, %scan3A_466 = %scan3A_429#12, %scan3A_467 = %scan3A_429#13, %scan3A_468 = %scan3A_429#14, %scan3A_469 = %scan3A_429#15) -> (vector<16xf32>, vector<16xf32>, vector<16xf32>, vector<16xf32>, vector<16xf32>, vector<16xf32>, vector<16xf32>, vector<16xf32>, vector<16xf32>, vector<16xf32>, vector<16xf32>, vector<16xf32>, vector<16xf32>, vector<16xf32>, vector<16xf32>, vector<16xf32>)  : i32 {
          %get3A_470 = arith.index_cast %scan3A_453 : i32 to index
          %get3A_471 = arith.constant 0 : index
          %get3A_472 = tpu.vector_load %arg20[%get3A_470, %get3A_471] {strides = array<i32>} : memref<24x256xf32, #tpu.memory_space<vmem>>, vector<16xf32>,
          %max3A = arith.maximumf %scan3A_454, %get3A_472 : vector<16xf32>
          %get3A_473 = arith.index_cast %scan3A_453 : i32 to index
          %get3A_474 = arith.constant 16 : index
          %get3A_475 = tpu.vector_load %arg20[%get3A_473, %get3A_474] {strides = array<i32>} : memref<24x256xf32, #tpu.memory_space<vmem>>, vector<16xf32>,
          %max3A_476 = arith.maximumf %scan3A_455, %get3A_475 : vector<16xf32>
          %get3A_477 = arith.index_cast %scan3A_453 : i32 to index
          %get3A_478 = arith.constant 32 : index
          %get3A_479 = tpu.vector_load %arg20[%get3A_477, %get3A_478] {strides = array<i32>} : memref<24x256xf32, #tpu.memory_space<vmem>>, vector<16xf32>,
          %max3A_480 = arith.maximumf %scan3A_456, %get3A_479 : vector<16xf32>
          %get3A_481 = arith.index_cast %scan3A_453 : i32 to index
          %get3A_482 = arith.constant 48 : index
          %get3A_483 = tpu.vector_load %arg20[%get3A_481, %get3A_482] {strides = array<i32>} : memref<24x256xf32, #tpu.memory_space<vmem>>, vector<16xf32>,
          %max3A_484 = arith.maximumf %scan3A_457, %get3A_483 : vector<16xf32>
          %get3A_485 = arith.index_cast %scan3A_453 : i32 to index
          %get3A_486 = arith.constant 64 : index
          %get3A_487 = tpu.vector_load %arg20[%get3A_485, %get3A_486] {strides = array<i32>} : memref<24x256xf32, #tpu.memory_space<vmem>>, vector<16xf32>,
          %max3A_488 = arith.maximumf %scan3A_458, %get3A_487 : vector<16xf32>
          %get3A_489 = arith.index_cast %scan3A_453 : i32 to index
          %get3A_490 = arith.constant 80 : index
          %get3A_491 = tpu.vector_load %arg20[%get3A_489, %get3A_490] {strides = array<i32>} : memref<24x256xf32, #tpu.memory_space<vmem>>, vector<16xf32>,
          %max3A_492 = arith.maximumf %scan3A_459, %get3A_491 : vector<16xf32>
          %get3A_493 = arith.index_cast %scan3A_453 : i32 to index
          %get3A_494 = arith.constant 96 : index
          %get3A_495 = tpu.vector_load %arg20[%get3A_493, %get3A_494] {strides = array<i32>} : memref<24x256xf32, #tpu.memory_space<vmem>>, vector<16xf32>,
          %max3A_496 = arith.maximumf %scan3A_460, %get3A_495 : vector<16xf32>
          %get3A_497 = arith.index_cast %scan3A_453 : i32 to index
          %get3A_498 = arith.constant 112 : index
          %get3A_499 = tpu.vector_load %arg20[%get3A_497, %get3A_498] {strides = array<i32>} : memref<24x256xf32, #tpu.memory_space<vmem>>, vector<16xf32>,
          %max3A_500 = arith.maximumf %scan3A_461, %get3A_499 : vector<16xf32>
          %get3A_501 = arith.index_cast %scan3A_453 : i32 to index
          %get3A_502 = arith.constant 128 : index
          %get3A_503 = tpu.vector_load %arg20[%get3A_501, %get3A_502] {strides = array<i32>} : memref<24x256xf32, #tpu.memory_space<vmem>>, vector<16xf32>,
          %max3A_504 = arith.maximumf %scan3A_462, %get3A_503 : vector<16xf32>
          %get3A_505 = arith.index_cast %scan3A_453 : i32 to index
          %get3A_506 = arith.constant 144 : index
          %get3A_507 = tpu.vector_load %arg20[%get3A_505, %get3A_506] {strides = array<i32>} : memref<24x256xf32, #tpu.memory_space<vmem>>, vector<16xf32>,
          %max3A_508 = arith.maximumf %scan3A_463, %get3A_507 : vector<16xf32>
          %get3A_509 = arith.index_cast %scan3A_453 : i32 to index
          %get3A_510 = arith.constant 160 : index
          %get3A_511 = tpu.vector_load %arg20[%get3A_509, %get3A_510] {strides = array<i32>} : memref<24x256xf32, #tpu.memory_space<vmem>>, vector<16xf32>,
          %max3A_512 = arith.maximumf %scan3A_464, %get3A_511 : vector<16xf32>
          %get3A_513 = arith.index_cast %scan3A_453 : i32 to index
          %get3A_514 = arith.constant 176 : index
          %get3A_515 = tpu.vector_load %arg20[%get3A_513, %get3A_514] {strides = array<i32>} : memref<24x256xf32, #tpu.memory_space<vmem>>, vector<16xf32>,
          %max3A_516 = arith.maximumf %scan3A_465, %get3A_515 : vector<16xf32>
          %get3A_517 = arith.index_cast %scan3A_453 : i32 to index
          %get3A_518 = arith.constant 192 : index
          %get3A_519 = tpu.vector_load %arg20[%get3A_517, %get3A_518] {strides = array<i32>} : memref<24x256xf32, #tpu.memory_space<vmem>>, vector<16xf32>,
          %max3A_520 = arith.maximumf %scan3A_466, %get3A_519 : vector<16xf32>
          %get3A_521 = arith.index_cast %scan3A_453 : i32 to index
          %get3A_522 = arith.constant 208 : index
          %get3A_523 = tpu.vector_load %arg20[%get3A_521, %get3A_522] {strides = array<i32>} : memref<24x256xf32, #tpu.memory_space<vmem>>, vector<16xf32>,
          %max3A_524 = arith.maximumf %scan3A_467, %get3A_523 : vector<16xf32>
          %get3A_525 = arith.index_cast %scan3A_453 : i32 to index
          %get3A_526 = arith.constant 224 : index
          %get3A_527 = tpu.vector_load %arg20[%get3A_525, %get3A_526] {strides = array<i32>} : memref<24x256xf32, #tpu.memory_space<vmem>>, vector<16xf32>,
          %max3A_528 = arith.maximumf %scan3A_468, %get3A_527 : vector<16xf32>
          %get3A_529 = arith.index_cast %scan3A_453 : i32 to index
          %get3A_530 = arith.constant 240 : index
          %get3A_531 = tpu.vector_load %arg20[%get3A_529, %get3A_530] {strides = array<i32>} : memref<24x256xf32, #tpu.memory_space<vmem>>, vector<16xf32>,
          %max3A_532 = arith.maximumf %scan3A_469, %get3A_531 : vector<16xf32>
          scf.yield %max3A, %max3A_476, %max3A_480, %max3A_484, %max3A_488, %max3A_492, %max3A_496, %max3A_500, %max3A_504, %max3A_508, %max3A_512, %max3A_516, %max3A_520, %max3A_524, %max3A_528, %max3A_532 : vector<16xf32>, vector<16xf32>, vector<16xf32>, vector<16xf32>, vector<16xf32>, vector<16xf32>, vector<16xf32>, vector<16xf32>, vector<16xf32>, vector<16xf32>, vector<16xf32>, vector<16xf32>, vector<16xf32>, vector<16xf32>, vector<16xf32>, vector<16xf32>
        }
        %scan3A_452 = arith.constant 24 : i32
        scf.yield %scan3A_451#0, %scan3A_451#1, %scan3A_451#2, %scan3A_451#3, %scan3A_451#4, %scan3A_451#5, %scan3A_451#6, %scan3A_451#7, %scan3A_451#8, %scan3A_451#9, %scan3A_451#10, %scan3A_451#11, %scan3A_451#12, %scan3A_451#13, %scan3A_451#14, %scan3A_451#15 : vector<16xf32>, vector<16xf32>, vector<16xf32>, vector<16xf32>, vector<16xf32>, vector<16xf32>, vector<16xf32>, vector<16xf32>, vector<16xf32>, vector<16xf32>, vector<16xf32>, vector<16xf32>, vector<16xf32>, vector<16xf32>, vector<16xf32>, vector<16xf32>
      }
      %while3A_175 = arith.constant 1 : i32
      %while3A_176:16 = scf.for %while3A_259 = %while3A_172 to %while3A_168 step %while3A_175 iter_args(%while3A_260 = %while3A_174#0, %while3A_261 = %while3A_174#1, %while3A_262 = %while3A_174#2, %while3A_263 = %while3A_174#3, %while3A_264 = %while3A_174#4, %while3A_265 = %while3A_174#5, %while3A_266 = %while3A_174#6, %while3A_267 = %while3A_174#7, %while3A_268 = %while3A_174#8, %while3A_269 = %while3A_174#9, %while3A_270 = %while3A_174#10, %while3A_271 = %while3A_174#11, %while3A_272 = %while3A_174#12, %while3A_273 = %while3A_174#13, %while3A_274 = %while3A_174#14, %while3A_275 = %while3A_174#15) -> (vector<16xf32>, vector<16xf32>, vector<16xf32>, vector<16xf32>, vector<16xf32>, vector<16xf32>, vector<16xf32>, vector<16xf32>, vector<16xf32>, vector<16xf32>, vector<16xf32>, vector<16xf32>, vector<16xf32>, vector<16xf32>, vector<16xf32>, vector<16xf32>)  : i32 {
        %mul3A_276 = arith.constant 8 : i32
        %mul3A_277 = arith.muli %mul3A_276, %while3A_259 : i32
        %add3A_278 = arith.constant 8 : i32
        %add3A_279 = arith.addi %mul3A_277, %add3A_278 : i32
        %sub3A_280 = arith.constant 1 : i32
        %sub3A_281 = arith.subi %add3A_279, %sub3A_280 : i32
        %mul3A_282 = arith.constant 24 : i32
        %mul3A_283 = arith.muli %sub3A_281, %mul3A_282 : i32
        %dma_start3A = tpu.memref_slice %arg12[%mul3A_283] : memref<16576xi32, #tpu.memory_space<vmem>> -> memref<24xi32, #tpu.memory_space<vmem>>
        %dma_start3A_284 = arith.constant 0 : i32
        %dma_start3A_285 = arith.constant 0 : i32
        %dma_start3A_286 = tpu.memref_slice %arg5[%dma_start3A_284, %dma_start3A_285] : memref<65536x256xf32, #tpu.memory_space<hbm>> -> memref<65536x256xf32, #tpu.memory_space<hbm>>
        tpu.enqueue_indirect_dma source(%dma_start3A_286 : memref<65536x256xf32, #tpu.memory_space<hbm>>) target(%arg20 : memref<24x256xf32, #tpu.memory_space<vmem>>) offsets(%dma_start3A : memref<24xi32, #tpu.memory_space<vmem>>) semaphore(%arg29 : memref<!tpu.dma_semaphore, #tpu.memory_space<semaphore_mem>>)
        %add3A_287 = arith.constant 0 : i32
        %add3A_288 = arith.addi %mul3A_277, %add3A_287 : i32
        %mul3A_289 = arith.constant 24 : i32
        %mul3A_290 = arith.muli %add3A_288, %mul3A_289 : i32
        %dma_wait3A = tpu.memref_slice %arg12[%mul3A_290] : memref<16576xi32, #tpu.memory_space<vmem>> -> memref<24xi32, #tpu.memory_space<vmem>>
        %dma_wait3A_291 = arith.constant 0 : i32
        %dma_wait3A_292 = arith.constant 0 : i32
        %dma_wait3A_293 = tpu.memref_slice %arg5[%dma_wait3A_291, %dma_wait3A_292] : memref<65536x256xf32, #tpu.memory_space<hbm>> -> memref<65536x256xf32, #tpu.memory_space<hbm>>
        tpu.wait_indirect_dma semaphore(%arg22 : memref<!tpu.dma_semaphore, #tpu.memory_space<semaphore_mem>>) src(%dma_wait3A_293 : memref<65536x256xf32, #tpu.memory_space<hbm>>) dst(%arg13 : memref<24x256xf32, #tpu.memory_space<vmem>>)
        %scan3A_294 = arith.constant 0 : i32
        %scan3A_295 = arith.constant 24 : i32
        %scan3A_296 = arith.addi %scan3A_294, %scan3A_295 : i32
        %scan3A_297 = arith.constant 1 : i32
        %scan3A_298:16 = scf.for %scan3A_453 = %scan3A_294 to %scan3A_296 step %scan3A_297 iter_args(%scan3A_454 = %while3A_260, %scan3A_455 = %while3A_261, %scan3A_456 = %while3A_262, %scan3A_457 = %while3A_263, %scan3A_458 = %while3A_264, %scan3A_459 = %while3A_265, %scan3A_460 = %while3A_266, %scan3A_461 = %while3A_267, %scan3A_462 = %while3A_268, %scan3A_463 = %while3A_269, %scan3A_464 = %while3A_270, %scan3A_465 = %while3A_271, %scan3A_466 = %while3A_272, %scan3A_467 = %while3A_273, %scan3A_468 = %while3A_274, %scan3A_469 = %while3A_275) -> (vector<16xf32>, vector<16xf32>, vector<16xf32>, vector<16xf32>, vector<16xf32>, vector<16xf32>, vector<16xf32>, vector<16xf32>, vector<16xf32>, vector<16xf32>, vector<16xf32>, vector<16xf32>, vector<16xf32>, vector<16xf32>, vector<16xf32>, vector<16xf32>)  : i32 {
          %get3A_470 = arith.index_cast %scan3A_453 : i32 to index
          %get3A_471 = arith.constant 0 : index
          %get3A_472 = tpu.vector_load %arg13[%get3A_470, %get3A_471] {strides = array<i32>} : memref<24x256xf32, #tpu.memory_space<vmem>>, vector<16xf32>,
          %max3A = arith.maximumf %scan3A_454, %get3A_472 : vector<16xf32>
          %get3A_473 = arith.index_cast %scan3A_453 : i32 to index
          %get3A_474 = arith.constant 16 : index
          %get3A_475 = tpu.vector_load %arg13[%get3A_473, %get3A_474] {strides = array<i32>} : memref<24x256xf32, #tpu.memory_space<vmem>>, vector<16xf32>,
          %max3A_476 = arith.maximumf %scan3A_455, %get3A_475 : vector<16xf32>
          %get3A_477 = arith.index_cast %scan3A_453 : i32 to index
          %get3A_478 = arith.constant 32 : index
          %get3A_479 = tpu.vector_load %arg13[%get3A_477, %get3A_478] {strides = array<i32>} : memref<24x256xf32, #tpu.memory_space<vmem>>, vector<16xf32>,
          %max3A_480 = arith.maximumf %scan3A_456, %get3A_479 : vector<16xf32>
          %get3A_481 = arith.index_cast %scan3A_453 : i32 to index
          %get3A_482 = arith.constant 48 : index
          %get3A_483 = tpu.vector_load %arg13[%get3A_481, %get3A_482] {strides = array<i32>} : memref<24x256xf32, #tpu.memory_space<vmem>>, vector<16xf32>,
          %max3A_484 = arith.maximumf %scan3A_457, %get3A_483 : vector<16xf32>
          %get3A_485 = arith.index_cast %scan3A_453 : i32 to index
          %get3A_486 = arith.constant 64 : index
          %get3A_487 = tpu.vector_load %arg13[%get3A_485, %get3A_486] {strides = array<i32>} : memref<24x256xf32, #tpu.memory_space<vmem>>, vector<16xf32>,
          %max3A_488 = arith.maximumf %scan3A_458, %get3A_487 : vector<16xf32>
          %get3A_489 = arith.index_cast %scan3A_453 : i32 to index
          %get3A_490 = arith.constant 80 : index
          %get3A_491 = tpu.vector_load %arg13[%get3A_489, %get3A_490] {strides = array<i32>} : memref<24x256xf32, #tpu.memory_space<vmem>>, vector<16xf32>,
          %max3A_492 = arith.maximumf %scan3A_459, %get3A_491 : vector<16xf32>
          %get3A_493 = arith.index_cast %scan3A_453 : i32 to index
          %get3A_494 = arith.constant 96 : index
          %get3A_495 = tpu.vector_load %arg13[%get3A_493, %get3A_494] {strides = array<i32>} : memref<24x256xf32, #tpu.memory_space<vmem>>, vector<16xf32>,
          %max3A_496 = arith.maximumf %scan3A_460, %get3A_495 : vector<16xf32>
          %get3A_497 = arith.index_cast %scan3A_453 : i32 to index
          %get3A_498 = arith.constant 112 : index
          %get3A_499 = tpu.vector_load %arg13[%get3A_497, %get3A_498] {strides = array<i32>} : memref<24x256xf32, #tpu.memory_space<vmem>>, vector<16xf32>,
          %max3A_500 = arith.maximumf %scan3A_461, %get3A_499 : vector<16xf32>
          %get3A_501 = arith.index_cast %scan3A_453 : i32 to index
          %get3A_502 = arith.constant 128 : index
          %get3A_503 = tpu.vector_load %arg13[%get3A_501, %get3A_502] {strides = array<i32>} : memref<24x256xf32, #tpu.memory_space<vmem>>, vector<16xf32>,
          %max3A_504 = arith.maximumf %scan3A_462, %get3A_503 : vector<16xf32>
          %get3A_505 = arith.index_cast %scan3A_453 : i32 to index
          %get3A_506 = arith.constant 144 : index
          %get3A_507 = tpu.vector_load %arg13[%get3A_505, %get3A_506] {strides = array<i32>} : memref<24x256xf32, #tpu.memory_space<vmem>>, vector<16xf32>,
          %max3A_508 = arith.maximumf %scan3A_463, %get3A_507 : vector<16xf32>
          %get3A_509 = arith.index_cast %scan3A_453 : i32 to index
          %get3A_510 = arith.constant 160 : index
          %get3A_511 = tpu.vector_load %arg13[%get3A_509, %get3A_510] {strides = array<i32>} : memref<24x256xf32, #tpu.memory_space<vmem>>, vector<16xf32>,
          %max3A_512 = arith.maximumf %scan3A_464, %get3A_511 : vector<16xf32>
          %get3A_513 = arith.index_cast %scan3A_453 : i32 to index
          %get3A_514 = arith.constant 176 : index
          %get3A_515 = tpu.vector_load %arg13[%get3A_513, %get3A_514] {strides = array<i32>} : memref<24x256xf32, #tpu.memory_space<vmem>>, vector<16xf32>,
          %max3A_516 = arith.maximumf %scan3A_465, %get3A_515 : vector<16xf32>
          %get3A_517 = arith.index_cast %scan3A_453 : i32 to index
          %get3A_518 = arith.constant 192 : index
          %get3A_519 = tpu.vector_load %arg13[%get3A_517, %get3A_518] {strides = array<i32>} : memref<24x256xf32, #tpu.memory_space<vmem>>, vector<16xf32>,
          %max3A_520 = arith.maximumf %scan3A_466, %get3A_519 : vector<16xf32>
          %get3A_521 = arith.index_cast %scan3A_453 : i32 to index
          %get3A_522 = arith.constant 208 : index
          %get3A_523 = tpu.vector_load %arg13[%get3A_521, %get3A_522] {strides = array<i32>} : memref<24x256xf32, #tpu.memory_space<vmem>>, vector<16xf32>,
          %max3A_524 = arith.maximumf %scan3A_467, %get3A_523 : vector<16xf32>
          %get3A_525 = arith.index_cast %scan3A_453 : i32 to index
          %get3A_526 = arith.constant 224 : index
          %get3A_527 = tpu.vector_load %arg13[%get3A_525, %get3A_526] {strides = array<i32>} : memref<24x256xf32, #tpu.memory_space<vmem>>, vector<16xf32>,
          %max3A_528 = arith.maximumf %scan3A_468, %get3A_527 : vector<16xf32>
          %get3A_529 = arith.index_cast %scan3A_453 : i32 to index
          %get3A_530 = arith.constant 240 : index
          %get3A_531 = tpu.vector_load %arg13[%get3A_529, %get3A_530] {strides = array<i32>} : memref<24x256xf32, #tpu.memory_space<vmem>>, vector<16xf32>,
          %max3A_532 = arith.maximumf %scan3A_469, %get3A_531 : vector<16xf32>
          scf.yield %max3A, %max3A_476, %max3A_480, %max3A_484, %max3A_488, %max3A_492, %max3A_496, %max3A_500, %max3A_504, %max3A_508, %max3A_512, %max3A_516, %max3A_520, %max3A_524, %max3A_528, %max3A_532 : vector<16xf32>, vector<16xf32>, vector<16xf32>, vector<16xf32>, vector<16xf32>, vector<16xf32>, vector<16xf32>, vector<16xf32>, vector<16xf32>, vector<16xf32>, vector<16xf32>, vector<16xf32>, vector<16xf32>, vector<16xf32>, vector<16xf32>, vector<16xf32>
        }
        %scan3A_299 = arith.constant 24 : i32
        %add3A_300 = arith.constant 8 : i32
        %add3A_301 = arith.addi %mul3A_277, %add3A_300 : i32
        %add3A_302 = arith.constant 0 : i32
        %add3A_303 = arith.addi %add3A_301, %add3A_302 : i32
        %lt3A = arith.cmpi slt, %add3A_303, %mul3A_133 : i32
        %convert_element_type3A_304 = arith.extui %lt3A : i1 to i32
        %cond3A_305 = arith.constant 0 : i32
        %cond3A_306 = arith.cmpi ne, %convert_element_type3A_304, %cond3A_305 : i32
        scf.if %cond3A_306 {
          %mul3A_453 = arith.constant 24 : i32
          %mul3A_454 = arith.muli %add3A_303, %mul3A_453 : i32
          %dma_start3A_455 = tpu.memref_slice %arg12[%mul3A_454] : memref<16576xi32, #tpu.memory_space<vmem>> -> memref<24xi32, #tpu.memory_space<vmem>>
          %dma_start3A_456 = arith.constant 0 : i32
          %dma_start3A_457 = arith.constant 0 : i32
          %dma_start3A_458 = tpu.memref_slice %arg5[%dma_start3A_456, %dma_start3A_457] : memref<65536x256xf32, #tpu.memory_space<hbm>> -> memref<65536x256xf32, #tpu.memory_space<hbm>>
          tpu.enqueue_indirect_dma source(%dma_start3A_458 : memref<65536x256xf32, #tpu.memory_space<hbm>>) target(%arg13 : memref<24x256xf32, #tpu.memory_space<vmem>>) offsets(%dma_start3A_455 : memref<24xi32, #tpu.memory_space<vmem>>) semaphore(%arg22 : memref<!tpu.dma_semaphore, #tpu.memory_space<semaphore_mem>>)
        } else {
        }
        %add3A_307 = arith.constant 1 : i32
        %add3A_308 = arith.addi %mul3A_277, %add3A_307 : i32
        %mul3A_309 = arith.constant 24 : i32
        %mul3A_310 = arith.muli %add3A_308, %mul3A_309 : i32
        %dma_wait3A_311 = tpu.memref_slice %arg12[%mul3A_310] : memref<16576xi32, #tpu.memory_space<vmem>> -> memref<24xi32, #tpu.memory_space<vmem>>
        %dma_wait3A_312 = arith.constant 0 : i32
        %dma_wait3A_313 = arith.constant 0 : i32
        %dma_wait3A_314 = tpu.memref_slice %arg5[%dma_wait3A_312, %dma_wait3A_313] : memref<65536x256xf32, #tpu.memory_space<hbm>> -> memref<65536x256xf32, #tpu.memory_space<hbm>>
        tpu.wait_indirect_dma semaphore(%arg23 : memref<!tpu.dma_semaphore, #tpu.memory_space<semaphore_mem>>) src(%dma_wait3A_314 : memref<65536x256xf32, #tpu.memory_space<hbm>>) dst(%arg14 : memref<24x256xf32, #tpu.memory_space<vmem>>)
        %scan3A_315 = arith.constant 0 : i32
        %scan3A_316 = arith.constant 24 : i32
        %scan3A_317 = arith.addi %scan3A_315, %scan3A_316 : i32
        %scan3A_318 = arith.constant 1 : i32
        %scan3A_319:16 = scf.for %scan3A_453 = %scan3A_315 to %scan3A_317 step %scan3A_318 iter_args(%scan3A_454 = %scan3A_298#0, %scan3A_455 = %scan3A_298#1, %scan3A_456 = %scan3A_298#2, %scan3A_457 = %scan3A_298#3, %scan3A_458 = %scan3A_298#4, %scan3A_459 = %scan3A_298#5, %scan3A_460 = %scan3A_298#6, %scan3A_461 = %scan3A_298#7, %scan3A_462 = %scan3A_298#8, %scan3A_463 = %scan3A_298#9, %scan3A_464 = %scan3A_298#10, %scan3A_465 = %scan3A_298#11, %scan3A_466 = %scan3A_298#12, %scan3A_467 = %scan3A_298#13, %scan3A_468 = %scan3A_298#14, %scan3A_469 = %scan3A_298#15) -> (vector<16xf32>, vector<16xf32>, vector<16xf32>, vector<16xf32>, vector<16xf32>, vector<16xf32>, vector<16xf32>, vector<16xf32>, vector<16xf32>, vector<16xf32>, vector<16xf32>, vector<16xf32>, vector<16xf32>, vector<16xf32>, vector<16xf32>, vector<16xf32>)  : i32 {
          %get3A_470 = arith.index_cast %scan3A_453 : i32 to index
          %get3A_471 = arith.constant 0 : index
          %get3A_472 = tpu.vector_load %arg14[%get3A_470, %get3A_471] {strides = array<i32>} : memref<24x256xf32, #tpu.memory_space<vmem>>, vector<16xf32>,
          %max3A = arith.maximumf %scan3A_454, %get3A_472 : vector<16xf32>
          %get3A_473 = arith.index_cast %scan3A_453 : i32 to index
          %get3A_474 = arith.constant 16 : index
          %get3A_475 = tpu.vector_load %arg14[%get3A_473, %get3A_474] {strides = array<i32>} : memref<24x256xf32, #tpu.memory_space<vmem>>, vector<16xf32>,
          %max3A_476 = arith.maximumf %scan3A_455, %get3A_475 : vector<16xf32>
          %get3A_477 = arith.index_cast %scan3A_453 : i32 to index
          %get3A_478 = arith.constant 32 : index
          %get3A_479 = tpu.vector_load %arg14[%get3A_477, %get3A_478] {strides = array<i32>} : memref<24x256xf32, #tpu.memory_space<vmem>>, vector<16xf32>,
          %max3A_480 = arith.maximumf %scan3A_456, %get3A_479 : vector<16xf32>
          %get3A_481 = arith.index_cast %scan3A_453 : i32 to index
          %get3A_482 = arith.constant 48 : index
          %get3A_483 = tpu.vector_load %arg14[%get3A_481, %get3A_482] {strides = array<i32>} : memref<24x256xf32, #tpu.memory_space<vmem>>, vector<16xf32>,
          %max3A_484 = arith.maximumf %scan3A_457, %get3A_483 : vector<16xf32>
          %get3A_485 = arith.index_cast %scan3A_453 : i32 to index
          %get3A_486 = arith.constant 64 : index
          %get3A_487 = tpu.vector_load %arg14[%get3A_485, %get3A_486] {strides = array<i32>} : memref<24x256xf32, #tpu.memory_space<vmem>>, vector<16xf32>,
          %max3A_488 = arith.maximumf %scan3A_458, %get3A_487 : vector<16xf32>
          %get3A_489 = arith.index_cast %scan3A_453 : i32 to index
          %get3A_490 = arith.constant 80 : index
          %get3A_491 = tpu.vector_load %arg14[%get3A_489, %get3A_490] {strides = array<i32>} : memref<24x256xf32, #tpu.memory_space<vmem>>, vector<16xf32>,
          %max3A_492 = arith.maximumf %scan3A_459, %get3A_491 : vector<16xf32>
          %get3A_493 = arith.index_cast %scan3A_453 : i32 to index
          %get3A_494 = arith.constant 96 : index
          %get3A_495 = tpu.vector_load %arg14[%get3A_493, %get3A_494] {strides = array<i32>} : memref<24x256xf32, #tpu.memory_space<vmem>>, vector<16xf32>,
          %max3A_496 = arith.maximumf %scan3A_460, %get3A_495 : vector<16xf32>
          %get3A_497 = arith.index_cast %scan3A_453 : i32 to index
          %get3A_498 = arith.constant 112 : index
          %get3A_499 = tpu.vector_load %arg14[%get3A_497, %get3A_498] {strides = array<i32>} : memref<24x256xf32, #tpu.memory_space<vmem>>, vector<16xf32>,
          %max3A_500 = arith.maximumf %scan3A_461, %get3A_499 : vector<16xf32>
          %get3A_501 = arith.index_cast %scan3A_453 : i32 to index
          %get3A_502 = arith.constant 128 : index
          %get3A_503 = tpu.vector_load %arg14[%get3A_501, %get3A_502] {strides = array<i32>} : memref<24x256xf32, #tpu.memory_space<vmem>>, vector<16xf32>,
          %max3A_504 = arith.maximumf %scan3A_462, %get3A_503 : vector<16xf32>
          %get3A_505 = arith.index_cast %scan3A_453 : i32 to index
          %get3A_506 = arith.constant 144 : index
          %get3A_507 = tpu.vector_load %arg14[%get3A_505, %get3A_506] {strides = array<i32>} : memref<24x256xf32, #tpu.memory_space<vmem>>, vector<16xf32>,
          %max3A_508 = arith.maximumf %scan3A_463, %get3A_507 : vector<16xf32>
          %get3A_509 = arith.index_cast %scan3A_453 : i32 to index
          %get3A_510 = arith.constant 160 : index
          %get3A_511 = tpu.vector_load %arg14[%get3A_509, %get3A_510] {strides = array<i32>} : memref<24x256xf32, #tpu.memory_space<vmem>>, vector<16xf32>,
          %max3A_512 = arith.maximumf %scan3A_464, %get3A_511 : vector<16xf32>
          %get3A_513 = arith.index_cast %scan3A_453 : i32 to index
          %get3A_514 = arith.constant 176 : index
          %get3A_515 = tpu.vector_load %arg14[%get3A_513, %get3A_514] {strides = array<i32>} : memref<24x256xf32, #tpu.memory_space<vmem>>, vector<16xf32>,
          %max3A_516 = arith.maximumf %scan3A_465, %get3A_515 : vector<16xf32>
          %get3A_517 = arith.index_cast %scan3A_453 : i32 to index
          %get3A_518 = arith.constant 192 : index
          %get3A_519 = tpu.vector_load %arg14[%get3A_517, %get3A_518] {strides = array<i32>} : memref<24x256xf32, #tpu.memory_space<vmem>>, vector<16xf32>,
          %max3A_520 = arith.maximumf %scan3A_466, %get3A_519 : vector<16xf32>
          %get3A_521 = arith.index_cast %scan3A_453 : i32 to index
          %get3A_522 = arith.constant 208 : index
          %get3A_523 = tpu.vector_load %arg14[%get3A_521, %get3A_522] {strides = array<i32>} : memref<24x256xf32, #tpu.memory_space<vmem>>, vector<16xf32>,
          %max3A_524 = arith.maximumf %scan3A_467, %get3A_523 : vector<16xf32>
          %get3A_525 = arith.index_cast %scan3A_453 : i32 to index
          %get3A_526 = arith.constant 224 : index
          %get3A_527 = tpu.vector_load %arg14[%get3A_525, %get3A_526] {strides = array<i32>} : memref<24x256xf32, #tpu.memory_space<vmem>>, vector<16xf32>,
          %max3A_528 = arith.maximumf %scan3A_468, %get3A_527 : vector<16xf32>
          %get3A_529 = arith.index_cast %scan3A_453 : i32 to index
          %get3A_530 = arith.constant 240 : index
          %get3A_531 = tpu.vector_load %arg14[%get3A_529, %get3A_530] {strides = array<i32>} : memref<24x256xf32, #tpu.memory_space<vmem>>, vector<16xf32>,
          %max3A_532 = arith.maximumf %scan3A_469, %get3A_531 : vector<16xf32>
          scf.yield %max3A, %max3A_476, %max3A_480, %max3A_484, %max3A_488, %max3A_492, %max3A_496, %max3A_500, %max3A_504, %max3A_508, %max3A_512, %max3A_516, %max3A_520, %max3A_524, %max3A_528, %max3A_532 : vector<16xf32>, vector<16xf32>, vector<16xf32>, vector<16xf32>, vector<16xf32>, vector<16xf32>, vector<16xf32>, vector<16xf32>, vector<16xf32>, vector<16xf32>, vector<16xf32>, vector<16xf32>, vector<16xf32>, vector<16xf32>, vector<16xf32>, vector<16xf32>
        }
        %scan3A_320 = arith.constant 24 : i32
        %add3A_321 = arith.constant 8 : i32
        %add3A_322 = arith.addi %mul3A_277, %add3A_321 : i32
        %add3A_323 = arith.constant 1 : i32
        %add3A_324 = arith.addi %add3A_322, %add3A_323 : i32
        %lt3A_325 = arith.cmpi slt, %add3A_324, %mul3A_133 : i32
        %convert_element_type3A_326 = arith.extui %lt3A_325 : i1 to i32
        %cond3A_327 = arith.constant 0 : i32
        %cond3A_328 = arith.cmpi ne, %convert_element_type3A_326, %cond3A_327 : i32
        scf.if %cond3A_328 {
          %mul3A_453 = arith.constant 24 : i32
          %mul3A_454 = arith.muli %add3A_324, %mul3A_453 : i32
          %dma_start3A_455 = tpu.memref_slice %arg12[%mul3A_454] : memref<16576xi32, #tpu.memory_space<vmem>> -> memref<24xi32, #tpu.memory_space<vmem>>
          %dma_start3A_456 = arith.constant 0 : i32
          %dma_start3A_457 = arith.constant 0 : i32
          %dma_start3A_458 = tpu.memref_slice %arg5[%dma_start3A_456, %dma_start3A_457] : memref<65536x256xf32, #tpu.memory_space<hbm>> -> memref<65536x256xf32, #tpu.memory_space<hbm>>
          tpu.enqueue_indirect_dma source(%dma_start3A_458 : memref<65536x256xf32, #tpu.memory_space<hbm>>) target(%arg14 : memref<24x256xf32, #tpu.memory_space<vmem>>) offsets(%dma_start3A_455 : memref<24xi32, #tpu.memory_space<vmem>>) semaphore(%arg23 : memref<!tpu.dma_semaphore, #tpu.memory_space<semaphore_mem>>)
        } else {
        }
        %add3A_329 = arith.constant 2 : i32
        %add3A_330 = arith.addi %mul3A_277, %add3A_329 : i32
        %mul3A_331 = arith.constant 24 : i32
        %mul3A_332 = arith.muli %add3A_330, %mul3A_331 : i32
        %dma_wait3A_333 = tpu.memref_slice %arg12[%mul3A_332] : memref<16576xi32, #tpu.memory_space<vmem>> -> memref<24xi32, #tpu.memory_space<vmem>>
        %dma_wait3A_334 = arith.constant 0 : i32
        %dma_wait3A_335 = arith.constant 0 : i32
        %dma_wait3A_336 = tpu.memref_slice %arg5[%dma_wait3A_334, %dma_wait3A_335] : memref<65536x256xf32, #tpu.memory_space<hbm>> -> memref<65536x256xf32, #tpu.memory_space<hbm>>
        tpu.wait_indirect_dma semaphore(%arg24 : memref<!tpu.dma_semaphore, #tpu.memory_space<semaphore_mem>>) src(%dma_wait3A_336 : memref<65536x256xf32, #tpu.memory_space<hbm>>) dst(%arg15 : memref<24x256xf32, #tpu.memory_space<vmem>>)
        %scan3A_337 = arith.constant 0 : i32
        %scan3A_338 = arith.constant 24 : i32
        %scan3A_339 = arith.addi %scan3A_337, %scan3A_338 : i32
        %scan3A_340 = arith.constant 1 : i32
        %scan3A_341:16 = scf.for %scan3A_453 = %scan3A_337 to %scan3A_339 step %scan3A_340 iter_args(%scan3A_454 = %scan3A_319#0, %scan3A_455 = %scan3A_319#1, %scan3A_456 = %scan3A_319#2, %scan3A_457 = %scan3A_319#3, %scan3A_458 = %scan3A_319#4, %scan3A_459 = %scan3A_319#5, %scan3A_460 = %scan3A_319#6, %scan3A_461 = %scan3A_319#7, %scan3A_462 = %scan3A_319#8, %scan3A_463 = %scan3A_319#9, %scan3A_464 = %scan3A_319#10, %scan3A_465 = %scan3A_319#11, %scan3A_466 = %scan3A_319#12, %scan3A_467 = %scan3A_319#13, %scan3A_468 = %scan3A_319#14, %scan3A_469 = %scan3A_319#15) -> (vector<16xf32>, vector<16xf32>, vector<16xf32>, vector<16xf32>, vector<16xf32>, vector<16xf32>, vector<16xf32>, vector<16xf32>, vector<16xf32>, vector<16xf32>, vector<16xf32>, vector<16xf32>, vector<16xf32>, vector<16xf32>, vector<16xf32>, vector<16xf32>)  : i32 {
          %get3A_470 = arith.index_cast %scan3A_453 : i32 to index
          %get3A_471 = arith.constant 0 : index
          %get3A_472 = tpu.vector_load %arg15[%get3A_470, %get3A_471] {strides = array<i32>} : memref<24x256xf32, #tpu.memory_space<vmem>>, vector<16xf32>,
          %max3A = arith.maximumf %scan3A_454, %get3A_472 : vector<16xf32>
          %get3A_473 = arith.index_cast %scan3A_453 : i32 to index
          %get3A_474 = arith.constant 16 : index
          %get3A_475 = tpu.vector_load %arg15[%get3A_473, %get3A_474] {strides = array<i32>} : memref<24x256xf32, #tpu.memory_space<vmem>>, vector<16xf32>,
          %max3A_476 = arith.maximumf %scan3A_455, %get3A_475 : vector<16xf32>
          %get3A_477 = arith.index_cast %scan3A_453 : i32 to index
          %get3A_478 = arith.constant 32 : index
          %get3A_479 = tpu.vector_load %arg15[%get3A_477, %get3A_478] {strides = array<i32>} : memref<24x256xf32, #tpu.memory_space<vmem>>, vector<16xf32>,
          %max3A_480 = arith.maximumf %scan3A_456, %get3A_479 : vector<16xf32>
          %get3A_481 = arith.index_cast %scan3A_453 : i32 to index
          %get3A_482 = arith.constant 48 : index
          %get3A_483 = tpu.vector_load %arg15[%get3A_481, %get3A_482] {strides = array<i32>} : memref<24x256xf32, #tpu.memory_space<vmem>>, vector<16xf32>,
          %max3A_484 = arith.maximumf %scan3A_457, %get3A_483 : vector<16xf32>
          %get3A_485 = arith.index_cast %scan3A_453 : i32 to index
          %get3A_486 = arith.constant 64 : index
          %get3A_487 = tpu.vector_load %arg15[%get3A_485, %get3A_486] {strides = array<i32>} : memref<24x256xf32, #tpu.memory_space<vmem>>, vector<16xf32>,
          %max3A_488 = arith.maximumf %scan3A_458, %get3A_487 : vector<16xf32>
          %get3A_489 = arith.index_cast %scan3A_453 : i32 to index
          %get3A_490 = arith.constant 80 : index
          %get3A_491 = tpu.vector_load %arg15[%get3A_489, %get3A_490] {strides = array<i32>} : memref<24x256xf32, #tpu.memory_space<vmem>>, vector<16xf32>,
          %max3A_492 = arith.maximumf %scan3A_459, %get3A_491 : vector<16xf32>
          %get3A_493 = arith.index_cast %scan3A_453 : i32 to index
          %get3A_494 = arith.constant 96 : index
          %get3A_495 = tpu.vector_load %arg15[%get3A_493, %get3A_494] {strides = array<i32>} : memref<24x256xf32, #tpu.memory_space<vmem>>, vector<16xf32>,
          %max3A_496 = arith.maximumf %scan3A_460, %get3A_495 : vector<16xf32>
          %get3A_497 = arith.index_cast %scan3A_453 : i32 to index
          %get3A_498 = arith.constant 112 : index
          %get3A_499 = tpu.vector_load %arg15[%get3A_497, %get3A_498] {strides = array<i32>} : memref<24x256xf32, #tpu.memory_space<vmem>>, vector<16xf32>,
          %max3A_500 = arith.maximumf %scan3A_461, %get3A_499 : vector<16xf32>
          %get3A_501 = arith.index_cast %scan3A_453 : i32 to index
          %get3A_502 = arith.constant 128 : index
          %get3A_503 = tpu.vector_load %arg15[%get3A_501, %get3A_502] {strides = array<i32>} : memref<24x256xf32, #tpu.memory_space<vmem>>, vector<16xf32>,
          %max3A_504 = arith.maximumf %scan3A_462, %get3A_503 : vector<16xf32>
          %get3A_505 = arith.index_cast %scan3A_453 : i32 to index
          %get3A_506 = arith.constant 144 : index
          %get3A_507 = tpu.vector_load %arg15[%get3A_505, %get3A_506] {strides = array<i32>} : memref<24x256xf32, #tpu.memory_space<vmem>>, vector<16xf32>,
          %max3A_508 = arith.maximumf %scan3A_463, %get3A_507 : vector<16xf32>
          %get3A_509 = arith.index_cast %scan3A_453 : i32 to index
          %get3A_510 = arith.constant 160 : index
          %get3A_511 = tpu.vector_load %arg15[%get3A_509, %get3A_510] {strides = array<i32>} : memref<24x256xf32, #tpu.memory_space<vmem>>, vector<16xf32>,
          %max3A_512 = arith.maximumf %scan3A_464, %get3A_511 : vector<16xf32>
          %get3A_513 = arith.index_cast %scan3A_453 : i32 to index
          %get3A_514 = arith.constant 176 : index
          %get3A_515 = tpu.vector_load %arg15[%get3A_513, %get3A_514] {strides = array<i32>} : memref<24x256xf32, #tpu.memory_space<vmem>>, vector<16xf32>,
          %max3A_516 = arith.maximumf %scan3A_465, %get3A_515 : vector<16xf32>
          %get3A_517 = arith.index_cast %scan3A_453 : i32 to index
          %get3A_518 = arith.constant 192 : index
          %get3A_519 = tpu.vector_load %arg15[%get3A_517, %get3A_518] {strides = array<i32>} : memref<24x256xf32, #tpu.memory_space<vmem>>, vector<16xf32>,
          %max3A_520 = arith.maximumf %scan3A_466, %get3A_519 : vector<16xf32>
          %get3A_521 = arith.index_cast %scan3A_453 : i32 to index
          %get3A_522 = arith.constant 208 : index
          %get3A_523 = tpu.vector_load %arg15[%get3A_521, %get3A_522] {strides = array<i32>} : memref<24x256xf32, #tpu.memory_space<vmem>>, vector<16xf32>,
          %max3A_524 = arith.maximumf %scan3A_467, %get3A_523 : vector<16xf32>
          %get3A_525 = arith.index_cast %scan3A_453 : i32 to index
          %get3A_526 = arith.constant 224 : index
          %get3A_527 = tpu.vector_load %arg15[%get3A_525, %get3A_526] {strides = array<i32>} : memref<24x256xf32, #tpu.memory_space<vmem>>, vector<16xf32>,
          %max3A_528 = arith.maximumf %scan3A_468, %get3A_527 : vector<16xf32>
          %get3A_529 = arith.index_cast %scan3A_453 : i32 to index
          %get3A_530 = arith.constant 240 : index
          %get3A_531 = tpu.vector_load %arg15[%get3A_529, %get3A_530] {strides = array<i32>} : memref<24x256xf32, #tpu.memory_space<vmem>>, vector<16xf32>,
          %max3A_532 = arith.maximumf %scan3A_469, %get3A_531 : vector<16xf32>
          scf.yield %max3A, %max3A_476, %max3A_480, %max3A_484, %max3A_488, %max3A_492, %max3A_496, %max3A_500, %max3A_504, %max3A_508, %max3A_512, %max3A_516, %max3A_520, %max3A_524, %max3A_528, %max3A_532 : vector<16xf32>, vector<16xf32>, vector<16xf32>, vector<16xf32>, vector<16xf32>, vector<16xf32>, vector<16xf32>, vector<16xf32>, vector<16xf32>, vector<16xf32>, vector<16xf32>, vector<16xf32>, vector<16xf32>, vector<16xf32>, vector<16xf32>, vector<16xf32>
        }
        %scan3A_342 = arith.constant 24 : i32
        %add3A_343 = arith.constant 8 : i32
        %add3A_344 = arith.addi %mul3A_277, %add3A_343 : i32
        %add3A_345 = arith.constant 2 : i32
        %add3A_346 = arith.addi %add3A_344, %add3A_345 : i32
        %lt3A_347 = arith.cmpi slt, %add3A_346, %mul3A_133 : i32
        %convert_element_type3A_348 = arith.extui %lt3A_347 : i1 to i32
        %cond3A_349 = arith.constant 0 : i32
        %cond3A_350 = arith.cmpi ne, %convert_element_type3A_348, %cond3A_349 : i32
        scf.if %cond3A_350 {
          %mul3A_453 = arith.constant 24 : i32
          %mul3A_454 = arith.muli %add3A_346, %mul3A_453 : i32
          %dma_start3A_455 = tpu.memref_slice %arg12[%mul3A_454] : memref<16576xi32, #tpu.memory_space<vmem>> -> memref<24xi32, #tpu.memory_space<vmem>>
          %dma_start3A_456 = arith.constant 0 : i32
          %dma_start3A_457 = arith.constant 0 : i32
          %dma_start3A_458 = tpu.memref_slice %arg5[%dma_start3A_456, %dma_start3A_457] : memref<65536x256xf32, #tpu.memory_space<hbm>> -> memref<65536x256xf32, #tpu.memory_space<hbm>>
          tpu.enqueue_indirect_dma source(%dma_start3A_458 : memref<65536x256xf32, #tpu.memory_space<hbm>>) target(%arg15 : memref<24x256xf32, #tpu.memory_space<vmem>>) offsets(%dma_start3A_455 : memref<24xi32, #tpu.memory_space<vmem>>) semaphore(%arg24 : memref<!tpu.dma_semaphore, #tpu.memory_space<semaphore_mem>>)
        } else {
        }
        %add3A_351 = arith.constant 3 : i32
        %add3A_352 = arith.addi %mul3A_277, %add3A_351 : i32
        %mul3A_353 = arith.constant 24 : i32
        %mul3A_354 = arith.muli %add3A_352, %mul3A_353 : i32
        %dma_wait3A_355 = tpu.memref_slice %arg12[%mul3A_354] : memref<16576xi32, #tpu.memory_space<vmem>> -> memref<24xi32, #tpu.memory_space<vmem>>
        %dma_wait3A_356 = arith.constant 0 : i32
        %dma_wait3A_357 = arith.constant 0 : i32
        %dma_wait3A_358 = tpu.memref_slice %arg5[%dma_wait3A_356, %dma_wait3A_357] : memref<65536x256xf32, #tpu.memory_space<hbm>> -> memref<65536x256xf32, #tpu.memory_space<hbm>>
        tpu.wait_indirect_dma semaphore(%arg25 : memref<!tpu.dma_semaphore, #tpu.memory_space<semaphore_mem>>) src(%dma_wait3A_358 : memref<65536x256xf32, #tpu.memory_space<hbm>>) dst(%arg16 : memref<24x256xf32, #tpu.memory_space<vmem>>)
        %scan3A_359 = arith.constant 0 : i32
        %scan3A_360 = arith.constant 24 : i32
        %scan3A_361 = arith.addi %scan3A_359, %scan3A_360 : i32
        %scan3A_362 = arith.constant 1 : i32
        %scan3A_363:16 = scf.for %scan3A_453 = %scan3A_359 to %scan3A_361 step %scan3A_362 iter_args(%scan3A_454 = %scan3A_341#0, %scan3A_455 = %scan3A_341#1, %scan3A_456 = %scan3A_341#2, %scan3A_457 = %scan3A_341#3, %scan3A_458 = %scan3A_341#4, %scan3A_459 = %scan3A_341#5, %scan3A_460 = %scan3A_341#6, %scan3A_461 = %scan3A_341#7, %scan3A_462 = %scan3A_341#8, %scan3A_463 = %scan3A_341#9, %scan3A_464 = %scan3A_341#10, %scan3A_465 = %scan3A_341#11, %scan3A_466 = %scan3A_341#12, %scan3A_467 = %scan3A_341#13, %scan3A_468 = %scan3A_341#14, %scan3A_469 = %scan3A_341#15) -> (vector<16xf32>, vector<16xf32>, vector<16xf32>, vector<16xf32>, vector<16xf32>, vector<16xf32>, vector<16xf32>, vector<16xf32>, vector<16xf32>, vector<16xf32>, vector<16xf32>, vector<16xf32>, vector<16xf32>, vector<16xf32>, vector<16xf32>, vector<16xf32>)  : i32 {
          %get3A_470 = arith.index_cast %scan3A_453 : i32 to index
          %get3A_471 = arith.constant 0 : index
          %get3A_472 = tpu.vector_load %arg16[%get3A_470, %get3A_471] {strides = array<i32>} : memref<24x256xf32, #tpu.memory_space<vmem>>, vector<16xf32>,
          %max3A = arith.maximumf %scan3A_454, %get3A_472 : vector<16xf32>
          %get3A_473 = arith.index_cast %scan3A_453 : i32 to index
          %get3A_474 = arith.constant 16 : index
          %get3A_475 = tpu.vector_load %arg16[%get3A_473, %get3A_474] {strides = array<i32>} : memref<24x256xf32, #tpu.memory_space<vmem>>, vector<16xf32>,
          %max3A_476 = arith.maximumf %scan3A_455, %get3A_475 : vector<16xf32>
          %get3A_477 = arith.index_cast %scan3A_453 : i32 to index
          %get3A_478 = arith.constant 32 : index
          %get3A_479 = tpu.vector_load %arg16[%get3A_477, %get3A_478] {strides = array<i32>} : memref<24x256xf32, #tpu.memory_space<vmem>>, vector<16xf32>,
          %max3A_480 = arith.maximumf %scan3A_456, %get3A_479 : vector<16xf32>
          %get3A_481 = arith.index_cast %scan3A_453 : i32 to index
          %get3A_482 = arith.constant 48 : index
          %get3A_483 = tpu.vector_load %arg16[%get3A_481, %get3A_482] {strides = array<i32>} : memref<24x256xf32, #tpu.memory_space<vmem>>, vector<16xf32>,
          %max3A_484 = arith.maximumf %scan3A_457, %get3A_483 : vector<16xf32>
          %get3A_485 = arith.index_cast %scan3A_453 : i32 to index
          %get3A_486 = arith.constant 64 : index
          %get3A_487 = tpu.vector_load %arg16[%get3A_485, %get3A_486] {strides = array<i32>} : memref<24x256xf32, #tpu.memory_space<vmem>>, vector<16xf32>,
          %max3A_488 = arith.maximumf %scan3A_458, %get3A_487 : vector<16xf32>
          %get3A_489 = arith.index_cast %scan3A_453 : i32 to index
          %get3A_490 = arith.constant 80 : index
          %get3A_491 = tpu.vector_load %arg16[%get3A_489, %get3A_490] {strides = array<i32>} : memref<24x256xf32, #tpu.memory_space<vmem>>, vector<16xf32>,
          %max3A_492 = arith.maximumf %scan3A_459, %get3A_491 : vector<16xf32>
          %get3A_493 = arith.index_cast %scan3A_453 : i32 to index
          %get3A_494 = arith.constant 96 : index
          %get3A_495 = tpu.vector_load %arg16[%get3A_493, %get3A_494] {strides = array<i32>} : memref<24x256xf32, #tpu.memory_space<vmem>>, vector<16xf32>,
          %max3A_496 = arith.maximumf %scan3A_460, %get3A_495 : vector<16xf32>
          %get3A_497 = arith.index_cast %scan3A_453 : i32 to index
          %get3A_498 = arith.constant 112 : index
          %get3A_499 = tpu.vector_load %arg16[%get3A_497, %get3A_498] {strides = array<i32>} : memref<24x256xf32, #tpu.memory_space<vmem>>, vector<16xf32>,
          %max3A_500 = arith.maximumf %scan3A_461, %get3A_499 : vector<16xf32>
          %get3A_501 = arith.index_cast %scan3A_453 : i32 to index
          %get3A_502 = arith.constant 128 : index
          %get3A_503 = tpu.vector_load %arg16[%get3A_501, %get3A_502] {strides = array<i32>} : memref<24x256xf32, #tpu.memory_space<vmem>>, vector<16xf32>,
          %max3A_504 = arith.maximumf %scan3A_462, %get3A_503 : vector<16xf32>
          %get3A_505 = arith.index_cast %scan3A_453 : i32 to index
          %get3A_506 = arith.constant 144 : index
          %get3A_507 = tpu.vector_load %arg16[%get3A_505, %get3A_506] {strides = array<i32>} : memref<24x256xf32, #tpu.memory_space<vmem>>, vector<16xf32>,
          %max3A_508 = arith.maximumf %scan3A_463, %get3A_507 : vector<16xf32>
          %get3A_509 = arith.index_cast %scan3A_453 : i32 to index
          %get3A_510 = arith.constant 160 : index
          %get3A_511 = tpu.vector_load %arg16[%get3A_509, %get3A_510] {strides = array<i32>} : memref<24x256xf32, #tpu.memory_space<vmem>>, vector<16xf32>,
          %max3A_512 = arith.maximumf %scan3A_464, %get3A_511 : vector<16xf32>
          %get3A_513 = arith.index_cast %scan3A_453 : i32 to index
          %get3A_514 = arith.constant 176 : index
          %get3A_515 = tpu.vector_load %arg16[%get3A_513, %get3A_514] {strides = array<i32>} : memref<24x256xf32, #tpu.memory_space<vmem>>, vector<16xf32>,
          %max3A_516 = arith.maximumf %scan3A_465, %get3A_515 : vector<16xf32>
          %get3A_517 = arith.index_cast %scan3A_453 : i32 to index
          %get3A_518 = arith.constant 192 : index
          %get3A_519 = tpu.vector_load %arg16[%get3A_517, %get3A_518] {strides = array<i32>} : memref<24x256xf32, #tpu.memory_space<vmem>>, vector<16xf32>,
          %max3A_520 = arith.maximumf %scan3A_466, %get3A_519 : vector<16xf32>
          %get3A_521 = arith.index_cast %scan3A_453 : i32 to index
          %get3A_522 = arith.constant 208 : index
          %get3A_523 = tpu.vector_load %arg16[%get3A_521, %get3A_522] {strides = array<i32>} : memref<24x256xf32, #tpu.memory_space<vmem>>, vector<16xf32>,
          %max3A_524 = arith.maximumf %scan3A_467, %get3A_523 : vector<16xf32>
          %get3A_525 = arith.index_cast %scan3A_453 : i32 to index
          %get3A_526 = arith.constant 224 : index
          %get3A_527 = tpu.vector_load %arg16[%get3A_525, %get3A_526] {strides = array<i32>} : memref<24x256xf32, #tpu.memory_space<vmem>>, vector<16xf32>,
          %max3A_528 = arith.maximumf %scan3A_468, %get3A_527 : vector<16xf32>
          %get3A_529 = arith.index_cast %scan3A_453 : i32 to index
          %get3A_530 = arith.constant 240 : index
          %get3A_531 = tpu.vector_load %arg16[%get3A_529, %get3A_530] {strides = array<i32>} : memref<24x256xf32, #tpu.memory_space<vmem>>, vector<16xf32>,
          %max3A_532 = arith.maximumf %scan3A_469, %get3A_531 : vector<16xf32>
          scf.yield %max3A, %max3A_476, %max3A_480, %max3A_484, %max3A_488, %max3A_492, %max3A_496, %max3A_500, %max3A_504, %max3A_508, %max3A_512, %max3A_516, %max3A_520, %max3A_524, %max3A_528, %max3A_532 : vector<16xf32>, vector<16xf32>, vector<16xf32>, vector<16xf32>, vector<16xf32>, vector<16xf32>, vector<16xf32>, vector<16xf32>, vector<16xf32>, vector<16xf32>, vector<16xf32>, vector<16xf32>, vector<16xf32>, vector<16xf32>, vector<16xf32>, vector<16xf32>
        }
        %scan3A_364 = arith.constant 24 : i32
        %add3A_365 = arith.constant 8 : i32
        %add3A_366 = arith.addi %mul3A_277, %add3A_365 : i32
        %add3A_367 = arith.constant 3 : i32
        %add3A_368 = arith.addi %add3A_366, %add3A_367 : i32
        %lt3A_369 = arith.cmpi slt, %add3A_368, %mul3A_133 : i32
        %convert_element_type3A_370 = arith.extui %lt3A_369 : i1 to i32
        %cond3A_371 = arith.constant 0 : i32
        %cond3A_372 = arith.cmpi ne, %convert_element_type3A_370, %cond3A_371 : i32
        scf.if %cond3A_372 {
          %mul3A_453 = arith.constant 24 : i32
          %mul3A_454 = arith.muli %add3A_368, %mul3A_453 : i32
          %dma_start3A_455 = tpu.memref_slice %arg12[%mul3A_454] : memref<16576xi32, #tpu.memory_space<vmem>> -> memref<24xi32, #tpu.memory_space<vmem>>
          %dma_start3A_456 = arith.constant 0 : i32
          %dma_start3A_457 = arith.constant 0 : i32
          %dma_start3A_458 = tpu.memref_slice %arg5[%dma_start3A_456, %dma_start3A_457] : memref<65536x256xf32, #tpu.memory_space<hbm>> -> memref<65536x256xf32, #tpu.memory_space<hbm>>
          tpu.enqueue_indirect_dma source(%dma_start3A_458 : memref<65536x256xf32, #tpu.memory_space<hbm>>) target(%arg16 : memref<24x256xf32, #tpu.memory_space<vmem>>) offsets(%dma_start3A_455 : memref<24xi32, #tpu.memory_space<vmem>>) semaphore(%arg25 : memref<!tpu.dma_semaphore, #tpu.memory_space<semaphore_mem>>)
        } else {
        }
        %add3A_373 = arith.constant 4 : i32
        %add3A_374 = arith.addi %mul3A_277, %add3A_373 : i32
        %mul3A_375 = arith.constant 24 : i32
        %mul3A_376 = arith.muli %add3A_374, %mul3A_375 : i32
        %dma_wait3A_377 = tpu.memref_slice %arg12[%mul3A_376] : memref<16576xi32, #tpu.memory_space<vmem>> -> memref<24xi32, #tpu.memory_space<vmem>>
        %dma_wait3A_378 = arith.constant 0 : i32
        %dma_wait3A_379 = arith.constant 0 : i32
        %dma_wait3A_380 = tpu.memref_slice %arg5[%dma_wait3A_378, %dma_wait3A_379] : memref<65536x256xf32, #tpu.memory_space<hbm>> -> memref<65536x256xf32, #tpu.memory_space<hbm>>
        tpu.wait_indirect_dma semaphore(%arg26 : memref<!tpu.dma_semaphore, #tpu.memory_space<semaphore_mem>>) src(%dma_wait3A_380 : memref<65536x256xf32, #tpu.memory_space<hbm>>) dst(%arg17 : memref<24x256xf32, #tpu.memory_space<vmem>>)
        %scan3A_381 = arith.constant 0 : i32
        %scan3A_382 = arith.constant 24 : i32
        %scan3A_383 = arith.addi %scan3A_381, %scan3A_382 : i32
        %scan3A_384 = arith.constant 1 : i32
        %scan3A_385:16 = scf.for %scan3A_453 = %scan3A_381 to %scan3A_383 step %scan3A_384 iter_args(%scan3A_454 = %scan3A_363#0, %scan3A_455 = %scan3A_363#1, %scan3A_456 = %scan3A_363#2, %scan3A_457 = %scan3A_363#3, %scan3A_458 = %scan3A_363#4, %scan3A_459 = %scan3A_363#5, %scan3A_460 = %scan3A_363#6, %scan3A_461 = %scan3A_363#7, %scan3A_462 = %scan3A_363#8, %scan3A_463 = %scan3A_363#9, %scan3A_464 = %scan3A_363#10, %scan3A_465 = %scan3A_363#11, %scan3A_466 = %scan3A_363#12, %scan3A_467 = %scan3A_363#13, %scan3A_468 = %scan3A_363#14, %scan3A_469 = %scan3A_363#15) -> (vector<16xf32>, vector<16xf32>, vector<16xf32>, vector<16xf32>, vector<16xf32>, vector<16xf32>, vector<16xf32>, vector<16xf32>, vector<16xf32>, vector<16xf32>, vector<16xf32>, vector<16xf32>, vector<16xf32>, vector<16xf32>, vector<16xf32>, vector<16xf32>)  : i32 {
          %get3A_470 = arith.index_cast %scan3A_453 : i32 to index
          %get3A_471 = arith.constant 0 : index
          %get3A_472 = tpu.vector_load %arg17[%get3A_470, %get3A_471] {strides = array<i32>} : memref<24x256xf32, #tpu.memory_space<vmem>>, vector<16xf32>,
          %max3A = arith.maximumf %scan3A_454, %get3A_472 : vector<16xf32>
          %get3A_473 = arith.index_cast %scan3A_453 : i32 to index
          %get3A_474 = arith.constant 16 : index
          %get3A_475 = tpu.vector_load %arg17[%get3A_473, %get3A_474] {strides = array<i32>} : memref<24x256xf32, #tpu.memory_space<vmem>>, vector<16xf32>,
          %max3A_476 = arith.maximumf %scan3A_455, %get3A_475 : vector<16xf32>
          %get3A_477 = arith.index_cast %scan3A_453 : i32 to index
          %get3A_478 = arith.constant 32 : index
          %get3A_479 = tpu.vector_load %arg17[%get3A_477, %get3A_478] {strides = array<i32>} : memref<24x256xf32, #tpu.memory_space<vmem>>, vector<16xf32>,
          %max3A_480 = arith.maximumf %scan3A_456, %get3A_479 : vector<16xf32>
          %get3A_481 = arith.index_cast %scan3A_453 : i32 to index
          %get3A_482 = arith.constant 48 : index
          %get3A_483 = tpu.vector_load %arg17[%get3A_481, %get3A_482] {strides = array<i32>} : memref<24x256xf32, #tpu.memory_space<vmem>>, vector<16xf32>,
          %max3A_484 = arith.maximumf %scan3A_457, %get3A_483 : vector<16xf32>
          %get3A_485 = arith.index_cast %scan3A_453 : i32 to index
          %get3A_486 = arith.constant 64 : index
          %get3A_487 = tpu.vector_load %arg17[%get3A_485, %get3A_486] {strides = array<i32>} : memref<24x256xf32, #tpu.memory_space<vmem>>, vector<16xf32>,
          %max3A_488 = arith.maximumf %scan3A_458, %get3A_487 : vector<16xf32>
          %get3A_489 = arith.index_cast %scan3A_453 : i32 to index
          %get3A_490 = arith.constant 80 : index
          %get3A_491 = tpu.vector_load %arg17[%get3A_489, %get3A_490] {strides = array<i32>} : memref<24x256xf32, #tpu.memory_space<vmem>>, vector<16xf32>,
          %max3A_492 = arith.maximumf %scan3A_459, %get3A_491 : vector<16xf32>
          %get3A_493 = arith.index_cast %scan3A_453 : i32 to index
          %get3A_494 = arith.constant 96 : index
          %get3A_495 = tpu.vector_load %arg17[%get3A_493, %get3A_494] {strides = array<i32>} : memref<24x256xf32, #tpu.memory_space<vmem>>, vector<16xf32>,
          %max3A_496 = arith.maximumf %scan3A_460, %get3A_495 : vector<16xf32>
          %get3A_497 = arith.index_cast %scan3A_453 : i32 to index
          %get3A_498 = arith.constant 112 : index
          %get3A_499 = tpu.vector_load %arg17[%get3A_497, %get3A_498] {strides = array<i32>} : memref<24x256xf32, #tpu.memory_space<vmem>>, vector<16xf32>,
          %max3A_500 = arith.maximumf %scan3A_461, %get3A_499 : vector<16xf32>
          %get3A_501 = arith.index_cast %scan3A_453 : i32 to index
          %get3A_502 = arith.constant 128 : index
          %get3A_503 = tpu.vector_load %arg17[%get3A_501, %get3A_502] {strides = array<i32>} : memref<24x256xf32, #tpu.memory_space<vmem>>, vector<16xf32>,
          %max3A_504 = arith.maximumf %scan3A_462, %get3A_503 : vector<16xf32>
          %get3A_505 = arith.index_cast %scan3A_453 : i32 to index
          %get3A_506 = arith.constant 144 : index
          %get3A_507 = tpu.vector_load %arg17[%get3A_505, %get3A_506] {strides = array<i32>} : memref<24x256xf32, #tpu.memory_space<vmem>>, vector<16xf32>,
          %max3A_508 = arith.maximumf %scan3A_463, %get3A_507 : vector<16xf32>
          %get3A_509 = arith.index_cast %scan3A_453 : i32 to index
          %get3A_510 = arith.constant 160 : index
          %get3A_511 = tpu.vector_load %arg17[%get3A_509, %get3A_510] {strides = array<i32>} : memref<24x256xf32, #tpu.memory_space<vmem>>, vector<16xf32>,
          %max3A_512 = arith.maximumf %scan3A_464, %get3A_511 : vector<16xf32>
          %get3A_513 = arith.index_cast %scan3A_453 : i32 to index
          %get3A_514 = arith.constant 176 : index
          %get3A_515 = tpu.vector_load %arg17[%get3A_513, %get3A_514] {strides = array<i32>} : memref<24x256xf32, #tpu.memory_space<vmem>>, vector<16xf32>,
          %max3A_516 = arith.maximumf %scan3A_465, %get3A_515 : vector<16xf32>
          %get3A_517 = arith.index_cast %scan3A_453 : i32 to index
          %get3A_518 = arith.constant 192 : index
          %get3A_519 = tpu.vector_load %arg17[%get3A_517, %get3A_518] {strides = array<i32>} : memref<24x256xf32, #tpu.memory_space<vmem>>, vector<16xf32>,
          %max3A_520 = arith.maximumf %scan3A_466, %get3A_519 : vector<16xf32>
          %get3A_521 = arith.index_cast %scan3A_453 : i32 to index
          %get3A_522 = arith.constant 208 : index
          %get3A_523 = tpu.vector_load %arg17[%get3A_521, %get3A_522] {strides = array<i32>} : memref<24x256xf32, #tpu.memory_space<vmem>>, vector<16xf32>,
          %max3A_524 = arith.maximumf %scan3A_467, %get3A_523 : vector<16xf32>
          %get3A_525 = arith.index_cast %scan3A_453 : i32 to index
          %get3A_526 = arith.constant 224 : index
          %get3A_527 = tpu.vector_load %arg17[%get3A_525, %get3A_526] {strides = array<i32>} : memref<24x256xf32, #tpu.memory_space<vmem>>, vector<16xf32>,
          %max3A_528 = arith.maximumf %scan3A_468, %get3A_527 : vector<16xf32>
          %get3A_529 = arith.index_cast %scan3A_453 : i32 to index
          %get3A_530 = arith.constant 240 : index
          %get3A_531 = tpu.vector_load %arg17[%get3A_529, %get3A_530] {strides = array<i32>} : memref<24x256xf32, #tpu.memory_space<vmem>>, vector<16xf32>,
          %max3A_532 = arith.maximumf %scan3A_469, %get3A_531 : vector<16xf32>
          scf.yield %max3A, %max3A_476, %max3A_480, %max3A_484, %max3A_488, %max3A_492, %max3A_496, %max3A_500, %max3A_504, %max3A_508, %max3A_512, %max3A_516, %max3A_520, %max3A_524, %max3A_528, %max3A_532 : vector<16xf32>, vector<16xf32>, vector<16xf32>, vector<16xf32>, vector<16xf32>, vector<16xf32>, vector<16xf32>, vector<16xf32>, vector<16xf32>, vector<16xf32>, vector<16xf32>, vector<16xf32>, vector<16xf32>, vector<16xf32>, vector<16xf32>, vector<16xf32>
        }
        %scan3A_386 = arith.constant 24 : i32
        %add3A_387 = arith.constant 8 : i32
        %add3A_388 = arith.addi %mul3A_277, %add3A_387 : i32
        %add3A_389 = arith.constant 4 : i32
        %add3A_390 = arith.addi %add3A_388, %add3A_389 : i32
        %lt3A_391 = arith.cmpi slt, %add3A_390, %mul3A_133 : i32
        %convert_element_type3A_392 = arith.extui %lt3A_391 : i1 to i32
        %cond3A_393 = arith.constant 0 : i32
        %cond3A_394 = arith.cmpi ne, %convert_element_type3A_392, %cond3A_393 : i32
        scf.if %cond3A_394 {
          %mul3A_453 = arith.constant 24 : i32
          %mul3A_454 = arith.muli %add3A_390, %mul3A_453 : i32
          %dma_start3A_455 = tpu.memref_slice %arg12[%mul3A_454] : memref<16576xi32, #tpu.memory_space<vmem>> -> memref<24xi32, #tpu.memory_space<vmem>>
          %dma_start3A_456 = arith.constant 0 : i32
          %dma_start3A_457 = arith.constant 0 : i32
          %dma_start3A_458 = tpu.memref_slice %arg5[%dma_start3A_456, %dma_start3A_457] : memref<65536x256xf32, #tpu.memory_space<hbm>> -> memref<65536x256xf32, #tpu.memory_space<hbm>>
          tpu.enqueue_indirect_dma source(%dma_start3A_458 : memref<65536x256xf32, #tpu.memory_space<hbm>>) target(%arg17 : memref<24x256xf32, #tpu.memory_space<vmem>>) offsets(%dma_start3A_455 : memref<24xi32, #tpu.memory_space<vmem>>) semaphore(%arg26 : memref<!tpu.dma_semaphore, #tpu.memory_space<semaphore_mem>>)
        } else {
        }
        %add3A_395 = arith.constant 5 : i32
        %add3A_396 = arith.addi %mul3A_277, %add3A_395 : i32
        %mul3A_397 = arith.constant 24 : i32
        %mul3A_398 = arith.muli %add3A_396, %mul3A_397 : i32
        %dma_wait3A_399 = tpu.memref_slice %arg12[%mul3A_398] : memref<16576xi32, #tpu.memory_space<vmem>> -> memref<24xi32, #tpu.memory_space<vmem>>
        %dma_wait3A_400 = arith.constant 0 : i32
        %dma_wait3A_401 = arith.constant 0 : i32
        %dma_wait3A_402 = tpu.memref_slice %arg5[%dma_wait3A_400, %dma_wait3A_401] : memref<65536x256xf32, #tpu.memory_space<hbm>> -> memref<65536x256xf32, #tpu.memory_space<hbm>>
        tpu.wait_indirect_dma semaphore(%arg27 : memref<!tpu.dma_semaphore, #tpu.memory_space<semaphore_mem>>) src(%dma_wait3A_402 : memref<65536x256xf32, #tpu.memory_space<hbm>>) dst(%arg18 : memref<24x256xf32, #tpu.memory_space<vmem>>)
        %scan3A_403 = arith.constant 0 : i32
        %scan3A_404 = arith.constant 24 : i32
        %scan3A_405 = arith.addi %scan3A_403, %scan3A_404 : i32
        %scan3A_406 = arith.constant 1 : i32
        %scan3A_407:16 = scf.for %scan3A_453 = %scan3A_403 to %scan3A_405 step %scan3A_406 iter_args(%scan3A_454 = %scan3A_385#0, %scan3A_455 = %scan3A_385#1, %scan3A_456 = %scan3A_385#2, %scan3A_457 = %scan3A_385#3, %scan3A_458 = %scan3A_385#4, %scan3A_459 = %scan3A_385#5, %scan3A_460 = %scan3A_385#6, %scan3A_461 = %scan3A_385#7, %scan3A_462 = %scan3A_385#8, %scan3A_463 = %scan3A_385#9, %scan3A_464 = %scan3A_385#10, %scan3A_465 = %scan3A_385#11, %scan3A_466 = %scan3A_385#12, %scan3A_467 = %scan3A_385#13, %scan3A_468 = %scan3A_385#14, %scan3A_469 = %scan3A_385#15) -> (vector<16xf32>, vector<16xf32>, vector<16xf32>, vector<16xf32>, vector<16xf32>, vector<16xf32>, vector<16xf32>, vector<16xf32>, vector<16xf32>, vector<16xf32>, vector<16xf32>, vector<16xf32>, vector<16xf32>, vector<16xf32>, vector<16xf32>, vector<16xf32>)  : i32 {
          %get3A_470 = arith.index_cast %scan3A_453 : i32 to index
          %get3A_471 = arith.constant 0 : index
          %get3A_472 = tpu.vector_load %arg18[%get3A_470, %get3A_471] {strides = array<i32>} : memref<24x256xf32, #tpu.memory_space<vmem>>, vector<16xf32>,
          %max3A = arith.maximumf %scan3A_454, %get3A_472 : vector<16xf32>
          %get3A_473 = arith.index_cast %scan3A_453 : i32 to index
          %get3A_474 = arith.constant 16 : index
          %get3A_475 = tpu.vector_load %arg18[%get3A_473, %get3A_474] {strides = array<i32>} : memref<24x256xf32, #tpu.memory_space<vmem>>, vector<16xf32>,
          %max3A_476 = arith.maximumf %scan3A_455, %get3A_475 : vector<16xf32>
          %get3A_477 = arith.index_cast %scan3A_453 : i32 to index
          %get3A_478 = arith.constant 32 : index
          %get3A_479 = tpu.vector_load %arg18[%get3A_477, %get3A_478] {strides = array<i32>} : memref<24x256xf32, #tpu.memory_space<vmem>>, vector<16xf32>,
          %max3A_480 = arith.maximumf %scan3A_456, %get3A_479 : vector<16xf32>
          %get3A_481 = arith.index_cast %scan3A_453 : i32 to index
          %get3A_482 = arith.constant 48 : index
          %get3A_483 = tpu.vector_load %arg18[%get3A_481, %get3A_482] {strides = array<i32>} : memref<24x256xf32, #tpu.memory_space<vmem>>, vector<16xf32>,
          %max3A_484 = arith.maximumf %scan3A_457, %get3A_483 : vector<16xf32>
          %get3A_485 = arith.index_cast %scan3A_453 : i32 to index
          %get3A_486 = arith.constant 64 : index
          %get3A_487 = tpu.vector_load %arg18[%get3A_485, %get3A_486] {strides = array<i32>} : memref<24x256xf32, #tpu.memory_space<vmem>>, vector<16xf32>,
          %max3A_488 = arith.maximumf %scan3A_458, %get3A_487 : vector<16xf32>
          %get3A_489 = arith.index_cast %scan3A_453 : i32 to index
          %get3A_490 = arith.constant 80 : index
          %get3A_491 = tpu.vector_load %arg18[%get3A_489, %get3A_490] {strides = array<i32>} : memref<24x256xf32, #tpu.memory_space<vmem>>, vector<16xf32>,
          %max3A_492 = arith.maximumf %scan3A_459, %get3A_491 : vector<16xf32>
          %get3A_493 = arith.index_cast %scan3A_453 : i32 to index
          %get3A_494 = arith.constant 96 : index
          %get3A_495 = tpu.vector_load %arg18[%get3A_493, %get3A_494] {strides = array<i32>} : memref<24x256xf32, #tpu.memory_space<vmem>>, vector<16xf32>,
          %max3A_496 = arith.maximumf %scan3A_460, %get3A_495 : vector<16xf32>
          %get3A_497 = arith.index_cast %scan3A_453 : i32 to index
          %get3A_498 = arith.constant 112 : index
          %get3A_499 = tpu.vector_load %arg18[%get3A_497, %get3A_498] {strides = array<i32>} : memref<24x256xf32, #tpu.memory_space<vmem>>, vector<16xf32>,
          %max3A_500 = arith.maximumf %scan3A_461, %get3A_499 : vector<16xf32>
          %get3A_501 = arith.index_cast %scan3A_453 : i32 to index
          %get3A_502 = arith.constant 128 : index
          %get3A_503 = tpu.vector_load %arg18[%get3A_501, %get3A_502] {strides = array<i32>} : memref<24x256xf32, #tpu.memory_space<vmem>>, vector<16xf32>,
          %max3A_504 = arith.maximumf %scan3A_462, %get3A_503 : vector<16xf32>
          %get3A_505 = arith.index_cast %scan3A_453 : i32 to index
          %get3A_506 = arith.constant 144 : index
          %get3A_507 = tpu.vector_load %arg18[%get3A_505, %get3A_506] {strides = array<i32>} : memref<24x256xf32, #tpu.memory_space<vmem>>, vector<16xf32>,
          %max3A_508 = arith.maximumf %scan3A_463, %get3A_507 : vector<16xf32>
          %get3A_509 = arith.index_cast %scan3A_453 : i32 to index
          %get3A_510 = arith.constant 160 : index
          %get3A_511 = tpu.vector_load %arg18[%get3A_509, %get3A_510] {strides = array<i32>} : memref<24x256xf32, #tpu.memory_space<vmem>>, vector<16xf32>,
          %max3A_512 = arith.maximumf %scan3A_464, %get3A_511 : vector<16xf32>
          %get3A_513 = arith.index_cast %scan3A_453 : i32 to index
          %get3A_514 = arith.constant 176 : index
          %get3A_515 = tpu.vector_load %arg18[%get3A_513, %get3A_514] {strides = array<i32>} : memref<24x256xf32, #tpu.memory_space<vmem>>, vector<16xf32>,
          %max3A_516 = arith.maximumf %scan3A_465, %get3A_515 : vector<16xf32>
          %get3A_517 = arith.index_cast %scan3A_453 : i32 to index
          %get3A_518 = arith.constant 192 : index
          %get3A_519 = tpu.vector_load %arg18[%get3A_517, %get3A_518] {strides = array<i32>} : memref<24x256xf32, #tpu.memory_space<vmem>>, vector<16xf32>,
          %max3A_520 = arith.maximumf %scan3A_466, %get3A_519 : vector<16xf32>
          %get3A_521 = arith.index_cast %scan3A_453 : i32 to index
          %get3A_522 = arith.constant 208 : index
          %get3A_523 = tpu.vector_load %arg18[%get3A_521, %get3A_522] {strides = array<i32>} : memref<24x256xf32, #tpu.memory_space<vmem>>, vector<16xf32>,
          %max3A_524 = arith.maximumf %scan3A_467, %get3A_523 : vector<16xf32>
          %get3A_525 = arith.index_cast %scan3A_453 : i32 to index
          %get3A_526 = arith.constant 224 : index
          %get3A_527 = tpu.vector_load %arg18[%get3A_525, %get3A_526] {strides = array<i32>} : memref<24x256xf32, #tpu.memory_space<vmem>>, vector<16xf32>,
          %max3A_528 = arith.maximumf %scan3A_468, %get3A_527 : vector<16xf32>
          %get3A_529 = arith.index_cast %scan3A_453 : i32 to index
          %get3A_530 = arith.constant 240 : index
          %get3A_531 = tpu.vector_load %arg18[%get3A_529, %get3A_530] {strides = array<i32>} : memref<24x256xf32, #tpu.memory_space<vmem>>, vector<16xf32>,
          %max3A_532 = arith.maximumf %scan3A_469, %get3A_531 : vector<16xf32>
          scf.yield %max3A, %max3A_476, %max3A_480, %max3A_484, %max3A_488, %max3A_492, %max3A_496, %max3A_500, %max3A_504, %max3A_508, %max3A_512, %max3A_516, %max3A_520, %max3A_524, %max3A_528, %max3A_532 : vector<16xf32>, vector<16xf32>, vector<16xf32>, vector<16xf32>, vector<16xf32>, vector<16xf32>, vector<16xf32>, vector<16xf32>, vector<16xf32>, vector<16xf32>, vector<16xf32>, vector<16xf32>, vector<16xf32>, vector<16xf32>, vector<16xf32>, vector<16xf32>
        }
        %scan3A_408 = arith.constant 24 : i32
        %add3A_409 = arith.constant 8 : i32
        %add3A_410 = arith.addi %mul3A_277, %add3A_409 : i32
        %add3A_411 = arith.constant 5 : i32
        %add3A_412 = arith.addi %add3A_410, %add3A_411 : i32
        %lt3A_413 = arith.cmpi slt, %add3A_412, %mul3A_133 : i32
        %convert_element_type3A_414 = arith.extui %lt3A_413 : i1 to i32
        %cond3A_415 = arith.constant 0 : i32
        %cond3A_416 = arith.cmpi ne, %convert_element_type3A_414, %cond3A_415 : i32
        scf.if %cond3A_416 {
          %mul3A_453 = arith.constant 24 : i32
          %mul3A_454 = arith.muli %add3A_412, %mul3A_453 : i32
          %dma_start3A_455 = tpu.memref_slice %arg12[%mul3A_454] : memref<16576xi32, #tpu.memory_space<vmem>> -> memref<24xi32, #tpu.memory_space<vmem>>
          %dma_start3A_456 = arith.constant 0 : i32
          %dma_start3A_457 = arith.constant 0 : i32
          %dma_start3A_458 = tpu.memref_slice %arg5[%dma_start3A_456, %dma_start3A_457] : memref<65536x256xf32, #tpu.memory_space<hbm>> -> memref<65536x256xf32, #tpu.memory_space<hbm>>
          tpu.enqueue_indirect_dma source(%dma_start3A_458 : memref<65536x256xf32, #tpu.memory_space<hbm>>) target(%arg18 : memref<24x256xf32, #tpu.memory_space<vmem>>) offsets(%dma_start3A_455 : memref<24xi32, #tpu.memory_space<vmem>>) semaphore(%arg27 : memref<!tpu.dma_semaphore, #tpu.memory_space<semaphore_mem>>)
        } else {
        }
        %add3A_417 = arith.constant 6 : i32
        %add3A_418 = arith.addi %mul3A_277, %add3A_417 : i32
        %mul3A_419 = arith.constant 24 : i32
        %mul3A_420 = arith.muli %add3A_418, %mul3A_419 : i32
        %dma_wait3A_421 = tpu.memref_slice %arg12[%mul3A_420] : memref<16576xi32, #tpu.memory_space<vmem>> -> memref<24xi32, #tpu.memory_space<vmem>>
        %dma_wait3A_422 = arith.constant 0 : i32
        %dma_wait3A_423 = arith.constant 0 : i32
        %dma_wait3A_424 = tpu.memref_slice %arg5[%dma_wait3A_422, %dma_wait3A_423] : memref<65536x256xf32, #tpu.memory_space<hbm>> -> memref<65536x256xf32, #tpu.memory_space<hbm>>
        tpu.wait_indirect_dma semaphore(%arg28 : memref<!tpu.dma_semaphore, #tpu.memory_space<semaphore_mem>>) src(%dma_wait3A_424 : memref<65536x256xf32, #tpu.memory_space<hbm>>) dst(%arg19 : memref<24x256xf32, #tpu.memory_space<vmem>>)
        %scan3A_425 = arith.constant 0 : i32
        %scan3A_426 = arith.constant 24 : i32
        %scan3A_427 = arith.addi %scan3A_425, %scan3A_426 : i32
        %scan3A_428 = arith.constant 1 : i32
        %scan3A_429:16 = scf.for %scan3A_453 = %scan3A_425 to %scan3A_427 step %scan3A_428 iter_args(%scan3A_454 = %scan3A_407#0, %scan3A_455 = %scan3A_407#1, %scan3A_456 = %scan3A_407#2, %scan3A_457 = %scan3A_407#3, %scan3A_458 = %scan3A_407#4, %scan3A_459 = %scan3A_407#5, %scan3A_460 = %scan3A_407#6, %scan3A_461 = %scan3A_407#7, %scan3A_462 = %scan3A_407#8, %scan3A_463 = %scan3A_407#9, %scan3A_464 = %scan3A_407#10, %scan3A_465 = %scan3A_407#11, %scan3A_466 = %scan3A_407#12, %scan3A_467 = %scan3A_407#13, %scan3A_468 = %scan3A_407#14, %scan3A_469 = %scan3A_407#15) -> (vector<16xf32>, vector<16xf32>, vector<16xf32>, vector<16xf32>, vector<16xf32>, vector<16xf32>, vector<16xf32>, vector<16xf32>, vector<16xf32>, vector<16xf32>, vector<16xf32>, vector<16xf32>, vector<16xf32>, vector<16xf32>, vector<16xf32>, vector<16xf32>)  : i32 {
          %get3A_470 = arith.index_cast %scan3A_453 : i32 to index
          %get3A_471 = arith.constant 0 : index
          %get3A_472 = tpu.vector_load %arg19[%get3A_470, %get3A_471] {strides = array<i32>} : memref<24x256xf32, #tpu.memory_space<vmem>>, vector<16xf32>,
          %max3A = arith.maximumf %scan3A_454, %get3A_472 : vector<16xf32>
          %get3A_473 = arith.index_cast %scan3A_453 : i32 to index
          %get3A_474 = arith.constant 16 : index
          %get3A_475 = tpu.vector_load %arg19[%get3A_473, %get3A_474] {strides = array<i32>} : memref<24x256xf32, #tpu.memory_space<vmem>>, vector<16xf32>,
          %max3A_476 = arith.maximumf %scan3A_455, %get3A_475 : vector<16xf32>
          %get3A_477 = arith.index_cast %scan3A_453 : i32 to index
          %get3A_478 = arith.constant 32 : index
          %get3A_479 = tpu.vector_load %arg19[%get3A_477, %get3A_478] {strides = array<i32>} : memref<24x256xf32, #tpu.memory_space<vmem>>, vector<16xf32>,
          %max3A_480 = arith.maximumf %scan3A_456, %get3A_479 : vector<16xf32>
          %get3A_481 = arith.index_cast %scan3A_453 : i32 to index
          %get3A_482 = arith.constant 48 : index
          %get3A_483 = tpu.vector_load %arg19[%get3A_481, %get3A_482] {strides = array<i32>} : memref<24x256xf32, #tpu.memory_space<vmem>>, vector<16xf32>,
          %max3A_484 = arith.maximumf %scan3A_457, %get3A_483 : vector<16xf32>
          %get3A_485 = arith.index_cast %scan3A_453 : i32 to index
          %get3A_486 = arith.constant 64 : index
          %get3A_487 = tpu.vector_load %arg19[%get3A_485, %get3A_486] {strides = array<i32>} : memref<24x256xf32, #tpu.memory_space<vmem>>, vector<16xf32>,
          %max3A_488 = arith.maximumf %scan3A_458, %get3A_487 : vector<16xf32>
          %get3A_489 = arith.index_cast %scan3A_453 : i32 to index
          %get3A_490 = arith.constant 80 : index
          %get3A_491 = tpu.vector_load %arg19[%get3A_489, %get3A_490] {strides = array<i32>} : memref<24x256xf32, #tpu.memory_space<vmem>>, vector<16xf32>,
          %max3A_492 = arith.maximumf %scan3A_459, %get3A_491 : vector<16xf32>
          %get3A_493 = arith.index_cast %scan3A_453 : i32 to index
          %get3A_494 = arith.constant 96 : index
          %get3A_495 = tpu.vector_load %arg19[%get3A_493, %get3A_494] {strides = array<i32>} : memref<24x256xf32, #tpu.memory_space<vmem>>, vector<16xf32>,
          %max3A_496 = arith.maximumf %scan3A_460, %get3A_495 : vector<16xf32>
          %get3A_497 = arith.index_cast %scan3A_453 : i32 to index
          %get3A_498 = arith.constant 112 : index
          %get3A_499 = tpu.vector_load %arg19[%get3A_497, %get3A_498] {strides = array<i32>} : memref<24x256xf32, #tpu.memory_space<vmem>>, vector<16xf32>,
          %max3A_500 = arith.maximumf %scan3A_461, %get3A_499 : vector<16xf32>
          %get3A_501 = arith.index_cast %scan3A_453 : i32 to index
          %get3A_502 = arith.constant 128 : index
          %get3A_503 = tpu.vector_load %arg19[%get3A_501, %get3A_502] {strides = array<i32>} : memref<24x256xf32, #tpu.memory_space<vmem>>, vector<16xf32>,
          %max3A_504 = arith.maximumf %scan3A_462, %get3A_503 : vector<16xf32>
          %get3A_505 = arith.index_cast %scan3A_453 : i32 to index
          %get3A_506 = arith.constant 144 : index
          %get3A_507 = tpu.vector_load %arg19[%get3A_505, %get3A_506] {strides = array<i32>} : memref<24x256xf32, #tpu.memory_space<vmem>>, vector<16xf32>,
          %max3A_508 = arith.maximumf %scan3A_463, %get3A_507 : vector<16xf32>
          %get3A_509 = arith.index_cast %scan3A_453 : i32 to index
          %get3A_510 = arith.constant 160 : index
          %get3A_511 = tpu.vector_load %arg19[%get3A_509, %get3A_510] {strides = array<i32>} : memref<24x256xf32, #tpu.memory_space<vmem>>, vector<16xf32>,
          %max3A_512 = arith.maximumf %scan3A_464, %get3A_511 : vector<16xf32>
          %get3A_513 = arith.index_cast %scan3A_453 : i32 to index
          %get3A_514 = arith.constant 176 : index
          %get3A_515 = tpu.vector_load %arg19[%get3A_513, %get3A_514] {strides = array<i32>} : memref<24x256xf32, #tpu.memory_space<vmem>>, vector<16xf32>,
          %max3A_516 = arith.maximumf %scan3A_465, %get3A_515 : vector<16xf32>
          %get3A_517 = arith.index_cast %scan3A_453 : i32 to index
          %get3A_518 = arith.constant 192 : index
          %get3A_519 = tpu.vector_load %arg19[%get3A_517, %get3A_518] {strides = array<i32>} : memref<24x256xf32, #tpu.memory_space<vmem>>, vector<16xf32>,
          %max3A_520 = arith.maximumf %scan3A_466, %get3A_519 : vector<16xf32>
          %get3A_521 = arith.index_cast %scan3A_453 : i32 to index
          %get3A_522 = arith.constant 208 : index
          %get3A_523 = tpu.vector_load %arg19[%get3A_521, %get3A_522] {strides = array<i32>} : memref<24x256xf32, #tpu.memory_space<vmem>>, vector<16xf32>,
          %max3A_524 = arith.maximumf %scan3A_467, %get3A_523 : vector<16xf32>
          %get3A_525 = arith.index_cast %scan3A_453 : i32 to index
          %get3A_526 = arith.constant 224 : index
          %get3A_527 = tpu.vector_load %arg19[%get3A_525, %get3A_526] {strides = array<i32>} : memref<24x256xf32, #tpu.memory_space<vmem>>, vector<16xf32>,
          %max3A_528 = arith.maximumf %scan3A_468, %get3A_527 : vector<16xf32>
          %get3A_529 = arith.index_cast %scan3A_453 : i32 to index
          %get3A_530 = arith.constant 240 : index
          %get3A_531 = tpu.vector_load %arg19[%get3A_529, %get3A_530] {strides = array<i32>} : memref<24x256xf32, #tpu.memory_space<vmem>>, vector<16xf32>,
          %max3A_532 = arith.maximumf %scan3A_469, %get3A_531 : vector<16xf32>
          scf.yield %max3A, %max3A_476, %max3A_480, %max3A_484, %max3A_488, %max3A_492, %max3A_496, %max3A_500, %max3A_504, %max3A_508, %max3A_512, %max3A_516, %max3A_520, %max3A_524, %max3A_528, %max3A_532 : vector<16xf32>, vector<16xf32>, vector<16xf32>, vector<16xf32>, vector<16xf32>, vector<16xf32>, vector<16xf32>, vector<16xf32>, vector<16xf32>, vector<16xf32>, vector<16xf32>, vector<16xf32>, vector<16xf32>, vector<16xf32>, vector<16xf32>, vector<16xf32>
        }
        %scan3A_430 = arith.constant 24 : i32
        %add3A_431 = arith.constant 8 : i32
        %add3A_432 = arith.addi %mul3A_277, %add3A_431 : i32
        %add3A_433 = arith.constant 6 : i32
        %add3A_434 = arith.addi %add3A_432, %add3A_433 : i32
        %lt3A_435 = arith.cmpi slt, %add3A_434, %mul3A_133 : i32
        %convert_element_type3A_436 = arith.extui %lt3A_435 : i1 to i32
        %cond3A_437 = arith.constant 0 : i32
        %cond3A_438 = arith.cmpi ne, %convert_element_type3A_436, %cond3A_437 : i32
        scf.if %cond3A_438 {
          %mul3A_453 = arith.constant 24 : i32
          %mul3A_454 = arith.muli %add3A_434, %mul3A_453 : i32
          %dma_start3A_455 = tpu.memref_slice %arg12[%mul3A_454] : memref<16576xi32, #tpu.memory_space<vmem>> -> memref<24xi32, #tpu.memory_space<vmem>>
          %dma_start3A_456 = arith.constant 0 : i32
          %dma_start3A_457 = arith.constant 0 : i32
          %dma_start3A_458 = tpu.memref_slice %arg5[%dma_start3A_456, %dma_start3A_457] : memref<65536x256xf32, #tpu.memory_space<hbm>> -> memref<65536x256xf32, #tpu.memory_space<hbm>>
          tpu.enqueue_indirect_dma source(%dma_start3A_458 : memref<65536x256xf32, #tpu.memory_space<hbm>>) target(%arg19 : memref<24x256xf32, #tpu.memory_space<vmem>>) offsets(%dma_start3A_455 : memref<24xi32, #tpu.memory_space<vmem>>) semaphore(%arg28 : memref<!tpu.dma_semaphore, #tpu.memory_space<semaphore_mem>>)
        } else {
        }
        %add3A_439 = arith.constant 7 : i32
        %add3A_440 = arith.addi %mul3A_277, %add3A_439 : i32
        %mul3A_441 = arith.constant 24 : i32
        %mul3A_442 = arith.muli %add3A_440, %mul3A_441 : i32
        %dma_wait3A_443 = tpu.memref_slice %arg12[%mul3A_442] : memref<16576xi32, #tpu.memory_space<vmem>> -> memref<24xi32, #tpu.memory_space<vmem>>
        %dma_wait3A_444 = arith.constant 0 : i32
        %dma_wait3A_445 = arith.constant 0 : i32
        %dma_wait3A_446 = tpu.memref_slice %arg5[%dma_wait3A_444, %dma_wait3A_445] : memref<65536x256xf32, #tpu.memory_space<hbm>> -> memref<65536x256xf32, #tpu.memory_space<hbm>>
        tpu.wait_indirect_dma semaphore(%arg29 : memref<!tpu.dma_semaphore, #tpu.memory_space<semaphore_mem>>) src(%dma_wait3A_446 : memref<65536x256xf32, #tpu.memory_space<hbm>>) dst(%arg20 : memref<24x256xf32, #tpu.memory_space<vmem>>)
        %scan3A_447 = arith.constant 0 : i32
        %scan3A_448 = arith.constant 24 : i32
        %scan3A_449 = arith.addi %scan3A_447, %scan3A_448 : i32
        %scan3A_450 = arith.constant 1 : i32
        %scan3A_451:16 = scf.for %scan3A_453 = %scan3A_447 to %scan3A_449 step %scan3A_450 iter_args(%scan3A_454 = %scan3A_429#0, %scan3A_455 = %scan3A_429#1, %scan3A_456 = %scan3A_429#2, %scan3A_457 = %scan3A_429#3, %scan3A_458 = %scan3A_429#4, %scan3A_459 = %scan3A_429#5, %scan3A_460 = %scan3A_429#6, %scan3A_461 = %scan3A_429#7, %scan3A_462 = %scan3A_429#8, %scan3A_463 = %scan3A_429#9, %scan3A_464 = %scan3A_429#10, %scan3A_465 = %scan3A_429#11, %scan3A_466 = %scan3A_429#12, %scan3A_467 = %scan3A_429#13, %scan3A_468 = %scan3A_429#14, %scan3A_469 = %scan3A_429#15) -> (vector<16xf32>, vector<16xf32>, vector<16xf32>, vector<16xf32>, vector<16xf32>, vector<16xf32>, vector<16xf32>, vector<16xf32>, vector<16xf32>, vector<16xf32>, vector<16xf32>, vector<16xf32>, vector<16xf32>, vector<16xf32>, vector<16xf32>, vector<16xf32>)  : i32 {
          %get3A_470 = arith.index_cast %scan3A_453 : i32 to index
          %get3A_471 = arith.constant 0 : index
          %get3A_472 = tpu.vector_load %arg20[%get3A_470, %get3A_471] {strides = array<i32>} : memref<24x256xf32, #tpu.memory_space<vmem>>, vector<16xf32>,
          %max3A = arith.maximumf %scan3A_454, %get3A_472 : vector<16xf32>
          %get3A_473 = arith.index_cast %scan3A_453 : i32 to index
          %get3A_474 = arith.constant 16 : index
          %get3A_475 = tpu.vector_load %arg20[%get3A_473, %get3A_474] {strides = array<i32>} : memref<24x256xf32, #tpu.memory_space<vmem>>, vector<16xf32>,
          %max3A_476 = arith.maximumf %scan3A_455, %get3A_475 : vector<16xf32>
          %get3A_477 = arith.index_cast %scan3A_453 : i32 to index
          %get3A_478 = arith.constant 32 : index
          %get3A_479 = tpu.vector_load %arg20[%get3A_477, %get3A_478] {strides = array<i32>} : memref<24x256xf32, #tpu.memory_space<vmem>>, vector<16xf32>,
          %max3A_480 = arith.maximumf %scan3A_456, %get3A_479 : vector<16xf32>
          %get3A_481 = arith.index_cast %scan3A_453 : i32 to index
          %get3A_482 = arith.constant 48 : index
          %get3A_483 = tpu.vector_load %arg20[%get3A_481, %get3A_482] {strides = array<i32>} : memref<24x256xf32, #tpu.memory_space<vmem>>, vector<16xf32>,
          %max3A_484 = arith.maximumf %scan3A_457, %get3A_483 : vector<16xf32>
          %get3A_485 = arith.index_cast %scan3A_453 : i32 to index
          %get3A_486 = arith.constant 64 : index
          %get3A_487 = tpu.vector_load %arg20[%get3A_485, %get3A_486] {strides = array<i32>} : memref<24x256xf32, #tpu.memory_space<vmem>>, vector<16xf32>,
          %max3A_488 = arith.maximumf %scan3A_458, %get3A_487 : vector<16xf32>
          %get3A_489 = arith.index_cast %scan3A_453 : i32 to index
          %get3A_490 = arith.constant 80 : index
          %get3A_491 = tpu.vector_load %arg20[%get3A_489, %get3A_490] {strides = array<i32>} : memref<24x256xf32, #tpu.memory_space<vmem>>, vector<16xf32>,
          %max3A_492 = arith.maximumf %scan3A_459, %get3A_491 : vector<16xf32>
          %get3A_493 = arith.index_cast %scan3A_453 : i32 to index
          %get3A_494 = arith.constant 96 : index
          %get3A_495 = tpu.vector_load %arg20[%get3A_493, %get3A_494] {strides = array<i32>} : memref<24x256xf32, #tpu.memory_space<vmem>>, vector<16xf32>,
          %max3A_496 = arith.maximumf %scan3A_460, %get3A_495 : vector<16xf32>
          %get3A_497 = arith.index_cast %scan3A_453 : i32 to index
          %get3A_498 = arith.constant 112 : index
          %get3A_499 = tpu.vector_load %arg20[%get3A_497, %get3A_498] {strides = array<i32>} : memref<24x256xf32, #tpu.memory_space<vmem>>, vector<16xf32>,
          %max3A_500 = arith.maximumf %scan3A_461, %get3A_499 : vector<16xf32>
          %get3A_501 = arith.index_cast %scan3A_453 : i32 to index
          %get3A_502 = arith.constant 128 : index
          %get3A_503 = tpu.vector_load %arg20[%get3A_501, %get3A_502] {strides = array<i32>} : memref<24x256xf32, #tpu.memory_space<vmem>>, vector<16xf32>,
          %max3A_504 = arith.maximumf %scan3A_462, %get3A_503 : vector<16xf32>
          %get3A_505 = arith.index_cast %scan3A_453 : i32 to index
          %get3A_506 = arith.constant 144 : index
          %get3A_507 = tpu.vector_load %arg20[%get3A_505, %get3A_506] {strides = array<i32>} : memref<24x256xf32, #tpu.memory_space<vmem>>, vector<16xf32>,
          %max3A_508 = arith.maximumf %scan3A_463, %get3A_507 : vector<16xf32>
          %get3A_509 = arith.index_cast %scan3A_453 : i32 to index
          %get3A_510 = arith.constant 160 : index
          %get3A_511 = tpu.vector_load %arg20[%get3A_509, %get3A_510] {strides = array<i32>} : memref<24x256xf32, #tpu.memory_space<vmem>>, vector<16xf32>,
          %max3A_512 = arith.maximumf %scan3A_464, %get3A_511 : vector<16xf32>
          %get3A_513 = arith.index_cast %scan3A_453 : i32 to index
          %get3A_514 = arith.constant 176 : index
          %get3A_515 = tpu.vector_load %arg20[%get3A_513, %get3A_514] {strides = array<i32>} : memref<24x256xf32, #tpu.memory_space<vmem>>, vector<16xf32>,
          %max3A_516 = arith.maximumf %scan3A_465, %get3A_515 : vector<16xf32>
          %get3A_517 = arith.index_cast %scan3A_453 : i32 to index
          %get3A_518 = arith.constant 192 : index
          %get3A_519 = tpu.vector_load %arg20[%get3A_517, %get3A_518] {strides = array<i32>} : memref<24x256xf32, #tpu.memory_space<vmem>>, vector<16xf32>,
          %max3A_520 = arith.maximumf %scan3A_466, %get3A_519 : vector<16xf32>
          %get3A_521 = arith.index_cast %scan3A_453 : i32 to index
          %get3A_522 = arith.constant 208 : index
          %get3A_523 = tpu.vector_load %arg20[%get3A_521, %get3A_522] {strides = array<i32>} : memref<24x256xf32, #tpu.memory_space<vmem>>, vector<16xf32>,
          %max3A_524 = arith.maximumf %scan3A_467, %get3A_523 : vector<16xf32>
          %get3A_525 = arith.index_cast %scan3A_453 : i32 to index
          %get3A_526 = arith.constant 224 : index
          %get3A_527 = tpu.vector_load %arg20[%get3A_525, %get3A_526] {strides = array<i32>} : memref<24x256xf32, #tpu.memory_space<vmem>>, vector<16xf32>,
          %max3A_528 = arith.maximumf %scan3A_468, %get3A_527 : vector<16xf32>
          %get3A_529 = arith.index_cast %scan3A_453 : i32 to index
          %get3A_530 = arith.constant 240 : index
          %get3A_531 = tpu.vector_load %arg20[%get3A_529, %get3A_530] {strides = array<i32>} : memref<24x256xf32, #tpu.memory_space<vmem>>, vector<16xf32>,
          %max3A_532 = arith.maximumf %scan3A_469, %get3A_531 : vector<16xf32>
          scf.yield %max3A, %max3A_476, %max3A_480, %max3A_484, %max3A_488, %max3A_492, %max3A_496, %max3A_500, %max3A_504, %max3A_508, %max3A_512, %max3A_516, %max3A_520, %max3A_524, %max3A_528, %max3A_532 : vector<16xf32>, vector<16xf32>, vector<16xf32>, vector<16xf32>, vector<16xf32>, vector<16xf32>, vector<16xf32>, vector<16xf32>, vector<16xf32>, vector<16xf32>, vector<16xf32>, vector<16xf32>, vector<16xf32>, vector<16xf32>, vector<16xf32>, vector<16xf32>
        }
        %scan3A_452 = arith.constant 24 : i32
        scf.yield %scan3A_451#0, %scan3A_451#1, %scan3A_451#2, %scan3A_451#3, %scan3A_451#4, %scan3A_451#5, %scan3A_451#6, %scan3A_451#7, %scan3A_451#8, %scan3A_451#9, %scan3A_451#10, %scan3A_451#11, %scan3A_451#12, %scan3A_451#13, %scan3A_451#14, %scan3A_451#15 : vector<16xf32>, vector<16xf32>, vector<16xf32>, vector<16xf32>, vector<16xf32>, vector<16xf32>, vector<16xf32>, vector<16xf32>, vector<16xf32>, vector<16xf32>, vector<16xf32>, vector<16xf32>, vector<16xf32>, vector<16xf32>, vector<16xf32>, vector<16xf32>
      }
      %gt3A_177 = arith.constant 0 : i32
      %gt3A_178 = arith.cmpi sgt, %scan3A_47, %gt3A_177 : i32
      %jit3A_179 = arith.constant 0.000000e+00 : f32
      %broadcast_in_dim3A_180 = vector.broadcast %jit3A_179 : f32 to vector<16xf32>
      %select_n3A_181 = arith.select %gt3A_178, %while3A_176#0, %broadcast_in_dim3A_180 : vector<16xf32>
      %swap3A = arith.constant 0 : index
      %swap3A_182 = tpu.vector_load %arg21[%swap3A] {strides = array<i32>} : memref<256xf32, #tpu.memory_space<vmem>>, vector<16xf32>,
      tpu.vector_store %arg21[%swap3A], %select_n3A_181 {strides = array<i32>} : memref<256xf32, #tpu.memory_space<vmem>>, vector<16xf32>,
      %jit3A_183 = arith.constant 0.000000e+00 : f32
      %broadcast_in_dim3A_184 = vector.broadcast %jit3A_183 : f32 to vector<16xf32>
      %select_n3A_185 = arith.select %gt3A_178, %while3A_176#1, %broadcast_in_dim3A_184 : vector<16xf32>
      %swap3A_186 = arith.constant 16 : index
      %swap3A_187 = tpu.vector_load %arg21[%swap3A_186] {strides = array<i32>} : memref<256xf32, #tpu.memory_space<vmem>>, vector<16xf32>,
      tpu.vector_store %arg21[%swap3A_186], %select_n3A_185 {strides = array<i32>} : memref<256xf32, #tpu.memory_space<vmem>>, vector<16xf32>,
      %jit3A_188 = arith.constant 0.000000e+00 : f32
      %broadcast_in_dim3A_189 = vector.broadcast %jit3A_188 : f32 to vector<16xf32>
      %select_n3A_190 = arith.select %gt3A_178, %while3A_176#2, %broadcast_in_dim3A_189 : vector<16xf32>
      %swap3A_191 = arith.constant 32 : index
      %swap3A_192 = tpu.vector_load %arg21[%swap3A_191] {strides = array<i32>} : memref<256xf32, #tpu.memory_space<vmem>>, vector<16xf32>,
      tpu.vector_store %arg21[%swap3A_191], %select_n3A_190 {strides = array<i32>} : memref<256xf32, #tpu.memory_space<vmem>>, vector<16xf32>,
      %jit3A_193 = arith.constant 0.000000e+00 : f32
      %broadcast_in_dim3A_194 = vector.broadcast %jit3A_193 : f32 to vector<16xf32>
      %select_n3A_195 = arith.select %gt3A_178, %while3A_176#3, %broadcast_in_dim3A_194 : vector<16xf32>
      %swap3A_196 = arith.constant 48 : index
      %swap3A_197 = tpu.vector_load %arg21[%swap3A_196] {strides = array<i32>} : memref<256xf32, #tpu.memory_space<vmem>>, vector<16xf32>,
      tpu.vector_store %arg21[%swap3A_196], %select_n3A_195 {strides = array<i32>} : memref<256xf32, #tpu.memory_space<vmem>>, vector<16xf32>,
      %jit3A_198 = arith.constant 0.000000e+00 : f32
      %broadcast_in_dim3A_199 = vector.broadcast %jit3A_198 : f32 to vector<16xf32>
      %select_n3A_200 = arith.select %gt3A_178, %while3A_176#4, %broadcast_in_dim3A_199 : vector<16xf32>
      %swap3A_201 = arith.constant 64 : index
      %swap3A_202 = tpu.vector_load %arg21[%swap3A_201] {strides = array<i32>} : memref<256xf32, #tpu.memory_space<vmem>>, vector<16xf32>,
      tpu.vector_store %arg21[%swap3A_201], %select_n3A_200 {strides = array<i32>} : memref<256xf32, #tpu.memory_space<vmem>>, vector<16xf32>,
      %jit3A_203 = arith.constant 0.000000e+00 : f32
      %broadcast_in_dim3A_204 = vector.broadcast %jit3A_203 : f32 to vector<16xf32>
      %select_n3A_205 = arith.select %gt3A_178, %while3A_176#5, %broadcast_in_dim3A_204 : vector<16xf32>
      %swap3A_206 = arith.constant 80 : index
      %swap3A_207 = tpu.vector_load %arg21[%swap3A_206] {strides = array<i32>} : memref<256xf32, #tpu.memory_space<vmem>>, vector<16xf32>,
      tpu.vector_store %arg21[%swap3A_206], %select_n3A_205 {strides = array<i32>} : memref<256xf32, #tpu.memory_space<vmem>>, vector<16xf32>,
      %jit3A_208 = arith.constant 0.000000e+00 : f32
      %broadcast_in_dim3A_209 = vector.broadcast %jit3A_208 : f32 to vector<16xf32>
      %select_n3A_210 = arith.select %gt3A_178, %while3A_176#6, %broadcast_in_dim3A_209 : vector<16xf32>
      %swap3A_211 = arith.constant 96 : index
      %swap3A_212 = tpu.vector_load %arg21[%swap3A_211] {strides = array<i32>} : memref<256xf32, #tpu.memory_space<vmem>>, vector<16xf32>,
      tpu.vector_store %arg21[%swap3A_211], %select_n3A_210 {strides = array<i32>} : memref<256xf32, #tpu.memory_space<vmem>>, vector<16xf32>,
      %jit3A_213 = arith.constant 0.000000e+00 : f32
      %broadcast_in_dim3A_214 = vector.broadcast %jit3A_213 : f32 to vector<16xf32>
      %select_n3A_215 = arith.select %gt3A_178, %while3A_176#7, %broadcast_in_dim3A_214 : vector<16xf32>
      %swap3A_216 = arith.constant 112 : index
      %swap3A_217 = tpu.vector_load %arg21[%swap3A_216] {strides = array<i32>} : memref<256xf32, #tpu.memory_space<vmem>>, vector<16xf32>,
      tpu.vector_store %arg21[%swap3A_216], %select_n3A_215 {strides = array<i32>} : memref<256xf32, #tpu.memory_space<vmem>>, vector<16xf32>,
      %jit3A_218 = arith.constant 0.000000e+00 : f32
      %broadcast_in_dim3A_219 = vector.broadcast %jit3A_218 : f32 to vector<16xf32>
      %select_n3A_220 = arith.select %gt3A_178, %while3A_176#8, %broadcast_in_dim3A_219 : vector<16xf32>
      %swap3A_221 = arith.constant 128 : index
      %swap3A_222 = tpu.vector_load %arg21[%swap3A_221] {strides = array<i32>} : memref<256xf32, #tpu.memory_space<vmem>>, vector<16xf32>,
      tpu.vector_store %arg21[%swap3A_221], %select_n3A_220 {strides = array<i32>} : memref<256xf32, #tpu.memory_space<vmem>>, vector<16xf32>,
      %jit3A_223 = arith.constant 0.000000e+00 : f32
      %broadcast_in_dim3A_224 = vector.broadcast %jit3A_223 : f32 to vector<16xf32>
      %select_n3A_225 = arith.select %gt3A_178, %while3A_176#9, %broadcast_in_dim3A_224 : vector<16xf32>
      %swap3A_226 = arith.constant 144 : index
      %swap3A_227 = tpu.vector_load %arg21[%swap3A_226] {strides = array<i32>} : memref<256xf32, #tpu.memory_space<vmem>>, vector<16xf32>,
      tpu.vector_store %arg21[%swap3A_226], %select_n3A_225 {strides = array<i32>} : memref<256xf32, #tpu.memory_space<vmem>>, vector<16xf32>,
      %jit3A_228 = arith.constant 0.000000e+00 : f32
      %broadcast_in_dim3A_229 = vector.broadcast %jit3A_228 : f32 to vector<16xf32>
      %select_n3A_230 = arith.select %gt3A_178, %while3A_176#10, %broadcast_in_dim3A_229 : vector<16xf32>
      %swap3A_231 = arith.constant 160 : index
      %swap3A_232 = tpu.vector_load %arg21[%swap3A_231] {strides = array<i32>} : memref<256xf32, #tpu.memory_space<vmem>>, vector<16xf32>,
      tpu.vector_store %arg21[%swap3A_231], %select_n3A_230 {strides = array<i32>} : memref<256xf32, #tpu.memory_space<vmem>>, vector<16xf32>,
      %jit3A_233 = arith.constant 0.000000e+00 : f32
      %broadcast_in_dim3A_234 = vector.broadcast %jit3A_233 : f32 to vector<16xf32>
      %select_n3A_235 = arith.select %gt3A_178, %while3A_176#11, %broadcast_in_dim3A_234 : vector<16xf32>
      %swap3A_236 = arith.constant 176 : index
      %swap3A_237 = tpu.vector_load %arg21[%swap3A_236] {strides = array<i32>} : memref<256xf32, #tpu.memory_space<vmem>>, vector<16xf32>,
      tpu.vector_store %arg21[%swap3A_236], %select_n3A_235 {strides = array<i32>} : memref<256xf32, #tpu.memory_space<vmem>>, vector<16xf32>,
      %jit3A_238 = arith.constant 0.000000e+00 : f32
      %broadcast_in_dim3A_239 = vector.broadcast %jit3A_238 : f32 to vector<16xf32>
      %select_n3A_240 = arith.select %gt3A_178, %while3A_176#12, %broadcast_in_dim3A_239 : vector<16xf32>
      %swap3A_241 = arith.constant 192 : index
      %swap3A_242 = tpu.vector_load %arg21[%swap3A_241] {strides = array<i32>} : memref<256xf32, #tpu.memory_space<vmem>>, vector<16xf32>,
      tpu.vector_store %arg21[%swap3A_241], %select_n3A_240 {strides = array<i32>} : memref<256xf32, #tpu.memory_space<vmem>>, vector<16xf32>,
      %jit3A_243 = arith.constant 0.000000e+00 : f32
      %broadcast_in_dim3A_244 = vector.broadcast %jit3A_243 : f32 to vector<16xf32>
      %select_n3A_245 = arith.select %gt3A_178, %while3A_176#13, %broadcast_in_dim3A_244 : vector<16xf32>
      %swap3A_246 = arith.constant 208 : index
      %swap3A_247 = tpu.vector_load %arg21[%swap3A_246] {strides = array<i32>} : memref<256xf32, #tpu.memory_space<vmem>>, vector<16xf32>,
      tpu.vector_store %arg21[%swap3A_246], %select_n3A_245 {strides = array<i32>} : memref<256xf32, #tpu.memory_space<vmem>>, vector<16xf32>,
      %jit3A_248 = arith.constant 0.000000e+00 : f32
      %broadcast_in_dim3A_249 = vector.broadcast %jit3A_248 : f32 to vector<16xf32>
      %select_n3A_250 = arith.select %gt3A_178, %while3A_176#14, %broadcast_in_dim3A_249 : vector<16xf32>
      %swap3A_251 = arith.constant 224 : index
      %swap3A_252 = tpu.vector_load %arg21[%swap3A_251] {strides = array<i32>} : memref<256xf32, #tpu.memory_space<vmem>>, vector<16xf32>,
      tpu.vector_store %arg21[%swap3A_251], %select_n3A_250 {strides = array<i32>} : memref<256xf32, #tpu.memory_space<vmem>>, vector<16xf32>,
      %jit3A_253 = arith.constant 0.000000e+00 : f32
      %broadcast_in_dim3A_254 = vector.broadcast %jit3A_253 : f32 to vector<16xf32>
      %select_n3A_255 = arith.select %gt3A_178, %while3A_176#15, %broadcast_in_dim3A_254 : vector<16xf32>
      %swap3A_256 = arith.constant 240 : index
      %swap3A_257 = tpu.vector_load %arg21[%swap3A_256] {strides = array<i32>} : memref<256xf32, #tpu.memory_space<vmem>>, vector<16xf32>,
      tpu.vector_store %arg21[%swap3A_256], %select_n3A_255 {strides = array<i32>} : memref<256xf32, #tpu.memory_space<vmem>>, vector<16xf32>,
      %add3A_258 = arith.addi %mul3A_2, %scan3A_28 : i32
      "tpu.region"() ({
        %run_scoped3A = tpu.sem_alloc : memref<!tpu.dma_semaphore, #tpu.memory_space<semaphore_mem>>
        %dma_start3A = arith.constant 0 : i32
        %dma_start3A_259 = tpu.memref_slice %arg7[%add3A_258, %dma_start3A] : memref<512x256xf32, #tpu.memory_space<hbm>> -> memref<1x256xf32, #tpu.memory_space<hbm>>
        %dma_start3A_260 = tpu.memref_squeeze %dma_start3A_259 : memref<1x256xf32, #tpu.memory_space<hbm>> -> memref<256xf32, #tpu.memory_space<hbm>>
        %dma_start3A_261 = arith.constant 0 : i32
        %dma_start3A_262 = tpu.memref_slice %arg7[%add3A_258, %dma_start3A_261] : memref<512x256xf32, #tpu.memory_space<hbm>> -> memref<1x256xf32, #tpu.memory_space<hbm>>
        %dma_start3A_263 = tpu.memref_squeeze %dma_start3A_262 : memref<1x256xf32, #tpu.memory_space<hbm>> -> memref<256xf32, #tpu.memory_space<hbm>>
        tpu.enqueue_dma source(%arg21 : memref<256xf32, #tpu.memory_space<vmem>>) target(%dma_start3A_263 : memref<256xf32, #tpu.memory_space<hbm>>) target_semaphore(%run_scoped3A : memref<!tpu.dma_semaphore, #tpu.memory_space<semaphore_mem>>)
        %dma_wait3A = arith.constant 0 : i32
        %dma_wait3A_264 = tpu.memref_slice %arg7[%add3A_258, %dma_wait3A] : memref<512x256xf32, #tpu.memory_space<hbm>> -> memref<1x256xf32, #tpu.memory_space<hbm>>
        %dma_wait3A_265 = tpu.memref_squeeze %dma_wait3A_264 : memref<1x256xf32, #tpu.memory_space<hbm>> -> memref<256xf32, #tpu.memory_space<hbm>>
        %dma_wait3A_266 = arith.constant 0 : i32
        %dma_wait3A_267 = tpu.memref_slice %arg7[%add3A_258, %dma_wait3A_266] : memref<512x256xf32, #tpu.memory_space<hbm>> -> memref<1x256xf32, #tpu.memory_space<hbm>>
        %dma_wait3A_268 = tpu.memref_squeeze %dma_wait3A_267 : memref<1x256xf32, #tpu.memory_space<hbm>> -> memref<256xf32, #tpu.memory_space<hbm>>
        tpu.wait_dma2 semaphore(%run_scoped3A : memref<!tpu.dma_semaphore, #tpu.memory_space<semaphore_mem>>) src(%arg21 : memref<256xf32, #tpu.memory_space<vmem>>) dst(%dma_wait3A_268 : memref<256xf32, #tpu.memory_space<hbm>>)
        tpu.yield
      }) : () -> ()
    }
    %scan3A_27 = arith.constant 16 : i32
    return
  }
}

module attributes {stable_mosaic.version = 14 : i64} {
  func.func @_fc_body(%arg0: memref<512x256xf32, #tpu.memory_space<vmem>>, %arg1: memref<256x256xf32, #tpu.memory_space<vmem>>, %arg2: memref<1x256xf32, #tpu.memory_space<vmem>>, %arg3: memref<256x256xf32, #tpu.memory_space<vmem>>, %arg4: memref<1x256xf32, #tpu.memory_space<vmem>>, %arg5: memref<512x256xf32, #tpu.memory_space<vmem>>) attributes {dimension_semantics = [], scalar_prefetch = 0 : i64, scratch_operands = 0 : i64, tpu.core_type = #tpu.core_type<tc>} {
    %get3A = arith.constant 0 : index
    %get3A_0 = arith.constant 0 : index
    %get3A_1 = vector.load %arg0[%get3A, %get3A_0] : memref<512x256xf32, #tpu.memory_space<vmem>>, vector<512x256xf32>
    %get3A_2 = arith.constant 0 : index
    %get3A_3 = arith.constant 0 : index
    %get3A_4 = vector.load %arg1[%get3A_2, %get3A_3] : memref<256x256xf32, #tpu.memory_space<vmem>>, vector<256x256xf32>
    %dot_general3A = arith.constant dense<0.000000e+00> : vector<512x256xf32>
    %dot_general3A_5 = tpu.matmul %get3A_1, %get3A_4, %dot_general3A {dimension_numbers = #tpu.dot_dimension_numbers<[1], [0], [0], [1], [0, 0, 1, 1], [], []>, transpose_lhs_hint = false} : vector<512x256xf32>, vector<256x256xf32>, vector<512x256xf32> -> vector<512x256xf32>
    %get3A_6 = arith.constant 0 : index
    %get3A_7 = arith.constant 0 : index
    %get3A_8 = vector.load %arg2[%get3A_6, %get3A_7] : memref<1x256xf32, #tpu.memory_space<vmem>>, vector<1x256xf32>
    %add3A = vector.broadcast %get3A_8 : vector<1x256xf32> to vector<512x256xf32>
    %add3A_9 = arith.addf %dot_general3A_5, %add3A : vector<512x256xf32>
    %max3A = arith.constant 0.000000e+00 : f32
    %max3A_10 = vector.broadcast %max3A : f32 to vector<512x256xf32>
    %max3A_11 = arith.maximumf %add3A_9, %max3A_10 : vector<512x256xf32>
    %get3A_12 = arith.constant 0 : index
    %get3A_13 = arith.constant 0 : index
    %get3A_14 = vector.load %arg3[%get3A_12, %get3A_13] : memref<256x256xf32, #tpu.memory_space<vmem>>, vector<256x256xf32>
    %dot_general3A_15 = arith.constant dense<0.000000e+00> : vector<512x256xf32>
    %dot_general3A_16 = tpu.matmul %max3A_11, %get3A_14, %dot_general3A_15 {dimension_numbers = #tpu.dot_dimension_numbers<[1], [0], [0], [1], [0, 0, 1, 1], [], []>, transpose_lhs_hint = false} : vector<512x256xf32>, vector<256x256xf32>, vector<512x256xf32> -> vector<512x256xf32>
    %get3A_17 = arith.constant 0 : index
    %get3A_18 = arith.constant 0 : index
    %get3A_19 = vector.load %arg4[%get3A_17, %get3A_18] : memref<1x256xf32, #tpu.memory_space<vmem>>, vector<1x256xf32>
    %add3A_20 = vector.broadcast %get3A_19 : vector<1x256xf32> to vector<512x256xf32>
    %add3A_21 = arith.addf %dot_general3A_16, %add3A_20 : vector<512x256xf32>
    %max3A_22 = arith.constant 0.000000e+00 : f32
    %max3A_23 = vector.broadcast %max3A_22 : f32 to vector<512x256xf32>
    %max3A_24 = arith.maximumf %add3A_21, %max3A_23 : vector<512x256xf32>
    %swap3A = arith.constant 0 : index
    %swap3A_25 = arith.constant 0 : index
    %swap3A_26 = vector.load %arg5[%swap3A, %swap3A_25] : memref<512x256xf32, #tpu.memory_space<vmem>>, vector<512x256xf32>
    tpu.vector_store %arg5[%swap3A, %swap3A_25], %max3A_24 {strides = array<i32>} : memref<512x256xf32, #tpu.memory_space<vmem>>, vector<512x256xf32>,
    return
  }
}

</mosaic_0001>

<sc_bundles>
// kernel: kernel.4.cloned.1.call-start
scs
__scs_entry_jumppad:
0x0: {  	(pc) =	sbr.rel $0x88, $3  }
0x1: {  	(tag) =	ssettag $0x0;
	lr =	simm.s32 $0x1  }
0x2: {  	[smem:$0x3F9A] =	sst lr;
	_ =	strace $0xD0000000  }
0x3: {  	_ = 	snop  }
0x4: {  	_ = 	snop  }
0x5: {  	_ = 	snop  }
0x6: {  	_ = 	snop  }
0x7: {  	_ = 	snop  }
__scs_overlays_trampoline_lowered:
0x8: {  	[smem:$0x3FA9] =	sst s0  }
0x9: {  	[smem:$0x3FAA] =	sst s1  }
0xa: {  	[smem:$0x3FAB] =	sst s2  }
0xb: {  	[smem:$0x3FAC] =	sst s3  }
0xc: {  	[smem:$0x3FAD] =	sst s4  }
0xd: {  	[smem:$0x3FAE] =	sst s5  }
0xe: {  	[smem:$0x3FAF] =	sst s6  }
0xf: {  	[smem:$0x3FB0] =	sst s7  }
0x10: {  	[smem:$0x3FB1] =	sst s8  }
0x11: {  	[smem:$0x3FB2] =	sst s9;
	s0 =	simm.s32 @!p0 $0x0  }
0x12: {  	s1 =	sld [smem:$0x3F98];
	s0 =	simm.s32 @p0 $0x1  }
0x13: {  	[smem:$0x3FB3] =	sst s0;
	s0 =	simm.s32 @!p1 $0x0  }
0x14: {  	s2 =	sld [smem:$0x3F97];
	s0 =	simm.s32 @p1 $0x1  }
0x15: {  	[smem:$0x3FB4] =	sst s0;
	s0 =	simm.s32 @!p2 $0x0  }
0x16: {  	s3 =	sld [smem:$0x3FDB];
	s0 =	simm.s32 @p2 $0x1  }
0x17: {  	s4 =	simm.s32 $0x1BF5;
	[smem:$0x3FB6] =	sst s0  }
0x18: {  	s0 =	sld [smem:$0x3F99];
	_ =	swait.ge [sflag:s4], $0x0  }
0x19: {  	s7 =	sld [smem:$0x3F9A]  }
0x1a: {  	s8 =	sadd.s32 $0xFFFFE003, lr  }
0x1b: {  	s9 =	sadd.s32 $0xFFFFFEF7, lr;
	s5 =	simm.s32 $0xFFFFFFFF;
	p2 =	slt.u32 s8, $0xFFFFF086  }
0x1c: {  	p1 =	slt.u32 s9, $0xF7A;
	s5 =	simm.s32 @!p2 $0x0  }
0x1d: {  	s5 =	simm.s32 @p1 $0x1;
	p0 =	seq.s32 s7, s2  }
0x1e: {  	s7 =	smul.u32 @!p0 $0xF7A, s2;
	p2 =	seq.s32 @!p0 s5, $0x0  }
0x1f: {  	s9 =	smul.u32 $0xF7A, s1;
	s8 =	simm.s32 @!p0 $0x1BF5;
	p2 =	por !p2, p0  }
0x20: {  	[sflag:s8] =	ssyncset.s32 @!p0 $0xFFFFF086;
	s6 =	sadd.s32 @!p0 s3, s7;
	s7 =	simm.s32 @!p0 $0x108  }
0x21: {  	s3 =	sadd.s32 s3, s9;
	s6 =	sadd.s32 @!p0 $0x88, s6;
	s7 =	simm.s32 @p2 $0x1082  }
0x22: {  	[simem:s7], [sflag:s8] =	dma.local @!p0 [hbm:s6], $0xF7A  }
0x23: {  	s9 =	sor.u32 $0xD0000000, s2;
	s6 =	simm.s32 $0x108;
	_ =	swait.ge @!p0 [sflag:s8], $0x0  }
0x24: {  	s3 =	sadd.s32 $0x88, s3;
	s6 =	simm.s32 @!p1 $0x1082;
	[sflag:s4] =	ssyncset.s32 $0xFFFFF086  }
0x25: {  	[simem:s6], [sflag:s4] =	dma.local [hbm:s3], $0xF7A  }
0x26: {  	[smem:$0x3F9A] =	sst s1;
	(tag) =	ssettag s2;
	_ =	strace s9  }
0x27: {  	s1 =	sld [smem:$0x3FAA]  }
0x28: {  	s2 =	sld [smem:$0x3FAB]  }
0x29: {  	s4 =	sld [smem:$0x3FAD]  }
0x2a: {  	p0 =	seq.s32 s5, $0x0;
	s5 =	sld [smem:$0x3FAE]  }
0x2b: {  	s6 =	sld [smem:$0x3FAF]  }
0x2c: {  	s7 =	sld [smem:$0x3FB0]  }
0x2d: {  	s3 =	simm.s32 $0x108;
	s8 =	sld [smem:$0x3FB1]  }
0x2e: {  	s3 =	simm.s32 @!p0 $0x1082;
	s9 =	sld [smem:$0x3FB2]  }
0x2f: {  	lr =	sadd.s32 s0, s3;
	s0 =	sld [smem:$0x3FA9]  }
0x30: {  	s3 =	sld [smem:$0x3FAC]  }
0x31: {  	[smem:$0x3FB5] =	sst s10  }
0x32: {  	s10 =	sld [smem:$0x3FB3];
	_ =	sdelay $0x3  }
0x33: {  	p0 =	seq.s32 s10, $0x1;
	s10 =	sld [smem:$0x3FB5];
	_ =	sdelay $0x3  }
0x34: {  	[smem:$0x3FB5] =	sst s10  }
0x35: {  	s10 =	sld [smem:$0x3FB4];
	_ =	sdelay $0x3  }
0x36: {  	p1 =	seq.s32 s10, $0x1;
	s10 =	sld [smem:$0x3FB5];
	_ =	sdelay $0x3  }
0x37: {  	[smem:$0x3FB5] =	sst s10  }
0x38: {  	s10 =	sld [smem:$0x3FB6]  }
0x39: {  	_ = 	snop;
	(pc) =	sbr.ind lr, $3  }
0x3a: {  	_ = 	snop  }
0x3b: {  	_ = 	snop  }
0x3c: {  	p2 =	seq.s32 s10, $0x1;
	s10 =	sld [smem:$0x3FB5]  }
0x3d: {  	_ =	shalt  }
0x3e: {  	_ =	shalt  }
0x3f: {  	_ =	shalt  }
0x40: {  	_ =	shalt  }
0x41: {  	_ =	shalt  }
0x42: {  	_ =	shalt  }
0x43: {  	_ =	shalt  }
0x44: {  	_ =	shalt  }
0x45: {  	_ =	shalt  }
0x46: {  	_ =	shalt  }
0x47: {  	_ =	shalt  }
0x48: {  	_ =	shalt  }
0x49: {  	_ =	shalt  }
0x4a: {  	_ =	shalt  }
0x4b: {  	_ =	shalt  }
0x4c: {  	_ =	shalt  }
0x4d: {  	_ =	shalt  }
0x4e: {  	_ =	shalt  }
0x4f: {  	_ =	shalt  }
0x50: {  	_ =	shalt  }
0x51: {  	_ =	shalt  }
0x52: {  	_ =	shalt  }
0x53: {  	_ =	shalt  }
0x54: {  	_ =	shalt  }
0x55: {  	_ =	shalt  }
0x56: {  	_ =	shalt  }
0x57: {  	_ =	shalt  }
0x58: {  	_ =	shalt  }
0x59: {  	_ =	shalt  }
0x5a: {  	_ =	shalt  }
0x5b: {  	_ =	shalt  }
0x5c: {  	_ =	shalt  }
0x5d: {  	_ =	shalt  }
0x5e: {  	_ =	shalt  }
0x5f: {  	_ =	shalt  }
0x60: {  	_ =	shalt  }
0x61: {  	_ =	shalt  }
0x62: {  	_ =	shalt  }
0x63: {  	_ =	shalt  }
0x64: {  	_ =	shalt  }
0x65: {  	_ =	shalt  }
0x66: {  	_ =	shalt  }
0x67: {  	_ =	shalt  }
0x68: {  	_ =	shalt  }
0x69: {  	_ =	shalt  }
0x6a: {  	_ =	shalt  }
0x6b: {  	_ =	shalt  }
0x6c: {  	_ =	shalt  }
0x6d: {  	_ =	shalt  }
0x6e: {  	_ =	shalt  }
0x6f: {  	_ =	shalt  }
0x70: {  	_ =	shalt  }
0x71: {  	_ =	shalt  }
0x72: {  	_ =	shalt  }
0x73: {  	_ =	shalt  }
0x74: {  	_ =	shalt  }
0x75: {  	_ =	shalt  }
0x76: {  	_ =	shalt  }
0x77: {  	_ =	shalt  }
0x78: {  	_ =	shalt  }
0x79: {  	_ =	shalt  }
0x7a: {  	_ =	shalt  }
0x7b: {  	_ =	shalt  }
0x7c: {  	_ =	shalt  }
0x7d: {  	_ =	shalt  }
0x7e: {  	_ =	shalt  }
0x7f: {  	_ =	shalt  }
0x80: {  	_ =	shalt  }
0x81: {  	_ =	shalt  }
0x82: {  	_ =	shalt  }
0x83: {  	_ =	shalt  }
0x84: {  	_ =	shalt  }
0x85: {  	_ =	shalt  }
0x86: {  	_ =	shalt  }
0x87: {  	_ =	shalt  }
.Lfunc_end0:
.L_simem_size_0:
called_computation.1_lowered:
.L_overlay_start_0:
0x88: {  	s2 =	sld [smem:$0x3FD9]  }
0x89: {  	s3 =	sld [smem:$0x3FFE];
	_ =	sdelay $0x1  }
0x8a: {  	s1 =	srdreg.scid  }
0x8b: {  	s0 =	sand.u32 $0x1, s1  }
0x8c: {  	s17 =	sshll.u32 s0, $0xA;
	s2 =	sadd.s32 s3, s2  }
0x8d: {  	s2 =	sadd.s32 s2, s17  }
0x8e: {  	[smem:$0x3FC1] =	sst s2  }
0x8f: {  	_ = 	snop  }
0x90: {  	s2 =	sld [smem:$0x3FD0];
	(tm) =	ssettm $0x1  }
0x91: {  	s18 =	sld [smem:$0x3FFB];
	_ =	sdelay $0x3  }
0x92: {  	_ =	strace s18  }
0x93: {  	s3 =	sld [smem:$0x3FFC];
	_ =	sdelay $0x3  }
0x94: {  	_ =	strace s3  }
0x95: {  	s3 =	sld [smem:$0x3FFD];
	_ =	sdelay $0x3  }
0x96: {  	_ =	strace s3  }
0x97: {  	_ =	strace $0x8FFFFFFF  }
0x98: {  	s19 =	sld [smem:$0x3FDB];
	_ =	sdelay $0x1  }
0x99: {  	s4 =	simm.s32 $_scs_section_size  }
0x9a: {  	s5 =	simm.s32 $_size__tile_overlayer_lowered;
	s6 =	simm.s32 $_tile_overlayer_lowered  }
0x9b: {  	s22 =	simm.s32 $0x1BFF;
	s21 =	sshll.u32 s6, $0x1;
	s3 =	sadd.s32 s4, s19  }
0x9c: {  	s7 =	simm.s32 $0x0;
	s20 =	sshll.u32 s5, $0x1;
	s5 =	sadd.s32 s21, s3  }
0x9d: {  	[timem:s7], [sflag:s22] =	dma.local [hbm:s5], s20  }
0x9e: {  	_ =	swait.ge [sflag:s22], s20  }
0x9f: {  	s4 =	ssub.s32 $0x0, s20;
	[sflag:s22] =	ssyncset.done $0x0  }
0xa0: {  	[sflag:s22] =	ssyncadd.s32 s4;
	_ =	sdelay $0x1  }
0xa1: {  	s23 =	simm.s32 $0x1B8B  }
0xa2: {  	_ =	swait.ge [sflag:s23], $0x1  }
0xa3: {  	[sflag:s23] =	ssyncset.done $0x0  }
0xa4: {  	s25 =	simm.s32 $0x1B8E;
	s24 =	sld [smem:$0x3FFE];
	[sflag:s23] =	ssyncadd.s32 $0xFFFFFFFF  }
0xa5: {  	s26 =	simm.s32 $execute0_lowered;
	[smem:$0x3FD2] =	sst s25  }
0xa6: {  	s5 =	sshll.u32 s26, $0x1;
	_ =	strace $0x80000049;
	[dreg:$0x1] =	wrdreg $0xFFFFFFFF  }
0xa7: {  	s28 =	simm.s32 $_size_execute0_lowered;
	s3 =	sadd.s32 s3, s5;
	[dreg:$0x0] =	wrdreg $0x0  }
0xa8: {  	s5 =	sshll.u32 s28, $0x1;
	[dreg:$0x2] =	wrdreg s3  }
0xa9: {  	[dreg:$0x3] =	wrdreg s5  }
0xaa: {  	[dreg:$0x4] =	wrdreg $0xC0  }
0xab: {  	_ =	task [dreg:s7], $0x5FFFF  }
0xac: {  	[dreg:$0x1] =	wrdreg $0xFFFFFFFF  }
0xad: {  	[dreg:$0x0] =	wrdreg $0x60  }
0xae: {  	[dreg:$0x2] =	wrdreg s24  }
0xaf: {  	[dreg:$0x3] =	wrdreg s2  }
0xb0: {  	[dreg:$0x4] =	wrdreg $0x9  }
0xb1: {  	_ =	task.clear_ibuf [dreg:s7], $0x5FFFF;
	_ =	strace $0x90000049  }
0xb2: {  	s29 =	simm.s32 $0x9;
	_ =	strace $0x8000004B  }
0xb3: {  	_ =	swait.ge [sflag:s29], $0x1  }
0xb4: {  	[sflag:s29] =	ssyncadd.s32 $0xFFFFFFFF  }
0xb5: {  	_ =	strace $0x9000004B  }
0xb6: {  	_ =	sfence  }
0xb7: {  	s30 =	sld [smem:$0x0];
	_ =	sdelay $0x2  }
0xb8: {  	s31 =	sshll.u32 s1, $0xD;
	s1 =	sshrl.u32 s1, $0x2  }
0xb9: {  	s3 =	sand.u32 $0x4000, s31;
	s1 =	sadd.s32 s1, s30  }
0xba: {  	s0 =	sor.u32 s3, s0;
	s1 =	sshll.u32 s1, $0x11  }
0xbb: {  	s0 =	sor.u32 s1, s0  }
0xbc: {  	s0 =	sadd.s32 $0x8F2B, s0  }
0xbd: {  	[sflag:s0] =	ssyncadd.remote.s32 $0x1  }
0xbe: {  	_ =	sfence.sel $0xFFFF  }
0xbf: {  	[dreg:$0x0] =	wrdreg $0xFFFFFFFF;
	(pc) =	sbr.abs _section_cstart, $3  }
0xc0: {  	[dreg:$0x1] =	wrdreg $0xFFFFFFFF  }
0xc1: {  	_ =	task.clear_ibuf [dreg:s7], $0x2FFFF;
	_ =	strace $0x9FFFFFFF  }
0xc2: {  	(tm) =	ssettm $0x7FFFFFFF  }
0xc3: {  	_ =	shalt  }
tec
execute0_lowered:
.L_overlay_start_1:
0x0: {  	(tag) =	ssettag $0x1  }
0x1: {  	s0 =	rddreg [dreg:$0x0]  }
0x2: {  	s1 =	rddreg [dreg:$0x1]  }
0x3: {  	s2 =	simm.s32 $0x0;
	s6 =	stileid.u32;
	s4 =	srdreg.scid  }
0x4: {  	s11 =	simm.s32 $0x9;
	s15 =	simm.s32 $0xC100;
	s16 =	simm.s32 $0x1  }
0x5: {  	s17 =	simm.s32 $0x18;
	s28 =	simm.s32 $0xC178;
	s29 =	simm.s32 $0x179C0  }
0x6: {  	s30 =	simm.s32 $0xC190;
	s31 =	simm.s32 $0x191C0;
	s12 =	simm.s32 $0x3  }
0x7: {  	s13 =	simm.s32 $0x4;
	s14 =	simm.s32 $0x5;
	s18 =	simm.s32 $0x0  }
0x8: {  	[smem:$0x7FF] =	sst s2;
	s3 =	sshll.u32 s6, $0xC;
	s19 =	sand.u32 $0x1, s4  }
0x9: {  	s20 =	sshll.u32 s6, $0x1;
	s5 =	sand.u32 $0xC000, s3;
	_ =	strace $0x8000004A  }
0xa: {  	s4 =	sor.u32 s19, s20;
	s8 =	ssub.s32 $0x2, s19;
	s3 =	sadd.s32 $0x1C00, s0  }
0xb: {  	s21 =	sshrl.u32 s5, $0x3;
	s7 =	sshll.u32 s4, $0x5;
	s22 =	sshrl.u32 s8, $0x1  }
0xc: {  	s25 =	sshll.u32 s4, $0x9;
	s10 =	sor.u32 $0x10, s5;
	s6 =	sadd.s32 s21, s0  }
0xd: {  	s4 =	simm.s32 $0x6;
	s5 =	simm.s32 $0x7;
	s23 =	sadd.s32 $0x206000, s6  }
0xe: {  	s0 =	sadd.s32 s7, s0;
	s24 =	sadd.s32 $0x204000, s6;
	[dreg:$0x3] =	wrdreg s23  }
.Ltmp0:
0xf: {  	s6 =	sadd.s32 $0x202000, s6;
	[dreg:$0x4] =	wrdreg s24;
	(pc) =	sbr.rel .LBB2_1-.Ltmp0, $4  }
0x10: {  	s7 =	ssub.s32 s8, s22;
	s0 =	sadd.s32 $0x201C00, s0;
	[dreg:$0x5] =	wrdreg s6  }
0x11: {  	s8 =	sadd.s32 s1, s25;
	s26 =	smax.u32 s7, $0x1;
	[dreg:$0x6] =	wrdreg s0  }
0x12: {  	s1 =	simm.s32 $0x2;
	s7 =	simm.s32 $0x1C1C0;
	[dreg:$0x7] =	wrdreg s26  }
0x13: {  	v0 =	vlaneseq.u32;
	s26 =	simm.s32 $0x161C0;
	s0 =	simm.s32 $0x1A9C0;
	s6 =	simm.s32 $0x8  }
.LBB2_25:
0x14: {  	s18 =	rddreg [dreg:$0x8]  }
0x15: {  	s9 =	rddreg [dreg:$0x7];
	s18 =	sadd.s32 $0x1, s18  }
0x16: {  	p0 =	sne.s32 s18, s9  }
.Ltmp1:
0x17: {  	_ = 	snop;
	(pc) =	sbr.rel @!p0 .LBB2_26-.Ltmp1, $1  }
0x18: {  	_ =	sdelay $0x3  }
.LBB2_1:
0x19: {  	[dreg:$0x8] =	wrdreg s18  }
0x1a: {  	s9 =	rddreg [dreg:$0x3]  }
0x1b: {  	[tilespmem:s2], [sflag:$0x9] =	stream.linear.gather [hbm4b:s9+s2], $0x4000, $0x38;
	[tilespmem:$0x1C2C0] =	vst v63  }
0x1c: {  	_ =	swait.ge [sflag:s11], $0x4000  }
0x1d: {  	[sflag:s11] =	ssyncset.done $0x0  }
0x1e: {  	s21 =	simm.s32 $0x4000;
	s20 =	rddreg [dreg:$0x4];
	[sflag:s11] =	ssyncadd.s32 $0xFFFFC000  }
0x1f: {  	[tilespmem:s21], [sflag:$0x9] =	stream.linear.gather [hbm4b:s20+s2], $0x4000, $0x38;
	[tilespmem:$0x1C2C0] =	vst v63  }
0x20: {  	_ =	swait.ge [sflag:s11], $0x4000  }
0x21: {  	[sflag:s11] =	ssyncset.done $0x0  }
0x22: {  	s23 =	simm.s32 $0x8000;
	s22 =	rddreg [dreg:$0x5];
	[sflag:s11] =	ssyncadd.s32 $0xFFFFC000  }
0x23: {  	[tilespmem:s23], [sflag:$0x9] =	stream.linear.gather [hbm4b:s22+s2], $0x4000, $0x38;
	[tilespmem:$0x1C2C0] =	vst v63  }
0x24: {  	_ =	swait.ge [sflag:s11], $0x4000  }
0x25: {  	s25 =	simm.s32 $0xC000;
	[sflag:s11] =	ssyncset.done $0x0  }
.Ltmp2:
0x26: {  	s24 =	rddreg [dreg:$0x6];
	[sflag:s11] =	ssyncadd.s32 $0xFFFFC000;
	(pc) =	sbr.rel .LBB2_2-.Ltmp2, $4  }
0x27: {  	[tilespmem:s25], [sflag:$0x9] =	stream.linear.gather [hbm4b:s24+s2], $0x100, $0x38;
	[tilespmem:$0x1C2C0] =	vst v63  }
0x28: {  	_ =	swait.ge [sflag:s11], $0x100  }
0x29: {  	[sflag:s11] =	ssyncset.done $0x0  }
0x2a: {  	s9 =	simm.s32 $0x0;
	[sflag:s11] =	ssyncadd.s32 $0xFFFFFF00  }
.LBB2_5:
0x2b: {  	v7 =	vimm.f32 $-Inf  }
0x2c: {  	v21 =	vimm.f32 $-Inf;
	v8 =	vimm.f32 $-Inf;
	v9 =	vimm.f32 $-Inf  }
0x2d: {  	v19 =	vimm.f32 $-Inf;
	v10 =	vimm.f32 $-Inf;
	v11 =	vimm.f32 $-Inf  }
0x2e: {  	v17 =	vimm.f32 $-Inf;
	v12 =	vimm.f32 $-Inf;
	v16 =	vimm.f32 $-Inf  }
0x2f: {  	v5 =	vimm.f32 $-Inf;
	v4 =	vimm.f32 $-Inf;
	v3 =	vimm.f32 $-Inf  }
0x30: {  	v2 =	vimm.f32 $-Inf;
	v1 =	vimm.f32 $-Inf;
	v6 =	vimm.f32 $-Inf  }
.LBB2_24:
0x31: {  	p0 =	sgt.s32 s18, $0x0  }
0x32: {  	v7 =	vpsel !p0, $0x0, v7  }
0x33: {  	v55 =	vpsel !p0, $0x0, v21;
	[tilespmem:$0x1C1C0] =	vst v7  }
0x34: {  	v56 =	vpsel !p0, $0x0, v8;
	[tilespmem:$0x1C1D0] =	vst v55  }
0x35: {  	v57 =	vpsel !p0, $0x0, v9;
	[tilespmem:$0x1C1E0] =	vst v56  }
0x36: {  	v58 =	vpsel !p0, $0x0, v19;
	[tilespmem:$0x1C1F0] =	vst v57  }
0x37: {  	v59 =	vpsel !p0, $0x0, v10;
	[tilespmem:$0x1C200] =	vst v58  }
0x38: {  	v60 =	vpsel !p0, $0x0, v11;
	[tilespmem:$0x1C210] =	vst v59  }
0x39: {  	v61 =	vpsel !p0, $0x0, v17;
	[tilespmem:$0x1C220] =	vst v60  }
0x3a: {  	v62 =	vpsel !p0, $0x0, v12;
	[tilespmem:$0x1C230] =	vst v61  }
0x3b: {  	v63 =	vpsel !p0, $0x0, v16;
	[tilespmem:$0x1C240] =	vst v62  }
0x3c: {  	v5 =	vpsel !p0, $0x0, v5;
	[tilespmem:$0x1C250] =	vst v63  }
0x3d: {  	v4 =	vpsel !p0, $0x0, v4;
	[tilespmem:$0x1C260] =	vst v5  }
0x3e: {  	v3 =	vpsel !p0, $0x0, v3;
	[tilespmem:$0x1C270] =	vst v4  }
0x3f: {  	v2 =	vpsel !p0, $0x0, v2;
	[tilespmem:$0x1C280] =	vst v3  }
0x40: {  	s25 =	sshll.u32 s9, $0x5;
	s9 =	sadd.s32 $0x1, s9;
	v1 =	vpsel !p0, $0x0, v1;
	[tilespmem:$0x1C290] =	vst v2  }
0x41: {  	[tilespmem:$0x1C2A0] =	vst v1;
	v1 =	vpsel !p0, $0x0, v6;
	p0 =	sne.s32 s9, $0x10  }
.Ltmp3:
0x42: {  	s18 =	sadd.s32 s25, s8;
	[tilespmem:$0x1C2B0] =	vst v1;
	(pc) =	sbr.rel @!p0 .LBB2_25-.Ltmp3, $4  }
0x43: {  	[hbm4b:s18+s2] =	stream.linear.scatter [tilespmem:s7], [sflag:$0x9], $0x100, $0x38;
	[tilespmem:$0x1C2C0] =	vst v63  }
0x44: {  	_ =	swait.ge [sflag:s11], $0x100  }
0x45: {  	[sflag:s11] =	ssyncset.done $0x0  }
0x46: {  	[sflag:s11] =	ssyncadd.s32 $0xFFFFFF00  }
.LBB2_2:
0x47: {  	s18 =	sshll.u32 s9, $0x4  }
0x48: {  	s18 =	sand.u32 $0x3FFFFFF0, s18  }
0x49: {  	s24 =	simm.s32 $0x0;
	v6 =	vld [tilespmem:s18+$0xC000]  }
0x4a: {  	v7 =	vld [tilespmem:s24+$0x0]  }
0x4b: {  	v8 =	vld [tilespmem:s24+$0x4000];
	_ =	sdelay $0x2  }
0x4c: {  	v9 =	vld [tilespmem:s24+$0x8000];
	v1 =	vbroadcast v6, $0x0;
	v2 =	vbroadcast v6, $0x2  }
0x4d: {  	v4 =	vbroadcast v6, $0x1  }
0x4e: {  	v3 =	vbroadcast v6, $0x3;
	vm0 =	vgt.f32 v7, v1;
	vm1 =	vgt.f32 v8, v2  }
0x4f: {  	v5 =	vbroadcast v6, $0x4;
	vm2 =	vlt.f32 v7, v4;
	vm0 =	vmand vm0, vm1  }
0x50: {  	v6 =	vbroadcast v6, $0x5;
	vm1 =	vlt.f32 v8, v3;
	vm0 =	vmand vm0, vm2  }
0x51: {  	vm2 =	vgt.f32 v9, v5;
	vm0 =	vmand vm1, vm0  }
0x52: {  	vm1 =	vlt.f32 v9, v6;
	vm0 =	vmand vm2, vm0  }
0x53: {  	vm0 =	vmand vm1, vm0  }
0x54: {  	v7 =	vmpcnt.ones.xlane vm0  }
0x55: {  	s19 =	sadd.s32 $0xFFFFFFF0, s10  }
0x56: {  	s20 =	simm.s32 $0x0;
	(v2sf) =	vpush v7, $0x0;
	v7 =	vor.u32 s19, v0  }
0x57: {  	[tilespmem:s20+$0xC100] =	vst.msk vm0, v7  }
0x58: {  	v7 =	vld [tilespmem:s24+$0x10]  }
0x59: {  	v8 =	vld [tilespmem:s24+$0x4010];
	_ =	sdelay $0x2  }
0x5a: {  	v62 =	vld [tilespmem:s24+$0x8010];
	_ =	sdelay $0x1  }
0x5b: {  	vm0 =	vgt.f32 v7, v1;
	vm1 =	vgt.f32 v8, v2  }
0x5c: {  	vm2 =	vlt.f32 v7, v4;
	vm0 =	vmand vm0, vm1  }
0x5d: {  	vm1 =	vlt.f32 v8, v3;
	vm0 =	vmand vm0, vm2  }
0x5e: {  	vm2 =	vgt.f32 v62, v5;
	vm0 =	vmand vm1, vm0  }
0x5f: {  	vm1 =	vlt.f32 v62, v6;
	vm0 =	vmand vm2, vm0  }
0x60: {  	vm0 =	vmand vm1, vm0  }
0x61: {  	v10 =	vmpcnt.ones.xlane vm0;
	_ =	sdelay $0x1  }
0x62: {  	s25 =	spop (v2sf);
	(v2sf) =	vpush v10, $0x0;
	_ =	sdelay $0x1  }
0x63: {  	v7 =	vor.u32 s10, v0;
	s21 =	sadd.s32 $0x0, s25  }
0x64: {  	s20 =	simm.s32 $0x20;
	[tilespmem:s21+$0xC100] =	vst.msk vm0, v7  }
0x65: {  	v7 =	vld [tilespmem:s20+$0x0]  }
0x66: {  	v8 =	vld [tilespmem:s20+$0x4000];
	_ =	sdelay $0x1  }
0x67: {  	v63 =	vld [tilespmem:s20+$0x8000];
	_ =	sdelay $0x2  }
0x68: {  	vm0 =	vgt.f32 v7, v1;
	vm1 =	vgt.f32 v8, v2  }
0x69: {  	vm3 =	vlt.f32 v7, v4;
	vm2 =	vlt.f32 v8, v3;
	vm0 =	vmand vm0, vm1  }
0x6a: {  	s18 =	sadd.s32 $0x20, s10;
	s19 =	simm.s32 $0x100;
	vm1 =	vgt.f32 v63, v5;
	vm3 =	vmand vm0, vm3;
	vm0 =	vlt.f32 v63, v6  }
.LBB2_3:
0x6b: {  	p0 =	sne.s32 s19, $0xFF80  }
0x6c: {  	vm2 =	vmand vm2, vm3;
	s22 =	sadd.s32 $0xFFFFFFF0, s18;
	s23 =	smov.u32 s19;
	s19 =	sadd.s32 $0x80, s19  }
0x6d: {  	vm1 =	vmand vm1, vm2;
	v7 =	vor.u32 s22, v0;
	s22 =	spop (v2sf)  }
0x6e: {  	vm0 =	vmand vm0, vm1;
	s21 =	sadd.s32 s21, s22  }
0x6f: {  	[tilespmem:s21+$0xC100] =	vst.msk vm0, v7;
	v7 =	vmpcnt.ones.xlane vm0  }
0x70: {  	v8 =	vld [tilespmem:s20+$0x10]  }
0x71: {  	v9 =	vld [tilespmem:s20+$0x4010];
	(v2sf) =	vpush v7, $0x0  }
0x72: {  	v7 =	vld [tilespmem:s20+$0x8010];
	_ =	sdelay $0x2  }
0x73: {  	vm0 =	vgt.f32 v8, v1;
	vm1 =	vlt.f32 v8, v4  }
0x74: {  	vm2 =	vgt.f32 v9, v2;
	vm3 =	vlt.f32 v9, v3  }
0x75: {  	vm0 =	vmand vm0, vm2;
	vm2 =	vgt.f32 v7, v5  }
0x76: {  	vm0 =	vmand vm0, vm1;
	vm1 =	vlt.f32 v7, v6  }
0x77: {  	vm0 =	vmand vm3, vm0  }
0x78: {  	vm0 =	vmand vm2, vm0  }
0x79: {  	vm0 =	vmand vm1, vm0  }
0x7a: {  	v7 =	vmpcnt.ones.xlane vm0;
	_ =	sdelay $0x1  }
0x7b: {  	(v2sf) =	vpush v7, $0x0;
	_ =	sdelay $0x1  }
0x7c: {  	s20 =	spop (v2sf)  }
0x7d: {  	v7 =	vor.u32 s18, v0;
	s21 =	sadd.s32 s21, s20  }
0x7e: {  	s20 =	sshra.s32 s23, $0x2;
	[tilespmem:s21+$0xC100] =	vst.msk vm0, v7  }
0x7f: {  	v7 =	vld [tilespmem:s20+$0x0]  }
0x80: {  	v8 =	vld [tilespmem:s20+$0x4000];
	_ =	sdelay $0x1  }
0x81: {  	v9 =	vld [tilespmem:s20+$0x8000]  }
.Ltmp4:
0x82: {  	(pc) =	sbr.rel @p0 .LBB2_3-.Ltmp4, $4  }
0x83: {  	vm0 =	vgt.f32 v7, v1  }
0x84: {  	vm1 =	vlt.f32 v7, v4;
	vm2 =	vgt.f32 v8, v2  }
0x85: {  	vm0 =	vmand vm0, vm2;
	vm2 =	vlt.f32 v8, v3  }
0x86: {  	s18 =	sadd.s32 $0x20, s18;
	vm3 =	vmand vm0, vm1;
	vm1 =	vgt.f32 v9, v5;
	vm0 =	vlt.f32 v9, v6  }
0x87: {  	vm2 =	vmand vm2, vm3  }
0x88: {  	s19 =	sadd.s32 $0xFFFFFFF0, s18;
	vm1 =	vmand vm1, vm2;
	s22 =	spop (v2sf)  }
0x89: {  	v7 =	vor.u32 s19, v0;
	vm0 =	vmand vm0, vm1;
	s24 =	sadd.s32 s21, s22  }
0x8a: {  	[tilespmem:s24+$0xC100] =	vst.msk vm0, v7  }
0x8b: {  	v7 =	vld [tilespmem:s20+$0x10]  }
0x8c: {  	v8 =	vld [tilespmem:s20+$0x4010];
	_ =	sdelay $0x2  }
0x8d: {  	v9 =	vld [tilespmem:s20+$0x8010];
	_ =	sdelay $0x1  }
0x8e: {  	vm9 =	vgt.f32 v7, v1;
	vm10 =	vgt.f32 v8, v2  }
0x8f: {  	vm11 =	vlt.f32 v7, v4;
	vm1 =	vmand vm9, vm10  }
0x90: {  	vm12 =	vlt.f32 v8, v3;
	vm1 =	vmand vm1, vm11  }
0x91: {  	vm13 =	vgt.f32 v9, v5;
	vm1 =	vmand vm12, vm1  }
0x92: {  	vm14 =	vlt.f32 v9, v6;
	vm1 =	vmand vm13, vm1  }
0x93: {  	v1 =	vmpcnt.ones.xlane vm0;
	vm15 =	vmand vm14, vm1  }
0x94: {  	v2 =	vmpcnt.ones.xlane vm15  }
0x95: {  	(v2sf) =	vpush v1, $0x0  }
0x96: {  	(v2sf) =	vpush v2, $0x0;
	_ =	sdelay $0xd  }
0x97: {  	s25 =	spop (v2sf)  }
0x98: {  	s19 =	sadd.s32 s24, s25;
	s20 =	spop (v2sf)  }
0x99: {  	v1 =	vor.u32 s18, v0;
	s18 =	sadd.s32 s19, s20  }
0x9a: {  	[tilespmem:s19+$0xC100] =	vst.msk vm15, v1;
	s19 =	sadd.s32 $0x10, s18;
	s21 =	sadd.s32 $0x20, s18;
	s20 =	sadd.s32 $0xBF, s18  }
0x9b: {  	v1 =	vld.msk [tilespmem:$0xC100 ss:$0x0], $0xffff;
	v2 =	vadd.s32 s18, v0;
	s22 =	sadd.s32 $0x30, s18;
	v58 =	vadd.s32 s21, v0;
	s21 =	smulhi.u32 $0x2AAAAAAB, s20;
	s23 =	sshra.s32 s20, $0x1F  }
0x9c: {  	v3 =	vadd.s32 s19, v0;
	v59 =	vadd.s32 s22, v0;
	s22 =	smul.u32 $0x2AAAAAAB, s23;
	_ =	sdelay $0x1  }
0x9d: {  	s21 =	sadd.s32 s22, s21  }
0x9e: {  	s22 =	sshrl.u32 s21, $0x1F;
	s21 =	sshra.s32 s21, $0x5  }
0x9f: {  	s24 =	sadd.s32 $0x40, s18;
	s23 =	sadd.s32 $0x60, s18;
	[tilespmem:v2+s15+$0x0] =	vst.idx.msk $0xffff, v1;
	s21 =	sadd.s32 s22, s21  }
0xa0: {  	s25 =	sadd.s32 $0x50, s18;
	v60 =	vadd.s32 s24, v0;
	[tilespmem:v3+s15+$0x0] =	vst.idx.msk $0xffff, v1;
	v3 =	vadd.s32 s23, v0;
	s23 =	sadd.s32 $0x90, s18;
	s22 =	smul.u32 $0xFFFFFF40, s21  }
0xa1: {  	v2 =	vadd.s32 s25, v0;
	v63 =	vadd.s32 s23, v0;
	s23 =	ssub.s32 $0xFFFFFF41, s18  }
0xa2: {  	s24 =	sadd.s32 $0x70, s18;
	p1 =	slt.s32 s20, $0x1;
	p0 =	sne.s32 s22, s23  }
0xa3: {  	v61 =	vadd.s32 s24, v0;
	s25 =	sadd.s32 $0x80, s18;
	[tilespmem:v58+s15+$0x0] =	vst.idx.msk $0xffff, v1;
	p0 =	por !p1, !p0  }
0xa4: {  	s19 =	simm.s32 $0x1;
	v62 =	vadd.s32 s25, v0;
	[tilespmem:v59+s15+$0x0] =	vst.idx.msk $0xffff, v1;
	p0 =	por !p0, !p0  }
0xa5: {  	s24 =	sadd.s32 $0xA0, s18;
	[tilespmem:v60+s15+$0x0] =	vst.idx.msk $0xffff, v1;
	s19 =	simm.s32 @!p0 $0x0  }
0xa6: {  	s25 =	sadd.s32 $0xB0, s18;
	[tilespmem:v2+s15+$0x0] =	vst.idx.msk $0xffff, v1;
	v2 =	vadd.s32 s24, v0;
	s19 =	ssub.s32 s21, s19  }
0xa7: {  	[tilespmem:v3+s15+$0x0] =	vst.idx.msk $0xffff, v1;
	v3 =	vadd.s32 s25, v0;
	p0 =	slt.s32 s19, $0x1  }
.Ltmp5:
0xa8: {  	[tilespmem:v61+s15+$0x0] =	vst.idx.msk $0xffff, v1;
	(pc) =	sbr.rel @p0 .LBB2_5-.Ltmp5, $4  }
0xa9: {  	[tilespmem:v62+s15+$0x0] =	vst.idx.msk $0xffff, v1  }
0xaa: {  	[tilespmem:v63+s15+$0x0] =	vst.idx.msk $0xffff, v1  }
0xab: {  	[tilespmem:v2+s15+$0x0] =	vst.idx.msk $0xffff, v1  }
0xac: {  	[tilespmem:v3+s15+$0x0] =	vst.idx.msk $0xffff, v1  }
0xad: {  	s20 =	simm.s32 $0x101C0  }
0xae: {  	[tilespmem:s20], [sflag:$0x1] =	stream.indirect.gather [hbm4b:s3+s17], $0x100, s15, s17, $0xb8;
	[tilespmem:$0x1C2C0] =	vst v63  }
0xaf: {  	s25 =	simm.s32 $0xC118;
	s21 =	simm.s32 $0x119C0  }
0xb0: {  	[tilespmem:s21], [sflag:$0x2] =	stream.indirect.gather [hbm4b:s3+s17], $0x100, s25, s17, $0xb8;
	[tilespmem:$0x1C2C0] =	vst v63  }
0xb1: {  	s22 =	simm.s32 $0x131C0;
	s21 =	simm.s32 $0xC130  }
0xb2: {  	[tilespmem:s22], [sflag:$0x3] =	stream.indirect.gather [hbm4b:s3+s17], $0x100, s21, s17, $0xb8;
	[tilespmem:$0x1C2C0] =	vst v63  }
0xb3: {  	s23 =	simm.s32 $0xC148;
	s24 =	simm.s32 $0x149C0  }
0xb4: {  	[tilespmem:s24], [sflag:$0x4] =	stream.indirect.gather [hbm4b:s3+s17], $0x100, s23, s17, $0xb8;
	[tilespmem:$0x1C2C0] =	vst v63  }
0xb5: {  	v6 =	vimm.f32 $-Inf;
	s25 =	simm.s32 $0xC160  }
0xb6: {  	v1 =	vimm.f32 $-Inf;
	v2 =	vimm.f32 $-Inf;
	v3 =	vimm.f32 $-Inf;
	[tilespmem:s26], [sflag:$0x5] =	stream.indirect.gather [hbm4b:s3+s17], $0x100, s25, s17, $0xb8;
	[tilespmem:$0x1C2C0] =	vst v63  }
0xb7: {  	v4 =	vimm.f32 $-Inf;
	v5 =	vimm.f32 $-Inf;
	v16 =	vimm.f32 $-Inf  }
0xb8: {  	v12 =	vimm.f32 $-Inf;
	v17 =	vimm.f32 $-Inf;
	v11 =	vimm.f32 $-Inf;
	[tilespmem:s29], [sflag:$0x6] =	stream.indirect.gather [hbm4b:s3+s17], $0x100, s28, s17, $0xb8;
	[tilespmem:$0x1C2C0] =	vst v63  }
0xb9: {  	v10 =	vimm.f32 $-Inf;
	v19 =	vimm.f32 $-Inf;
	v9 =	vimm.f32 $-Inf;
	s20 =	sshll.u32 s19, $0x3;
	s21 =	simm.s32 $0x0  }
0xba: {  	v8 =	vimm.f32 $-Inf;
	v21 =	vimm.f32 $-Inf;
	v7 =	vimm.f32 $-Inf;
	[tilespmem:s31], [sflag:$0x7] =	stream.indirect.gather [hbm4b:s3+s17], $0x100, s30, s17, $0xb8;
	[tilespmem:$0x1C2C0] =	vst v63  }
.LBB2_7:
0xbb: {  	s22 =	smul.u32 $0x300, s21;
	_ =	sdelay $0x1  }
0xbc: {  	s22 =	sshra.s32 s22, $0x2  }
0xbd: {  	s22 =	sadd.s32 $0xC1A8, s22  }
0xbe: {  	[tilespmem:s0], [sflag:$0x8] =	stream.indirect.gather [hbm4b:s3+s17], $0x100, s22, s17, $0xb8;
	[tilespmem:$0x1C2C0] =	vst v63  }
0xbf: {  	_ =	swait.ge [sflag:s16], $0x1800  }
0xc0: {  	[sflag:s16] =	ssyncset.done $0x0  }
0xc1: {  	s24 =	simm.s32 $0x0;
	[sflag:s16] =	ssyncadd.s32 $0xFFFFE800  }
0xc2: {  	v13 =	vld [tilespmem:s24+$0x102B0]  }
0xc3: {  	v14 =	vld [tilespmem:s24+$0x101C0]  }
0xc4: {  	v15 =	vld [tilespmem:s24+$0x101D0]  }
0xc5: {  	v22 =	vld [tilespmem:s24+$0x101E0]  }
0xc6: {  	v23 =	vld [tilespmem:s24+$0x101F0]  }
0xc7: {  	v24 =	vld [tilespmem:s24+$0x10200]  }
0xc8: {  	v25 =	vld [tilespmem:s24+$0x10210]  }
0xc9: {  	v26 =	vld [tilespmem:s24+$0x10220]  }
0xca: {  	v27 =	vld [tilespmem:s24+$0x10230]  }
0xcb: {  	v28 =	vld [tilespmem:s24+$0x10240]  }
0xcc: {  	v29 =	vld [tilespmem:s24+$0x10250]  }
0xcd: {  	v18 =	vld [tilespmem:s24+$0x10260]  }
0xce: {  	v20 =	vld [tilespmem:s24+$0x10270];
	v6 =	vmax.f32 v6, v13;
	v7 =	vmax.f32 v7, v14  }
0xcf: {  	v13 =	vmax.f32 v21, v15;
	v8 =	vmax.f32 v8, v22;
	v9 =	vmax.f32 v9, v23;
	v21 =	vld [tilespmem:s24+$0x10280]  }
0xd0: {  	v14 =	vmax.f32 v19, v24;
	v10 =	vmax.f32 v10, v25;
	v11 =	vmax.f32 v11, v26;
	v19 =	vld [tilespmem:s24+$0x10290]  }
0xd1: {  	s23 =	simm.s32 $0x100;
	s22 =	simm.s32 $0x800;
	v15 =	vmax.f32 v17, v27;
	v12 =	vmax.f32 v12, v28;
	v16 =	vmax.f32 v16, v29;
	v17 =	vld [tilespmem:s24+$0x102A0]  }
.LBB2_8:
0xd2: {  	p0 =	sne.s32 s22, $0x5C00;
	v22 =	vld [tilespmem:s23+$0x102B0];
	v5 =	vmax.f32 v5, v18  }
0xd3: {  	v18 =	vld [tilespmem:s23+$0x101C0];
	v4 =	vmax.f32 v4, v20  }
0xd4: {  	v20 =	vld [tilespmem:s23+$0x101D0];
	v3 =	vmax.f32 v3, v21  }
0xd5: {  	v21 =	vld [tilespmem:s23+$0x101E0];
	v2 =	vmax.f32 v2, v19  }
0xd6: {  	v19 =	vld [tilespmem:s23+$0x101F0];
	v1 =	vmax.f32 v1, v17  }
0xd7: {  	v17 =	vld [tilespmem:s23+$0x10200];
	v6 =	vmax.f32 v6, v22  }
0xd8: {  	v7 =	vmax.f32 v7, v18;
	v18 =	vld [tilespmem:s23+$0x10210]  }
0xd9: {  	v13 =	vmax.f32 v13, v20;
	v20 =	vld [tilespmem:s23+$0x10220]  }
0xda: {  	v8 =	vmax.f32 v8, v21;
	v21 =	vld [tilespmem:s23+$0x10230]  }
0xdb: {  	v9 =	vmax.f32 v9, v19;
	v19 =	vld [tilespmem:s23+$0x10240]  }
0xdc: {  	v14 =	vmax.f32 v14, v17;
	v17 =	vld [tilespmem:s23+$0x10250]  }
.Ltmp6:
0xdd: {  	v10 =	vmax.f32 v10, v18;
	v18 =	vld [tilespmem:s23+$0x10260];
	(pc) =	sbr.rel @p0 .LBB2_8-.Ltmp6, $4  }
0xde: {  	v11 =	vmax.f32 v11, v20;
	v20 =	vld [tilespmem:s23+$0x10270]  }
0xdf: {  	v15 =	vmax.f32 v15, v21;
	v21 =	vld [tilespmem:s23+$0x10280]  }
0xe0: {  	v12 =	vmax.f32 v12, v19;
	v19 =	vld [tilespmem:s23+$0x10290]  }
0xe1: {  	v16 =	vmax.f32 v16, v17;
	v17 =	vld [tilespmem:s23+$0x102A0];
	s23 =	sshra.s32 s22, $0x2;
	s22 =	sadd.s32 $0x400, s22  }
0xe2: {  	v22 =	vld [tilespmem:s23+$0x102B0]  }
0xe3: {  	v23 =	vld [tilespmem:s23+$0x101C0]  }
0xe4: {  	v24 =	vld [tilespmem:s23+$0x101D0]  }
0xe5: {  	v25 =	vld [tilespmem:s23+$0x101E0]  }
0xe6: {  	v26 =	vld [tilespmem:s23+$0x101F0]  }
0xe7: {  	v27 =	vld [tilespmem:s23+$0x10200]  }
0xe8: {  	v28 =	vld [tilespmem:s23+$0x10210]  }
0xe9: {  	v29 =	vld [tilespmem:s23+$0x10220]  }
0xea: {  	v30 =	vld [tilespmem:s23+$0x10230]  }
0xeb: {  	v31 =	vld [tilespmem:s23+$0x10240];
	s22 =	sshll.u32 s21, $0x3  }
0xec: {  	v32 =	vld [tilespmem:s23+$0x10250];
	s24 =	sadd.s32 $0x8, s22  }
0xed: {  	v33 =	vld [tilespmem:s23+$0x10260];
	p0 =	sge.s32 s24, s20  }
0xee: {  	v34 =	vld [tilespmem:s23+$0x10270];
	s24 =	smul.u32 @!p0 $0x60, s24  }
0xef: {  	v35 =	vld [tilespmem:s23+$0x10280]  }
0xf0: {  	v36 =	vld [tilespmem:s23+$0x10290];
	s24 =	sshra.s32 @!p0 s24, $0x2  }
0xf1: {  	v37 =	vld [tilespmem:s23+$0x102A0];
	s25 =	simm.s32 @!p0 $0x101C0;
	s23 =	sadd.s32 @!p0 $0xC100, s24;
	s24 =	simm.s32 @!p0 $0x18  }
0xf2: {  	[tilespmem:s25], [sflag:$0x1] =	stream.indirect.gather @!p0 [hbm4b:s3+s24], $0x100, s23, s24, $0xb8;
	[tilespmem:$0x1C2C0] =	vst v63  }
0xf3: {  	_ =	swait.ge [sflag:s1], $0x1800  }
0xf4: {  	[sflag:s1] =	ssyncset.done $0x0  }
0xf5: {  	s25 =	simm.s32 $0x0;
	[sflag:s1] =	ssyncadd.s32 $0xFFFFE800  }
0xf6: {  	v38 =	vld [tilespmem:s25+$0x11AB0]  }
0xf7: {  	v39 =	vld [tilespmem:s25+$0x119C0]  }
0xf8: {  	v40 =	vld [tilespmem:s25+$0x119D0]  }
0xf9: {  	v41 =	vld [tilespmem:s25+$0x119E0]  }
0xfa: {  	v42 =	vld [tilespmem:s25+$0x119F0]  }
0xfb: {  	v5 =	vmax.f32 v5, v18;
	v4 =	vmax.f32 v4, v20;
	v20 =	vld [tilespmem:s25+$0x11A00]  }
0xfc: {  	v3 =	vmax.f32 v3, v21;
	v18 =	vmax.f32 v2, v19;
	v19 =	vmax.f32 v1, v17;
	v21 =	vld [tilespmem:s25+$0x11A10]  }
0xfd: {  	v6 =	vmax.f32 v6, v22;
	v7 =	vmax.f32 v7, v23;
	v13 =	vmax.f32 v13, v24;
	v22 =	vld [tilespmem:s25+$0x11A20]  }
0xfe: {  	v8 =	vmax.f32 v8, v25;
	v9 =	vmax.f32 v9, v26;
	v14 =	vmax.f32 v14, v27;
	v23 =	vld [tilespmem:s25+$0x11A30]  }
0xff: {  	v10 =	vmax.f32 v10, v28;
	v60 =	vmax.f32 v11, v29;
	v15 =	vmax.f32 v15, v30;
	v61 =	vld [tilespmem:s25+$0x11A40]  }
0x100: {  	v62 =	vmax.f32 v12, v31;
	v16 =	vmax.f32 v16, v32;
	v1 =	vmax.f32 v5, v33;
	v63 =	vld [tilespmem:s25+$0x11A50]  }
0x101: {  	v11 =	vmax.f32 v4, v34;
	v2 =	vmax.f32 v3, v35;
	v3 =	vmax.f32 v18, v36;
	v17 =	vld [tilespmem:s25+$0x11A60]  }
0x102: {  	v12 =	vmax.f32 v19, v37;
	v18 =	vld [tilespmem:s25+$0x11A70];
	v4 =	vmax.f32 v6, v38;
	v5 =	vmax.f32 v7, v39  }
0x103: {  	v19 =	vld [tilespmem:s25+$0x11A80];
	v13 =	vmax.f32 v13, v40;
	v6 =	vmax.f32 v8, v41;
	v7 =	vmax.f32 v9, v42  }
0x104: {  	v14 =	vmax.f32 v14, v20;
	v8 =	vmax.f32 v10, v21;
	v9 =	vmax.f32 v60, v22;
	v20 =	vld [tilespmem:s25+$0x11A90]  }
0x105: {  	s23 =	simm.s32 $0x100;
	s24 =	simm.s32 $0x800;
	v15 =	vmax.f32 v15, v23;
	v10 =	vmax.f32 v62, v61;
	v16 =	vmax.f32 v16, v63;
	v21 =	vld [tilespmem:s25+$0x11AA0]  }
.LBB2_10:
0x106: {  	p0 =	sne.s32 s24, $0x5C00;
	v22 =	vld [tilespmem:s23+$0x11AB0];
	v1 =	vmax.f32 v1, v17  }
0x107: {  	v17 =	vld [tilespmem:s23+$0x119C0];
	v11 =	vmax.f32 v11, v18  }
0x108: {  	v18 =	vld [tilespmem:s23+$0x119D0];
	v2 =	vmax.f32 v2, v19  }
0x109: {  	v19 =	vld [tilespmem:s23+$0x119E0];
	v3 =	vmax.f32 v3, v20  }
0x10a: {  	v20 =	vld [tilespmem:s23+$0x119F0];
	v12 =	vmax.f32 v12, v21  }
0x10b: {  	v21 =	vld [tilespmem:s23+$0x11A00];
	v4 =	vmax.f32 v4, v22  }
0x10c: {  	v5 =	vmax.f32 v5, v17;
	v17 =	vld [tilespmem:s23+$0x11A10]  }
0x10d: {  	v13 =	vmax.f32 v13, v18;
	v18 =	vld [tilespmem:s23+$0x11A20]  }
0x10e: {  	v6 =	vmax.f32 v6, v19;
	v19 =	vld [tilespmem:s23+$0x11A30]  }
0x10f: {  	v7 =	vmax.f32 v7, v20;
	v20 =	vld [tilespmem:s23+$0x11A40]  }
0x110: {  	v14 =	vmax.f32 v14, v21;
	v21 =	vld [tilespmem:s23+$0x11A50]  }
.Ltmp7:
0x111: {  	v8 =	vmax.f32 v8, v17;
	v17 =	vld [tilespmem:s23+$0x11A60];
	(pc) =	sbr.rel @p0 .LBB2_10-.Ltmp7, $4  }
0x112: {  	v9 =	vmax.f32 v9, v18;
	v18 =	vld [tilespmem:s23+$0x11A70]  }
0x113: {  	v15 =	vmax.f32 v15, v19;
	v19 =	vld [tilespmem:s23+$0x11A80]  }
0x114: {  	v10 =	vmax.f32 v10, v20;
	v20 =	vld [tilespmem:s23+$0x11A90]  }
0x115: {  	v16 =	vmax.f32 v16, v21;
	v21 =	vld [tilespmem:s23+$0x11AA0];
	s23 =	sshra.s32 s24, $0x2;
	s24 =	sadd.s32 $0x400, s24  }
0x116: {  	v22 =	vld [tilespmem:s23+$0x11AB0]  }
0x117: {  	v23 =	vld [tilespmem:s23+$0x119C0]  }
0x118: {  	v24 =	vld [tilespmem:s23+$0x119D0]  }
0x119: {  	v25 =	vld [tilespmem:s23+$0x119E0]  }
0x11a: {  	v26 =	vld [tilespmem:s23+$0x119F0]  }
0x11b: {  	v27 =	vld [tilespmem:s23+$0x11A00]  }
0x11c: {  	v28 =	vld [tilespmem:s23+$0x11A10]  }
0x11d: {  	v29 =	vld [tilespmem:s23+$0x11A20]  }
0x11e: {  	v30 =	vld [tilespmem:s23+$0x11A30]  }
0x11f: {  	v31 =	vld [tilespmem:s23+$0x11A40]  }
0x120: {  	v32 =	vld [tilespmem:s23+$0x11A50];
	s24 =	sadd.s32 $0x9, s22  }
0x121: {  	v33 =	vld [tilespmem:s23+$0x11A60];
	p0 =	sge.s32 s24, s20  }
0x122: {  	v34 =	vld [tilespmem:s23+$0x11A70];
	s24 =	smul.u32 @!p0 $0x60, s24  }
0x123: {  	v35 =	vld [tilespmem:s23+$0x11A80]  }
0x124: {  	v36 =	vld [tilespmem:s23+$0x11A90];
	s24 =	sshra.s32 @!p0 s24, $0x2  }
0x125: {  	v37 =	vld [tilespmem:s23+$0x11AA0];
	s25 =	simm.s32 @!p0 $0x119C0;
	s23 =	sadd.s32 @!p0 $0xC100, s24;
	s24 =	simm.s32 @!p0 $0x18  }
0x126: {  	[tilespmem:s25], [sflag:$0x2] =	stream.indirect.gather @!p0 [hbm4b:s3+s24], $0x100, s23, s24, $0xb8;
	[tilespmem:$0x1C2C0] =	vst v63  }
0x127: {  	_ =	swait.ge [sflag:s12], $0x1800  }
0x128: {  	[sflag:s12] =	ssyncset.done $0x0  }
0x129: {  	s25 =	simm.s32 $0x0;
	[sflag:s12] =	ssyncadd.s32 $0xFFFFE800  }
0x12a: {  	v38 =	vld [tilespmem:s25+$0x132B0]  }
0x12b: {  	v39 =	vld [tilespmem:s25+$0x131C0]  }
0x12c: {  	v40 =	vld [tilespmem:s25+$0x131D0]  }
0x12d: {  	v41 =	vld [tilespmem:s25+$0x131E0]  }
0x12e: {  	v42 =	vld [tilespmem:s25+$0x131F0]  }
0x12f: {  	v1 =	vmax.f32 v1, v17;
	v11 =	vmax.f32 v11, v18;
	v43 =	vld [tilespmem:s25+$0x13200]  }
0x130: {  	v2 =	vmax.f32 v2, v19;
	v3 =	vmax.f32 v3, v20;
	v12 =	vmax.f32 v12, v21;
	v20 =	vld [tilespmem:s25+$0x13210]  }
0x131: {  	v4 =	vmax.f32 v4, v22;
	v5 =	vmax.f32 v5, v23;
	v13 =	vmax.f32 v13, v24;
	v21 =	vld [tilespmem:s25+$0x13220]  }
0x132: {  	v6 =	vmax.f32 v6, v25;
	v7 =	vmax.f32 v7, v26;
	v14 =	vmax.f32 v14, v27;
	v22 =	vld [tilespmem:s25+$0x13230]  }
0x133: {  	v8 =	vmax.f32 v8, v28;
	v9 =	vmax.f32 v9, v29;
	v15 =	vmax.f32 v15, v30;
	v23 =	vld [tilespmem:s25+$0x13240]  }
0x134: {  	v10 =	vmax.f32 v10, v31;
	v16 =	vmax.f32 v16, v32;
	v1 =	vmax.f32 v1, v33;
	v63 =	vld [tilespmem:s25+$0x13250]  }
0x135: {  	v11 =	vmax.f32 v11, v34;
	v2 =	vmax.f32 v2, v35;
	v3 =	vmax.f32 v3, v36;
	v17 =	vld [tilespmem:s25+$0x13260]  }
0x136: {  	v12 =	vmax.f32 v12, v37;
	v18 =	vld [tilespmem:s25+$0x13270];
	v4 =	vmax.f32 v4, v38;
	v5 =	vmax.f32 v5, v39  }
0x137: {  	v19 =	vld [tilespmem:s25+$0x13280];
	v13 =	vmax.f32 v13, v40;
	v6 =	vmax.f32 v6, v41;
	v7 =	vmax.f32 v7, v42  }
0x138: {  	v14 =	vmax.f32 v14, v43;
	v8 =	vmax.f32 v8, v20;
	v9 =	vmax.f32 v9, v21;
	v20 =	vld [tilespmem:s25+$0x13290]  }
0x139: {  	s23 =	simm.s32 $0x100;
	s24 =	simm.s32 $0x800;
	v15 =	vmax.f32 v15, v22;
	v10 =	vmax.f32 v10, v23;
	v16 =	vmax.f32 v16, v63;
	v21 =	vld [tilespmem:s25+$0x132A0]  }
.LBB2_12:
0x13a: {  	p0 =	sne.s32 s24, $0x5C00;
	v22 =	vld [tilespmem:s23+$0x132B0];
	v1 =	vmax.f32 v1, v17  }
0x13b: {  	v17 =	vld [tilespmem:s23+$0x131C0];
	v11 =	vmax.f32 v11, v18  }
0x13c: {  	v18 =	vld [tilespmem:s23+$0x131D0];
	v2 =	vmax.f32 v2, v19  }
0x13d: {  	v19 =	vld [tilespmem:s23+$0x131E0];
	v3 =	vmax.f32 v3, v20  }
0x13e: {  	v20 =	vld [tilespmem:s23+$0x131F0];
	v12 =	vmax.f32 v12, v21  }
0x13f: {  	v21 =	vld [tilespmem:s23+$0x13200];
	v4 =	vmax.f32 v4, v22  }
0x140: {  	v5 =	vmax.f32 v5, v17;
	v17 =	vld [tilespmem:s23+$0x13210]  }
0x141: {  	v13 =	vmax.f32 v13, v18;
	v18 =	vld [tilespmem:s23+$0x13220]  }
0x142: {  	v6 =	vmax.f32 v6, v19;
	v19 =	vld [tilespmem:s23+$0x13230]  }
0x143: {  	v7 =	vmax.f32 v7, v20;
	v20 =	vld [tilespmem:s23+$0x13240]  }
0x144: {  	v14 =	vmax.f32 v14, v21;
	v21 =	vld [tilespmem:s23+$0x13250]  }
.Ltmp8:
0x145: {  	v8 =	vmax.f32 v8, v17;
	v17 =	vld [tilespmem:s23+$0x13260];
	(pc) =	sbr.rel @p0 .LBB2_12-.Ltmp8, $4  }
0x146: {  	v9 =	vmax.f32 v9, v18;
	v18 =	vld [tilespmem:s23+$0x13270]  }
0x147: {  	v15 =	vmax.f32 v15, v19;
	v19 =	vld [tilespmem:s23+$0x13280]  }
0x148: {  	v10 =	vmax.f32 v10, v20;
	v20 =	vld [tilespmem:s23+$0x13290]  }
0x149: {  	v16 =	vmax.f32 v16, v21;
	v21 =	vld [tilespmem:s23+$0x132A0];
	s23 =	sshra.s32 s24, $0x2;
	s24 =	sadd.s32 $0x400, s24  }
0x14a: {  	v22 =	vld [tilespmem:s23+$0x132B0]  }
0x14b: {  	v23 =	vld [tilespmem:s23+$0x131C0]  }
0x14c: {  	v24 =	vld [tilespmem:s23+$0x131D0]  }
0x14d: {  	v25 =	vld [tilespmem:s23+$0x131E0]  }
0x14e: {  	v26 =	vld [tilespmem:s23+$0x131F0]  }
0x14f: {  	v27 =	vld [tilespmem:s23+$0x13200]  }
0x150: {  	v28 =	vld [tilespmem:s23+$0x13210]  }
0x151: {  	v29 =	vld [tilespmem:s23+$0x13220]  }
0x152: {  	v30 =	vld [tilespmem:s23+$0x13230]  }
0x153: {  	v31 =	vld [tilespmem:s23+$0x13240]  }
0x154: {  	v32 =	vld [tilespmem:s23+$0x13250];
	s24 =	sadd.s32 $0xA, s22  }
0x155: {  	v33 =	vld [tilespmem:s23+$0x13260];
	p0 =	sge.s32 s24, s20  }
0x156: {  	v34 =	vld [tilespmem:s23+$0x13270];
	s24 =	smul.u32 @!p0 $0x60, s24  }
0x157: {  	v35 =	vld [tilespmem:s23+$0x13280]  }
0x158: {  	v36 =	vld [tilespmem:s23+$0x13290];
	s24 =	sshra.s32 @!p0 s24, $0x2  }
0x159: {  	v37 =	vld [tilespmem:s23+$0x132A0];
	s25 =	simm.s32 @!p0 $0x131C0;
	s23 =	sadd.s32 @!p0 $0xC100, s24;
	s24 =	simm.s32 @!p0 $0x18  }
0x15a: {  	[tilespmem:s25], [sflag:$0x3] =	stream.indirect.gather @!p0 [hbm4b:s3+s24], $0x100, s23, s24, $0xb8;
	[tilespmem:$0x1C2C0] =	vst v63  }
0x15b: {  	_ =	swait.ge [sflag:s13], $0x1800  }
0x15c: {  	[sflag:s13] =	ssyncset.done $0x0  }
0x15d: {  	s25 =	simm.s32 $0x0;
	[sflag:s13] =	ssyncadd.s32 $0xFFFFE800  }
0x15e: {  	v38 =	vld [tilespmem:s25+$0x14AB0]  }
0x15f: {  	v39 =	vld [tilespmem:s25+$0x149C0]  }
0x160: {  	v40 =	vld [tilespmem:s25+$0x149D0]  }
0x161: {  	v41 =	vld [tilespmem:s25+$0x149E0]  }
0x162: {  	v42 =	vld [tilespmem:s25+$0x149F0]  }
0x163: {  	v1 =	vmax.f32 v1, v17;
	v11 =	vmax.f32 v11, v18;
	v43 =	vld [tilespmem:s25+$0x14A00]  }
0x164: {  	v2 =	vmax.f32 v2, v19;
	v3 =	vmax.f32 v3, v20;
	v12 =	vmax.f32 v12, v21;
	v20 =	vld [tilespmem:s25+$0x14A10]  }
0x165: {  	v4 =	vmax.f32 v4, v22;
	v5 =	vmax.f32 v5, v23;
	v13 =	vmax.f32 v13, v24;
	v21 =	vld [tilespmem:s25+$0x14A20]  }
0x166: {  	v6 =	vmax.f32 v6, v25;
	v7 =	vmax.f32 v7, v26;
	v14 =	vmax.f32 v14, v27;
	v22 =	vld [tilespmem:s25+$0x14A30]  }
0x167: {  	v8 =	vmax.f32 v8, v28;
	v9 =	vmax.f32 v9, v29;
	v15 =	vmax.f32 v15, v30;
	v23 =	vld [tilespmem:s25+$0x14A40]  }
0x168: {  	v10 =	vmax.f32 v10, v31;
	v16 =	vmax.f32 v16, v32;
	v1 =	vmax.f32 v1, v33;
	v63 =	vld [tilespmem:s25+$0x14A50]  }
0x169: {  	v11 =	vmax.f32 v11, v34;
	v2 =	vmax.f32 v2, v35;
	v3 =	vmax.f32 v3, v36;
	v17 =	vld [tilespmem:s25+$0x14A60]  }
0x16a: {  	v12 =	vmax.f32 v12, v37;
	v18 =	vld [tilespmem:s25+$0x14A70];
	v4 =	vmax.f32 v4, v38;
	v5 =	vmax.f32 v5, v39  }
0x16b: {  	v19 =	vld [tilespmem:s25+$0x14A80];
	v13 =	vmax.f32 v13, v40;
	v6 =	vmax.f32 v6, v41;
	v7 =	vmax.f32 v7, v42  }
0x16c: {  	v14 =	vmax.f32 v14, v43;
	v8 =	vmax.f32 v8, v20;
	v9 =	vmax.f32 v9, v21;
	v20 =	vld [tilespmem:s25+$0x14A90]  }
0x16d: {  	s23 =	simm.s32 $0x100;
	s24 =	simm.s32 $0x800;
	v15 =	vmax.f32 v15, v22;
	v10 =	vmax.f32 v10, v23;
	v16 =	vmax.f32 v16, v63;
	v21 =	vld [tilespmem:s25+$0x14AA0]  }
.LBB2_14:
0x16e: {  	p0 =	sne.s32 s24, $0x5C00;
	v22 =	vld [tilespmem:s23+$0x14AB0];
	v1 =	vmax.f32 v1, v17  }
0x16f: {  	v17 =	vld [tilespmem:s23+$0x149C0];
	v11 =	vmax.f32 v11, v18  }
0x170: {  	v18 =	vld [tilespmem:s23+$0x149D0];
	v2 =	vmax.f32 v2, v19  }
0x171: {  	v19 =	vld [tilespmem:s23+$0x149E0];
	v3 =	vmax.f32 v3, v20  }
0x172: {  	v20 =	vld [tilespmem:s23+$0x149F0];
	v12 =	vmax.f32 v12, v21  }
0x173: {  	v21 =	vld [tilespmem:s23+$0x14A00];
	v4 =	vmax.f32 v4, v22  }
0x174: {  	v5 =	vmax.f32 v5, v17;
	v17 =	vld [tilespmem:s23+$0x14A10]  }
0x175: {  	v13 =	vmax.f32 v13, v18;
	v18 =	vld [tilespmem:s23+$0x14A20]  }
0x176: {  	v6 =	vmax.f32 v6, v19;
	v19 =	vld [tilespmem:s23+$0x14A30]  }
0x177: {  	v7 =	vmax.f32 v7, v20;
	v20 =	vld [tilespmem:s23+$0x14A40]  }
0x178: {  	v14 =	vmax.f32 v14, v21;
	v21 =	vld [tilespmem:s23+$0x14A50]  }
.Ltmp9:
0x179: {  	v8 =	vmax.f32 v8, v17;
	v17 =	vld [tilespmem:s23+$0x14A60];
	(pc) =	sbr.rel @p0 .LBB2_14-.Ltmp9, $4  }
0x17a: {  	v9 =	vmax.f32 v9, v18;
	v18 =	vld [tilespmem:s23+$0x14A70]  }
0x17b: {  	v15 =	vmax.f32 v15, v19;
	v19 =	vld [tilespmem:s23+$0x14A80]  }
0x17c: {  	v10 =	vmax.f32 v10, v20;
	v20 =	vld [tilespmem:s23+$0x14A90]  }
0x17d: {  	v16 =	vmax.f32 v16, v21;
	v21 =	vld [tilespmem:s23+$0x14AA0];
	s23 =	sshra.s32 s24, $0x2;
	s24 =	sadd.s32 $0x400, s24  }
0x17e: {  	v22 =	vld [tilespmem:s23+$0x14AB0]  }
0x17f: {  	v23 =	vld [tilespmem:s23+$0x149C0]  }
0x180: {  	v24 =	vld [tilespmem:s23+$0x149D0]  }
0x181: {  	v25 =	vld [tilespmem:s23+$0x149E0]  }
0x182: {  	v26 =	vld [tilespmem:s23+$0x149F0]  }
0x183: {  	v27 =	vld [tilespmem:s23+$0x14A00]  }
0x184: {  	v28 =	vld [tilespmem:s23+$0x14A10]  }
0x185: {  	v29 =	vld [tilespmem:s23+$0x14A20]  }
0x186: {  	v30 =	vld [tilespmem:s23+$0x14A30]  }
0x187: {  	v31 =	vld [tilespmem:s23+$0x14A40]  }
0x188: {  	v32 =	vld [tilespmem:s23+$0x14A50];
	s24 =	sadd.s32 $0xB, s22  }
0x189: {  	v33 =	vld [tilespmem:s23+$0x14A60];
	p0 =	sge.s32 s24, s20  }
0x18a: {  	v34 =	vld [tilespmem:s23+$0x14A70];
	s24 =	smul.u32 @!p0 $0x60, s24  }
0x18b: {  	v35 =	vld [tilespmem:s23+$0x14A80]  }
0x18c: {  	v36 =	vld [tilespmem:s23+$0x14A90];
	s24 =	sshra.s32 @!p0 s24, $0x2  }
0x18d: {  	v37 =	vld [tilespmem:s23+$0x14AA0];
	s25 =	simm.s32 @!p0 $0x149C0;
	s23 =	sadd.s32 @!p0 $0xC100, s24;
	s24 =	simm.s32 @!p0 $0x18  }
0x18e: {  	[tilespmem:s25], [sflag:$0x4] =	stream.indirect.gather @!p0 [hbm4b:s3+s24], $0x100, s23, s24, $0xb8;
	[tilespmem:$0x1C2C0] =	vst v63  }
0x18f: {  	_ =	swait.ge [sflag:s14], $0x1800  }
0x190: {  	[sflag:s14] =	ssyncset.done $0x0  }
0x191: {  	s25 =	simm.s32 $0x0;
	[sflag:s14] =	ssyncadd.s32 $0xFFFFE800  }
0x192: {  	v38 =	vld [tilespmem:s25+$0x162B0]  }
0x193: {  	v39 =	vld [tilespmem:s25+$0x161C0]  }
0x194: {  	v40 =	vld [tilespmem:s25+$0x161D0]  }
0x195: {  	v41 =	vld [tilespmem:s25+$0x161E0]  }
0x196: {  	v42 =	vld [tilespmem:s25+$0x161F0]  }
0x197: {  	v1 =	vmax.f32 v1, v17;
	v11 =	vmax.f32 v11, v18;
	v43 =	vld [tilespmem:s25+$0x16200]  }
0x198: {  	v2 =	vmax.f32 v2, v19;
	v3 =	vmax.f32 v3, v20;
	v12 =	vmax.f32 v12, v21;
	v20 =	vld [tilespmem:s25+$0x16210]  }
0x199: {  	v4 =	vmax.f32 v4, v22;
	v5 =	vmax.f32 v5, v23;
	v13 =	vmax.f32 v13, v24;
	v21 =	vld [tilespmem:s25+$0x16220]  }
0x19a: {  	v6 =	vmax.f32 v6, v25;
	v7 =	vmax.f32 v7, v26;
	v14 =	vmax.f32 v14, v27;
	v22 =	vld [tilespmem:s25+$0x16230]  }
0x19b: {  	v8 =	vmax.f32 v8, v28;
	v9 =	vmax.f32 v9, v29;
	v15 =	vmax.f32 v15, v30;
	v23 =	vld [tilespmem:s25+$0x16240]  }
0x19c: {  	v10 =	vmax.f32 v10, v31;
	v16 =	vmax.f32 v16, v32;
	v1 =	vmax.f32 v1, v33;
	v63 =	vld [tilespmem:s25+$0x16250]  }
0x19d: {  	v11 =	vmax.f32 v11, v34;
	v2 =	vmax.f32 v2, v35;
	v3 =	vmax.f32 v3, v36;
	v17 =	vld [tilespmem:s25+$0x16260]  }
0x19e: {  	v12 =	vmax.f32 v12, v37;
	v18 =	vld [tilespmem:s25+$0x16270];
	v4 =	vmax.f32 v4, v38;
	v5 =	vmax.f32 v5, v39  }
0x19f: {  	v19 =	vld [tilespmem:s25+$0x16280];
	v13 =	vmax.f32 v13, v40;
	v6 =	vmax.f32 v6, v41;
	v7 =	vmax.f32 v7, v42  }
0x1a0: {  	v14 =	vmax.f32 v14, v43;
	v8 =	vmax.f32 v8, v20;
	v9 =	vmax.f32 v9, v21;
	v20 =	vld [tilespmem:s25+$0x16290]  }
0x1a1: {  	s23 =	simm.s32 $0x100;
	s24 =	simm.s32 $0x800;
	v15 =	vmax.f32 v15, v22;
	v10 =	vmax.f32 v10, v23;
	v16 =	vmax.f32 v16, v63;
	v21 =	vld [tilespmem:s25+$0x162A0]  }
.LBB2_16:
0x1a2: {  	p0 =	sne.s32 s24, $0x5C00;
	v22 =	vld [tilespmem:s23+$0x162B0];
	v1 =	vmax.f32 v1, v17  }
0x1a3: {  	v17 =	vld [tilespmem:s23+$0x161C0];
	v11 =	vmax.f32 v11, v18  }
0x1a4: {  	v18 =	vld [tilespmem:s23+$0x161D0];
	v2 =	vmax.f32 v2, v19  }
0x1a5: {  	v19 =	vld [tilespmem:s23+$0x161E0];
	v3 =	vmax.f32 v3, v20  }
0x1a6: {  	v20 =	vld [tilespmem:s23+$0x161F0];
	v12 =	vmax.f32 v12, v21  }
0x1a7: {  	v21 =	vld [tilespmem:s23+$0x16200];
	v4 =	vmax.f32 v4, v22  }
0x1a8: {  	v5 =	vmax.f32 v5, v17;
	v17 =	vld [tilespmem:s23+$0x16210]  }
0x1a9: {  	v13 =	vmax.f32 v13, v18;
	v18 =	vld [tilespmem:s23+$0x16220]  }
0x1aa: {  	v6 =	vmax.f32 v6, v19;
	v19 =	vld [tilespmem:s23+$0x16230]  }
0x1ab: {  	v7 =	vmax.f32 v7, v20;
	v20 =	vld [tilespmem:s23+$0x16240]  }
0x1ac: {  	v14 =	vmax.f32 v14, v21;
	v21 =	vld [tilespmem:s23+$0x16250]  }
.Ltmp10:
0x1ad: {  	v8 =	vmax.f32 v8, v17;
	v17 =	vld [tilespmem:s23+$0x16260];
	(pc) =	sbr.rel @p0 .LBB2_16-.Ltmp10, $4  }
0x1ae: {  	v9 =	vmax.f32 v9, v18;
	v18 =	vld [tilespmem:s23+$0x16270]  }
0x1af: {  	v15 =	vmax.f32 v15, v19;
	v19 =	vld [tilespmem:s23+$0x16280]  }
0x1b0: {  	v10 =	vmax.f32 v10, v20;
	v20 =	vld [tilespmem:s23+$0x16290]  }
0x1b1: {  	v16 =	vmax.f32 v16, v21;
	v21 =	vld [tilespmem:s23+$0x162A0];
	s23 =	sshra.s32 s24, $0x2;
	s24 =	sadd.s32 $0x400, s24  }
0x1b2: {  	v22 =	vld [tilespmem:s23+$0x162B0]  }
0x1b3: {  	v23 =	vld [tilespmem:s23+$0x161C0]  }
0x1b4: {  	v24 =	vld [tilespmem:s23+$0x161D0]  }
0x1b5: {  	v25 =	vld [tilespmem:s23+$0x161E0]  }
0x1b6: {  	v26 =	vld [tilespmem:s23+$0x161F0]  }
0x1b7: {  	v27 =	vld [tilespmem:s23+$0x16200]  }
0x1b8: {  	v28 =	vld [tilespmem:s23+$0x16210]  }
0x1b9: {  	v29 =	vld [tilespmem:s23+$0x16220]  }
0x1ba: {  	v30 =	vld [tilespmem:s23+$0x16230]  }
0x1bb: {  	v31 =	vld [tilespmem:s23+$0x16240]  }
0x1bc: {  	v32 =	vld [tilespmem:s23+$0x16250];
	s24 =	sadd.s32 $0xC, s22  }
0x1bd: {  	v33 =	vld [tilespmem:s23+$0x16260];
	p0 =	sge.s32 s24, s20  }
0x1be: {  	v34 =	vld [tilespmem:s23+$0x16270];
	s24 =	smul.u32 @!p0 $0x60, s24  }
0x1bf: {  	v35 =	vld [tilespmem:s23+$0x16280]  }
0x1c0: {  	v36 =	vld [tilespmem:s23+$0x16290];
	s24 =	sshra.s32 @!p0 s24, $0x2  }
0x1c1: {  	v37 =	vld [tilespmem:s23+$0x162A0];
	s25 =	simm.s32 @!p0 $0x161C0;
	s23 =	sadd.s32 @!p0 $0xC100, s24;
	s24 =	simm.s32 @!p0 $0x18  }
0x1c2: {  	[tilespmem:s25], [sflag:$0x5] =	stream.indirect.gather @!p0 [hbm4b:s3+s24], $0x100, s23, s24, $0xb8;
	[tilespmem:$0x1C2C0] =	vst v63  }
0x1c3: {  	_ =	swait.ge [sflag:s4], $0x1800  }
0x1c4: {  	[sflag:s4] =	ssyncset.done $0x0  }
0x1c5: {  	s25 =	simm.s32 $0x0;
	[sflag:s4] =	ssyncadd.s32 $0xFFFFE800  }
0x1c6: {  	v38 =	vld [tilespmem:s25+$0x17AB0]  }
0x1c7: {  	v39 =	vld [tilespmem:s25+$0x179C0]  }
0x1c8: {  	v40 =	vld [tilespmem:s25+$0x179D0]  }
0x1c9: {  	v41 =	vld [tilespmem:s25+$0x179E0]  }
0x1ca: {  	v42 =	vld [tilespmem:s25+$0x179F0]  }
0x1cb: {  	v1 =	vmax.f32 v1, v17;
	v11 =	vmax.f32 v11, v18;
	v43 =	vld [tilespmem:s25+$0x17A00]  }
0x1cc: {  	v2 =	vmax.f32 v2, v19;
	v3 =	vmax.f32 v3, v20;
	v12 =	vmax.f32 v12, v21;
	v20 =	vld [tilespmem:s25+$0x17A10]  }
0x1cd: {  	v4 =	vmax.f32 v4, v22;
	v5 =	vmax.f32 v5, v23;
	v13 =	vmax.f32 v13, v24;
	v21 =	vld [tilespmem:s25+$0x17A20]  }
0x1ce: {  	v6 =	vmax.f32 v6, v25;
	v7 =	vmax.f32 v7, v26;
	v14 =	vmax.f32 v14, v27;
	v22 =	vld [tilespmem:s25+$0x17A30]  }
0x1cf: {  	v8 =	vmax.f32 v8, v28;
	v9 =	vmax.f32 v9, v29;
	v15 =	vmax.f32 v15, v30;
	v23 =	vld [tilespmem:s25+$0x17A40]  }
0x1d0: {  	v10 =	vmax.f32 v10, v31;
	v16 =	vmax.f32 v16, v32;
	v1 =	vmax.f32 v1, v33;
	v63 =	vld [tilespmem:s25+$0x17A50]  }
0x1d1: {  	v11 =	vmax.f32 v11, v34;
	v2 =	vmax.f32 v2, v35;
	v3 =	vmax.f32 v3, v36;
	v17 =	vld [tilespmem:s25+$0x17A60]  }
0x1d2: {  	v12 =	vmax.f32 v12, v37;
	v18 =	vld [tilespmem:s25+$0x17A70];
	v4 =	vmax.f32 v4, v38;
	v5 =	vmax.f32 v5, v39  }
0x1d3: {  	v19 =	vld [tilespmem:s25+$0x17A80];
	v13 =	vmax.f32 v13, v40;
	v6 =	vmax.f32 v6, v41;
	v7 =	vmax.f32 v7, v42  }
0x1d4: {  	v14 =	vmax.f32 v14, v43;
	v8 =	vmax.f32 v8, v20;
	v9 =	vmax.f32 v9, v21;
	v20 =	vld [tilespmem:s25+$0x17A90]  }
0x1d5: {  	s23 =	simm.s32 $0x100;
	s24 =	simm.s32 $0x800;
	v15 =	vmax.f32 v15, v22;
	v10 =	vmax.f32 v10, v23;
	v16 =	vmax.f32 v16, v63;
	v21 =	vld [tilespmem:s25+$0x17AA0]  }
.LBB2_18:
0x1d6: {  	p0 =	sne.s32 s24, $0x5C00;
	v22 =	vld [tilespmem:s23+$0x17AB0];
	v1 =	vmax.f32 v1, v17  }
0x1d7: {  	v17 =	vld [tilespmem:s23+$0x179C0];
	v11 =	vmax.f32 v11, v18  }
0x1d8: {  	v18 =	vld [tilespmem:s23+$0x179D0];
	v2 =	vmax.f32 v2, v19  }
0x1d9: {  	v19 =	vld [tilespmem:s23+$0x179E0];
	v3 =	vmax.f32 v3, v20  }
0x1da: {  	v20 =	vld [tilespmem:s23+$0x179F0];
	v12 =	vmax.f32 v12, v21  }
0x1db: {  	v21 =	vld [tilespmem:s23+$0x17A00];
	v4 =	vmax.f32 v4, v22  }
0x1dc: {  	v5 =	vmax.f32 v5, v17;
	v17 =	vld [tilespmem:s23+$0x17A10]  }
0x1dd: {  	v13 =	vmax.f32 v13, v18;
	v18 =	vld [tilespmem:s23+$0x17A20]  }
0x1de: {  	v6 =	vmax.f32 v6, v19;
	v19 =	vld [tilespmem:s23+$0x17A30]  }
0x1df: {  	v7 =	vmax.f32 v7, v20;
	v20 =	vld [tilespmem:s23+$0x17A40]  }
0x1e0: {  	v14 =	vmax.f32 v14, v21;
	v21 =	vld [tilespmem:s23+$0x17A50]  }
.Ltmp11:
0x1e1: {  	v8 =	vmax.f32 v8, v17;
	v17 =	vld [tilespmem:s23+$0x17A60];
	(pc) =	sbr.rel @p0 .LBB2_18-.Ltmp11, $4  }
0x1e2: {  	v9 =	vmax.f32 v9, v18;
	v18 =	vld [tilespmem:s23+$0x17A70]  }
0x1e3: {  	v15 =	vmax.f32 v15, v19;
	v19 =	vld [tilespmem:s23+$0x17A80]  }
0x1e4: {  	v10 =	vmax.f32 v10, v20;
	v20 =	vld [tilespmem:s23+$0x17A90]  }
0x1e5: {  	v16 =	vmax.f32 v16, v21;
	v21 =	vld [tilespmem:s23+$0x17AA0];
	s23 =	sshra.s32 s24, $0x2;
	s24 =	sadd.s32 $0x400, s24  }
0x1e6: {  	v22 =	vld [tilespmem:s23+$0x17AB0]  }
0x1e7: {  	v23 =	vld [tilespmem:s23+$0x179C0]  }
0x1e8: {  	v24 =	vld [tilespmem:s23+$0x179D0]  }
0x1e9: {  	v25 =	vld [tilespmem:s23+$0x179E0]  }
0x1ea: {  	v26 =	vld [tilespmem:s23+$0x179F0]  }
0x1eb: {  	v27 =	vld [tilespmem:s23+$0x17A00]  }
0x1ec: {  	v28 =	vld [tilespmem:s23+$0x17A10]  }
0x1ed: {  	v29 =	vld [tilespmem:s23+$0x17A20]  }
0x1ee: {  	v30 =	vld [tilespmem:s23+$0x17A30]  }
0x1ef: {  	v31 =	vld [tilespmem:s23+$0x17A40]  }
0x1f0: {  	v32 =	vld [tilespmem:s23+$0x17A50];
	s24 =	sadd.s32 $0xD, s22  }
0x1f1: {  	v33 =	vld [tilespmem:s23+$0x17A60];
	p0 =	sge.s32 s24, s20  }
0x1f2: {  	v34 =	vld [tilespmem:s23+$0x17A70];
	s24 =	smul.u32 @!p0 $0x60, s24  }
0x1f3: {  	v35 =	vld [tilespmem:s23+$0x17A80]  }
0x1f4: {  	v36 =	vld [tilespmem:s23+$0x17A90];
	s24 =	sshra.s32 @!p0 s24, $0x2  }
0x1f5: {  	v37 =	vld [tilespmem:s23+$0x17AA0];
	s25 =	simm.s32 @!p0 $0x179C0;
	s23 =	sadd.s32 @!p0 $0xC100, s24;
	s24 =	simm.s32 @!p0 $0x18  }
0x1f6: {  	[tilespmem:s25], [sflag:$0x6] =	stream.indirect.gather @!p0 [hbm4b:s3+s24], $0x100, s23, s24, $0xb8;
	[tilespmem:$0x1C2C0] =	vst v63  }
0x1f7: {  	_ =	swait.ge [sflag:s5], $0x1800  }
0x1f8: {  	[sflag:s5] =	ssyncset.done $0x0  }
0x1f9: {  	s25 =	simm.s32 $0x0;
	[sflag:s5] =	ssyncadd.s32 $0xFFFFE800  }
0x1fa: {  	v38 =	vld [tilespmem:s25+$0x192B0]  }
0x1fb: {  	v39 =	vld [tilespmem:s25+$0x191C0]  }
0x1fc: {  	v40 =	vld [tilespmem:s25+$0x191D0]  }
0x1fd: {  	v41 =	vld [tilespmem:s25+$0x191E0]  }
0x1fe: {  	v42 =	vld [tilespmem:s25+$0x191F0]  }
0x1ff: {  	v1 =	vmax.f32 v1, v17;
	v11 =	vmax.f32 v11, v18;
	v43 =	vld [tilespmem:s25+$0x19200]  }
0x200: {  	v2 =	vmax.f32 v2, v19;
	v3 =	vmax.f32 v3, v20;
	v12 =	vmax.f32 v12, v21;
	v20 =	vld [tilespmem:s25+$0x19210]  }
0x201: {  	v4 =	vmax.f32 v4, v22;
	v5 =	vmax.f32 v5, v23;
	v13 =	vmax.f32 v13, v24;
	v21 =	vld [tilespmem:s25+$0x19220]  }
0x202: {  	v6 =	vmax.f32 v6, v25;
	v7 =	vmax.f32 v7, v26;
	v14 =	vmax.f32 v14, v27;
	v22 =	vld [tilespmem:s25+$0x19230]  }
0x203: {  	v8 =	vmax.f32 v8, v28;
	v9 =	vmax.f32 v9, v29;
	v15 =	vmax.f32 v15, v30;
	v23 =	vld [tilespmem:s25+$0x19240]  }
0x204: {  	v10 =	vmax.f32 v10, v31;
	v16 =	vmax.f32 v16, v32;
	v1 =	vmax.f32 v1, v33;
	v63 =	vld [tilespmem:s25+$0x19250]  }
0x205: {  	v11 =	vmax.f32 v11, v34;
	v2 =	vmax.f32 v2, v35;
	v3 =	vmax.f32 v3, v36;
	v17 =	vld [tilespmem:s25+$0x19260]  }
0x206: {  	v12 =	vmax.f32 v12, v37;
	v18 =	vld [tilespmem:s25+$0x19270];
	v4 =	vmax.f32 v4, v38;
	v5 =	vmax.f32 v5, v39  }
0x207: {  	v19 =	vld [tilespmem:s25+$0x19280];
	v13 =	vmax.f32 v13, v40;
	v6 =	vmax.f32 v6, v41;
	v7 =	vmax.f32 v7, v42  }
0x208: {  	v14 =	vmax.f32 v14, v43;
	v8 =	vmax.f32 v8, v20;
	v9 =	vmax.f32 v9, v21;
	v20 =	vld [tilespmem:s25+$0x19290]  }
0x209: {  	s23 =	simm.s32 $0x100;
	s24 =	simm.s32 $0x800;
	v15 =	vmax.f32 v15, v22;
	v10 =	vmax.f32 v10, v23;
	v16 =	vmax.f32 v16, v63;
	v21 =	vld [tilespmem:s25+$0x192A0]  }
.LBB2_20:
0x20a: {  	p0 =	sne.s32 s24, $0x5C00;
	v22 =	vld [tilespmem:s23+$0x192B0];
	v1 =	vmax.f32 v1, v17  }
0x20b: {  	v17 =	vld [tilespmem:s23+$0x191C0];
	v11 =	vmax.f32 v11, v18  }
0x20c: {  	v18 =	vld [tilespmem:s23+$0x191D0];
	v2 =	vmax.f32 v2, v19  }
0x20d: {  	v19 =	vld [tilespmem:s23+$0x191E0];
	v3 =	vmax.f32 v3, v20  }
0x20e: {  	v20 =	vld [tilespmem:s23+$0x191F0];
	v12 =	vmax.f32 v12, v21  }
0x20f: {  	v21 =	vld [tilespmem:s23+$0x19200];
	v4 =	vmax.f32 v4, v22  }
0x210: {  	v5 =	vmax.f32 v5, v17;
	v17 =	vld [tilespmem:s23+$0x19210]  }
0x211: {  	v13 =	vmax.f32 v13, v18;
	v18 =	vld [tilespmem:s23+$0x19220]  }
0x212: {  	v6 =	vmax.f32 v6, v19;
	v19 =	vld [tilespmem:s23+$0x19230]  }
0x213: {  	v7 =	vmax.f32 v7, v20;
	v20 =	vld [tilespmem:s23+$0x19240]  }
0x214: {  	v14 =	vmax.f32 v14, v21;
	v21 =	vld [tilespmem:s23+$0x19250]  }
.Ltmp12:
0x215: {  	v8 =	vmax.f32 v8, v17;
	v17 =	vld [tilespmem:s23+$0x19260];
	(pc) =	sbr.rel @p0 .LBB2_20-.Ltmp12, $4  }
0x216: {  	v9 =	vmax.f32 v9, v18;
	v18 =	vld [tilespmem:s23+$0x19270]  }
0x217: {  	v15 =	vmax.f32 v15, v19;
	v19 =	vld [tilespmem:s23+$0x19280]  }
0x218: {  	v10 =	vmax.f32 v10, v20;
	v20 =	vld [tilespmem:s23+$0x19290]  }
0x219: {  	v16 =	vmax.f32 v16, v21;
	v21 =	vld [tilespmem:s23+$0x192A0];
	s23 =	sshra.s32 s24, $0x2;
	s24 =	sadd.s32 $0x400, s24  }
0x21a: {  	v22 =	vld [tilespmem:s23+$0x192B0]  }
0x21b: {  	v23 =	vld [tilespmem:s23+$0x191C0]  }
0x21c: {  	v24 =	vld [tilespmem:s23+$0x191D0]  }
0x21d: {  	v25 =	vld [tilespmem:s23+$0x191E0]  }
0x21e: {  	v26 =	vld [tilespmem:s23+$0x191F0]  }
0x21f: {  	v27 =	vld [tilespmem:s23+$0x19200]  }
0x220: {  	v28 =	vld [tilespmem:s23+$0x19210]  }
0x221: {  	v29 =	vld [tilespmem:s23+$0x19220]  }
0x222: {  	v30 =	vld [tilespmem:s23+$0x19230]  }
0x223: {  	v31 =	vld [tilespmem:s23+$0x19240]  }
0x224: {  	v32 =	vld [tilespmem:s23+$0x19250];
	s22 =	sadd.s32 $0xE, s22  }
0x225: {  	v33 =	vld [tilespmem:s23+$0x19260];
	p0 =	sge.s32 s22, s20  }
0x226: {  	v34 =	vld [tilespmem:s23+$0x19270];
	s22 =	smul.u32 @!p0 $0x60, s22  }
0x227: {  	v35 =	vld [tilespmem:s23+$0x19280]  }
0x228: {  	v36 =	vld [tilespmem:s23+$0x19290];
	s22 =	sshra.s32 @!p0 s22, $0x2  }
0x229: {  	v37 =	vld [tilespmem:s23+$0x192A0];
	s23 =	simm.s32 @!p0 $0x18;
	s24 =	simm.s32 @!p0 $0x191C0;
	s22 =	sadd.s32 @!p0 $0xC100, s22  }
0x22a: {  	[tilespmem:s24], [sflag:$0x7] =	stream.indirect.gather @!p0 [hbm4b:s3+s23], $0x100, s22, s23, $0xb8;
	[tilespmem:$0x1C2C0] =	vst v63  }
0x22b: {  	_ =	swait.ge [sflag:s6], $0x1800  }
0x22c: {  	[sflag:s6] =	ssyncset.done $0x0  }
0x22d: {  	s25 =	simm.s32 $0x0;
	[sflag:s6] =	ssyncadd.s32 $0xFFFFE800  }
0x22e: {  	v38 =	vld [tilespmem:s25+$0x1AAB0]  }
0x22f: {  	v39 =	vld [tilespmem:s25+$0x1A9C0]  }
0x230: {  	v40 =	vld [tilespmem:s25+$0x1A9D0]  }
0x231: {  	v41 =	vld [tilespmem:s25+$0x1A9E0]  }
0x232: {  	v42 =	vld [tilespmem:s25+$0x1A9F0]  }
0x233: {  	v1 =	vmax.f32 v1, v17;
	v11 =	vmax.f32 v11, v18;
	v43 =	vld [tilespmem:s25+$0x1AA00]  }
0x234: {  	v2 =	vmax.f32 v2, v19;
	v3 =	vmax.f32 v3, v20;
	v12 =	vmax.f32 v12, v21;
	v20 =	vld [tilespmem:s25+$0x1AA10]  }
0x235: {  	v18 =	vmax.f32 v4, v22;
	v19 =	vmax.f32 v5, v23;
	v13 =	vmax.f32 v13, v24;
	v21 =	vld [tilespmem:s25+$0x1AA20]  }
0x236: {  	v22 =	vmax.f32 v6, v25;
	v23 =	vmax.f32 v7, v26;
	v14 =	vmax.f32 v14, v27;
	v58 =	vld [tilespmem:s25+$0x1AA30]  }
0x237: {  	v59 =	vmax.f32 v8, v28;
	v60 =	vmax.f32 v9, v29;
	v15 =	vmax.f32 v15, v30;
	v61 =	vld [tilespmem:s25+$0x1AA40]  }
0x238: {  	v62 =	vmax.f32 v10, v31;
	v16 =	vmax.f32 v16, v32;
	v1 =	vmax.f32 v1, v33;
	v63 =	vld [tilespmem:s25+$0x1AA50]  }
0x239: {  	v4 =	vmax.f32 v11, v34;
	v5 =	vmax.f32 v2, v35;
	v2 =	vmax.f32 v3, v36;
	v17 =	vld [tilespmem:s25+$0x1AA60]  }
0x23a: {  	v6 =	vmax.f32 v12, v37;
	v7 =	vmax.f32 v18, v38;
	v3 =	vmax.f32 v19, v39;
	v18 =	vld [tilespmem:s25+$0x1AA70]  }
0x23b: {  	v8 =	vmax.f32 v13, v40;
	v9 =	vmax.f32 v22, v41;
	v10 =	vmax.f32 v23, v42;
	v19 =	vld [tilespmem:s25+$0x1AA80]  }
0x23c: {  	v11 =	vmax.f32 v14, v43;
	v12 =	vmax.f32 v59, v20;
	v13 =	vmax.f32 v60, v21;
	v20 =	vld [tilespmem:s25+$0x1AA90]  }
0x23d: {  	s22 =	simm.s32 $0x100;
	s23 =	simm.s32 $0x800;
	v14 =	vmax.f32 v15, v58;
	v15 =	vmax.f32 v62, v61;
	v16 =	vmax.f32 v16, v63;
	v21 =	vld [tilespmem:s25+$0x1AAA0]  }
.LBB2_22:
0x23e: {  	p0 =	sne.s32 s23, $0x5C00;
	v22 =	vld [tilespmem:s22+$0x1AAB0];
	v1 =	vmax.f32 v1, v17  }
0x23f: {  	v17 =	vld [tilespmem:s22+$0x1A9C0];
	v4 =	vmax.f32 v4, v18  }
0x240: {  	v18 =	vld [tilespmem:s22+$0x1A9D0];
	v5 =	vmax.f32 v5, v19  }
0x241: {  	v19 =	vld [tilespmem:s22+$0x1A9E0];
	v2 =	vmax.f32 v2, v20  }
0x242: {  	v20 =	vld [tilespmem:s22+$0x1A9F0];
	v6 =	vmax.f32 v6, v21  }
0x243: {  	v21 =	vld [tilespmem:s22+$0x1AA00];
	v7 =	vmax.f32 v7, v22  }
0x244: {  	v3 =	vmax.f32 v3, v17;
	v17 =	vld [tilespmem:s22+$0x1AA10]  }
0x245: {  	v8 =	vmax.f32 v8, v18;
	v18 =	vld [tilespmem:s22+$0x1AA20]  }
0x246: {  	v9 =	vmax.f32 v9, v19;
	v19 =	vld [tilespmem:s22+$0x1AA30]  }
0x247: {  	v10 =	vmax.f32 v10, v20;
	v20 =	vld [tilespmem:s22+$0x1AA40]  }
0x248: {  	v11 =	vmax.f32 v11, v21;
	v21 =	vld [tilespmem:s22+$0x1AA50]  }
.Ltmp13:
0x249: {  	v12 =	vmax.f32 v12, v17;
	v17 =	vld [tilespmem:s22+$0x1AA60];
	(pc) =	sbr.rel @p0 .LBB2_22-.Ltmp13, $4  }
0x24a: {  	v13 =	vmax.f32 v13, v18;
	v18 =	vld [tilespmem:s22+$0x1AA70]  }
0x24b: {  	v14 =	vmax.f32 v14, v19;
	v19 =	vld [tilespmem:s22+$0x1AA80]  }
0x24c: {  	v15 =	vmax.f32 v15, v20;
	v20 =	vld [tilespmem:s22+$0x1AA90]  }
0x24d: {  	v16 =	vmax.f32 v16, v21;
	v21 =	vld [tilespmem:s22+$0x1AAA0];
	s22 =	sshra.s32 s23, $0x2;
	s23 =	sadd.s32 $0x400, s23  }
0x24e: {  	v22 =	vld [tilespmem:s22+$0x1AAB0]  }
0x24f: {  	v23 =	vld [tilespmem:s22+$0x1A9C0]  }
0x250: {  	v24 =	vld [tilespmem:s22+$0x1A9D0]  }
0x251: {  	v25 =	vld [tilespmem:s22+$0x1A9E0]  }
0x252: {  	v26 =	vld [tilespmem:s22+$0x1A9F0]  }
0x253: {  	v27 =	vld [tilespmem:s22+$0x1AA00]  }
0x254: {  	v28 =	vld [tilespmem:s22+$0x1AA10]  }
0x255: {  	v29 =	vld [tilespmem:s22+$0x1AA20]  }
0x256: {  	v30 =	vld [tilespmem:s22+$0x1AA30]  }
0x257: {  	v31 =	vld [tilespmem:s22+$0x1AA40]  }
0x258: {  	v32 =	vld [tilespmem:s22+$0x1AA50]  }
0x259: {  	v33 =	vld [tilespmem:s22+$0x1AA60]  }
0x25a: {  	v34 =	vld [tilespmem:s22+$0x1AA70]  }
0x25b: {  	v35 =	vld [tilespmem:s22+$0x1AA80]  }
0x25c: {  	v1 =	vmax.f32 v1, v17;
	v36 =	vld [tilespmem:s22+$0x1AA90];
	s21 =	sadd.s32 $0x1, s21;
	v4 =	vmax.f32 v4, v18;
	v18 =	vmax.f32 v5, v19  }
0x25d: {  	p0 =	sne.s32 s21, s19;
	v2 =	vmax.f32 v2, v20;
	v20 =	vmax.f32 v6, v21;
	v6 =	vmax.f32 v7, v22;
	v22 =	vld [tilespmem:s22+$0x1AAA0]  }
.Ltmp14:
0x25e: {  	v7 =	vmax.f32 v3, v23;
	v21 =	vmax.f32 v8, v24;
	v8 =	vmax.f32 v9, v25;
	(pc) =	sbr.rel @p0 .LBB2_7-.Ltmp14, $4  }
.Ltmp15:
0x25f: {  	v9 =	vmax.f32 v10, v26;
	v19 =	vmax.f32 v11, v27;
	v10 =	vmax.f32 v12, v28;
	(pc) =	sbr.rel @!p0 .LBB2_24-.Ltmp15, $4  }
0x260: {  	v11 =	vmax.f32 v13, v29;
	v17 =	vmax.f32 v14, v30;
	v12 =	vmax.f32 v15, v31  }
0x261: {  	v16 =	vmax.f32 v16, v32;
	v5 =	vmax.f32 v1, v33;
	v4 =	vmax.f32 v4, v34  }
0x262: {  	v3 =	vmax.f32 v18, v35;
	v2 =	vmax.f32 v2, v36;
	v1 =	vmax.f32 v20, v22  }
0x263: {  	_ = 	snop  }
.LBB2_26:
0x264: {  	_ =	sfence.sel $0x180000  }
0x265: {  	[bflag:$0x0] =	sbarrier.arrive $0xFFFF  }
0x266: {  	_ =	strace $0x9000004A  }
0x267: {  	s0 =	stileid.u32;
	[bflag:$0x2] =	sbarrier.arrive $0xFFFF  }
0x268: {  	p0 =	sne.s32 s0, $0x0;
	s0 =	rddreg [dreg:$0x2]  }
0x269: {  	s0 =	sadd.s32 @!p0 $0x100000, s0  }
0x26a: {  	[sflag:s0] =	ssyncadd.tile.s32 @!p0 $0x1;
	_ =	shalt  }
.Lfunc_end2:
_tile_overlayer_lowered:
.L_overlay_start_2:
0x26b: {  	(tag) =	ssettag $0x2  }
0x26c: {  	s0 =	rddreg [dreg:$0x0];
	s2 =	stileid.u32  }
0x26d: {  	s1 =	rddreg [dreg:$0x1];
	p0 =	sne.s32 s2, $0x0  }
0x26e: {  	s3 =	rddreg [dreg:$0x2];
	[bflag:$0x3] =	sbarrier.arrive $0xFFFF;
	s2 =	simm.s32 @!p0 $0x1C09  }
0x26f: {  	[timem:s3], [sflag:s2] =	dma.local @!p0 [hbm:s0], s1  }
0x270: {  	s0 =	simm.s32 @!p0 $0x9  }
0x271: {  	_ =	swait.ge @!p0 [sflag:s0], s1  }
0x272: {  	s1 =	ssub.s32 @!p0 $0x0, s1;
	[sflag:s0] =	ssyncset.done @!p0 $0x0  }
0x273: {  	[sflag:s0] =	ssyncadd.s32 @!p0 s1  }
0x274: {  	[bflag:$0x3] =	sbarrier.arrive $0xFFFF  }
0x275: {  	_ =	shalt  }

// kernel: sparse-core-data-format-call.cloned.1.call-start
scs
called_computation_lowered:
.L_overlay_start_0:
0x0: {  	s2 =	sld [smem:$0x3FD9]  }
0x1: {  	s3 =	sld [smem:$0x3FFE];
	_ =	sdelay $0x1  }
0x2: {  	s1 =	srdreg.scid  }
0x3: {  	s0 =	sand.u32 $0x1, s1  }
0x4: {  	s18 =	sshll.u32 s0, $0xA;
	s2 =	sadd.s32 s3, s2  }
0x5: {  	s2 =	sadd.s32 s2, s18  }
0x6: {  	[smem:$0x3FC1] =	sst s2  }
0x7: {  	_ = 	snop  }
0x8: {  	s2 =	sld [smem:$0x3FC8];
	(tm) =	ssettm $0x1  }
0x9: {  	s19 =	sld [smem:$0x3FFB];
	_ =	sdelay $0x3  }
0xa: {  	_ =	strace s19  }
0xb: {  	s3 =	sld [smem:$0x3FFC];
	_ =	sdelay $0x3  }
0xc: {  	_ =	strace s3  }
0xd: {  	s3 =	sld [smem:$0x3FFD];
	_ =	sdelay $0x3  }
0xe: {  	_ =	strace s3  }
0xf: {  	_ =	strace $0x8FFFFFFF  }
0x10: {  	s20 =	sld [smem:$0x3FDB];
	_ =	sdelay $0x1  }
0x11: {  	s4 =	simm.s32 $_scs_section_size  }
0x12: {  	s5 =	simm.s32 $_size__tile_overlayer_lowered;
	s6 =	simm.s32 $_tile_overlayer_lowered  }
0x13: {  	s23 =	simm.s32 $0x1BFF;
	s22 =	sshll.u32 s6, $0x1;
	s3 =	sadd.s32 s4, s20  }
0x14: {  	s7 =	simm.s32 $0x0;
	s21 =	sshll.u32 s5, $0x1;
	s5 =	sadd.s32 s22, s3  }
0x15: {  	[timem:s7], [sflag:s23] =	dma.local [hbm:s5], s21  }
0x16: {  	_ =	swait.ge [sflag:s23], s21  }
0x17: {  	s4 =	ssub.s32 $0x0, s21;
	[sflag:s23] =	ssyncset.done $0x0  }
0x18: {  	[sflag:s23] =	ssyncadd.s32 s4;
	_ =	sdelay $0x1  }
0x19: {  	s24 =	simm.s32 $0x1B8B  }
0x1a: {  	_ =	swait.ge [sflag:s24], $0x1  }
0x1b: {  	[sflag:s24] =	ssyncset.done $0x0  }
0x1c: {  	s26 =	simm.s32 $0x1B8E;
	s25 =	sld [smem:$0x3FFE];
	[sflag:s24] =	ssyncadd.s32 $0xFFFFFFFF  }
0x1d: {  	s27 =	simm.s32 $execute0_lowered;
	[smem:$0x3FD2] =	sst s26  }
0x1e: {  	s5 =	sshll.u32 s27, $0x1;
	_ =	strace $0x80000046;
	[dreg:$0x1] =	wrdreg $0xFFFFFFFF  }
0x1f: {  	s28 =	simm.s32 $_size_execute0_lowered;
	s3 =	sadd.s32 s3, s5;
	[dreg:$0x0] =	wrdreg $0x0  }
0x20: {  	s5 =	sshll.u32 s28, $0x1;
	[dreg:$0x2] =	wrdreg s3  }
0x21: {  	[dreg:$0x3] =	wrdreg s5  }
0x22: {  	[dreg:$0x4] =	wrdreg $0xC0  }
0x23: {  	_ =	task [dreg:s7], $0x5FFFF  }
0x24: {  	[dreg:$0x1] =	wrdreg $0xFFFFFFFF  }
0x25: {  	[dreg:$0x0] =	wrdreg $0x60  }
0x26: {  	[dreg:$0x2] =	wrdreg s2  }
0x27: {  	[dreg:$0x3] =	wrdreg s25  }
0x28: {  	[dreg:$0x4] =	wrdreg $0x9  }
0x29: {  	_ =	task.clear_ibuf [dreg:s7], $0x5FFFF;
	_ =	strace $0x90000046  }
0x2a: {  	s29 =	simm.s32 $0x9;
	_ =	strace $0x80000048  }
0x2b: {  	_ =	swait.ge [sflag:s29], $0x1  }
0x2c: {  	[sflag:s29] =	ssyncadd.s32 $0xFFFFFFFF  }
0x2d: {  	_ =	strace $0x90000048  }
0x2e: {  	_ =	sfence  }
0x2f: {  	s30 =	sld [smem:$0x0];
	_ =	sdelay $0x2  }
0x30: {  	s31 =	sshll.u32 s1, $0xD;
	s1 =	sshrl.u32 s1, $0x2  }
0x31: {  	s3 =	sand.u32 $0x4000, s31;
	s1 =	sadd.s32 s1, s30  }
0x32: {  	s0 =	sor.u32 s3, s0;
	s1 =	sshll.u32 s1, $0x11  }
0x33: {  	s0 =	sor.u32 s1, s0  }
0x34: {  	s0 =	sadd.s32 $0x8F2B, s0  }
0x35: {  	[sflag:s0] =	ssyncadd.remote.s32 $0x1  }
0x36: {  	_ =	sfence.sel $0xFFFF  }
0x37: {  	[dreg:$0x0] =	wrdreg $0xFFFFFFFF;
	(pc) =	sbr.abs _section_cstart, $3  }
0x38: {  	[dreg:$0x1] =	wrdreg $0xFFFFFFFF  }
0x39: {  	_ =	task.clear_ibuf [dreg:s7], $0x2FFFF;
	_ =	strace $0x9FFFFFFF  }
0x3a: {  	(tm) =	ssettm $0x7FFFFFFF  }
0x3b: {  	_ =	shalt  }
tec
execute0_lowered:
.L_overlay_start_1:
0x0: {  	(tag) =	ssettag $0x1  }
0x1: {  	s0 =	srdreg.scid  }
0x2: {  	s1 =	sshll.u32 s0, $0x4  }
0x3: {  	s2 =	rddreg [dreg:$0x0];
	s0 =	stileid.u32;
	s1 =	sand.u32 $0x10, s1  }
0x4: {  	s4 =	rddreg [dreg:$0x1];
	s7 =	simm.s32 $0x1;
	s1 =	sor.u32 s0, s1  }
0x5: {  	s8 =	simm.s32 $0x2;
	s9 =	simm.s32 $0x0;
	s3 =	sshll.u32 s1, $0x3  }
0x6: {  	s12 =	simm.s32 $0x0;
	s11 =	simm.s32 $0x0;
	s6 =	ssub.s32 $0x2000, s3  }
.Ltmp0:
0x7: {  	s4 =	sadd.s32 $0x1C00, s4;
	s5 =	sand.u32 $0xF8, s6;
	(pc) =	sbr.rel .LBB1_1-.Ltmp0, $4  }
0x8: {  	s1 =	rddreg [dreg:$0x2];
	_ =	strace $0x80000047;
	p0 =	sne.s32 s5, $0x0  }
0x9: {  	s6 =	sshrl.u32 s6, $0x8;
	s5 =	simm.s32 $0x1;
	s7 =	simm.s32 @!p0 $0x0  }
0xa: {  	s10 =	smov.u32 s3;
	[sflag:s5] =	ssyncpa.u1 $0x0;
	s6 =	sadd.s32 s7, s6  }
0xb: {  	[sflag:s8] =	ssyncpa.u1 $0x0;
	s8 =	simm.s32 $0x0;
	s7 =	sadd.s32 $0x1, s6  }
.LBB1_9:
0xc: {  	s14 =	sadd.s32 $0x100, s10  }
0xd: {  	p1 =	sgt.s32 s14, $0x1FFF  }
0xe: {  	s14 =	smov.u32 @p1 s3;
	p1 =	sne.s32 s11, s7  }
.Ltmp1:
0xf: {  	p0 =	slt.u32 s11, $0x2;
	(pc) =	sbr.rel @!p1 .LBB1_10-.Ltmp1, $4  }
0x10: {  	s13 =	simm.s32 @!p0 $0x2  }
0x11: {  	s15 =	sadd.s32 $0x1, s11;
	_ =	swait.ge @!p0 [sflag:s13], $0x4000  }
0x12: {  	s12 =	smov.u32 s10;
	s9 =	sadd.s32 $0x4000, s9;
	[sflag:s13] =	ssyncset.done @!p0 $0x0  }
0x13: {  	s11 =	smov.u32 s15;
	s10 =	smov.u32 s14;
	[sflag:s13] =	ssyncadd.s32 @!p0 $0xFFFFC000  }
.LBB1_1:
0x14: {  	p0 =	sge.u32 s11, s6  }
0x15: {  	s13 =	sxor.u32 @!p0 $0xFFFFFFFF, s11  }
0x16: {  	s31 =	sadd.s32 $0xFFFFFFFF, s11;
	s14 =	sshll.u32 @!p0 s10, $0x8;
	s13 =	sshll.u32 @!p0 s13, $0xE  }
0x17: {  	s15 =	simm.s32 @!p0 $0x0;
	s14 =	sadd.s32 @!p0 s2, s14;
	s13 =	sand.u32 @!p0 $0x4000, s13  }
0x18: {  	[tilespmem:s13], [sflag:$0x1] =	stream.linear.gather @!p0 [hbm4b:s14+s15], $0x4000, $0x38;
	[tilespmem:$0x10000] =	vst v63  }
0x19: {  	p0 =	sge.u32 s31, s6  }
.Ltmp2:
0x1a: {  	_ = 	snop;
	(pc) =	sbr.rel @p0 .LBB1_9-.Ltmp2, $1  }
0x1b: {  	_ =	sdelay $0x3  }
0x1c: {  	s13 =	sshll.u32 s9, $0x2;
	_ =	swait.ge [sflag:s5], $0x4000;
	s14 =	sshll.u32 s11, $0xE  }
0x1d: {  	s16 =	simm.s32 $0x0;
	s17 =	simm.s32 $0x0;
	s15 =	sand.u32 $0x10000, s13  }
0x1e: {  	[sflag:s5] =	ssyncset.done $0x0;
	s31 =	sand.u32 $0x4000, s14;
	s14 =	sshrl.u32 s15, $0x2  }
0x1f: {  	[sflag:s5] =	ssyncadd.s32 $0xFFFFC000;
	s13 =	sor.u32 $0x8000, s31;
	s15 =	sor.u32 $0x8000, s14  }
.LBB1_3:
0x20: {  	s18 =	sshra.s32 s16, $0x2  }
0x21: {  	v0 =	vmov s18;
	_ =	sdelay $0x3  }
0x22: {  	p1 =	por $0x1, $0x1;
	s18 =	simm.s32 $0x0  }
.LBB1_4:
0x23: {  	_ = 	snop  }
0x24: {  	s19 =	sshll.u32 s18, $0xA  }
0x25: {  	s19 =	sand.u32 $0x3FFFFC00, s19  }
0x26: {  	s19 =	sadd.s32 s19, s14  }
0x27: {  	v5 =	vld.idx.msk [tilespmem:v0+s19+$0x70 ss:$0x1], $0xffff  }
0x28: {  	v6 =	vld.idx.msk [tilespmem:v0+s19+$0x10 ss:$0x1], $0xffff  }
0x29: {  	v7 =	vld.idx.msk [tilespmem:v0+s19+$0x20 ss:$0x1], $0xffff  }
0x2a: {  	s31 =	sshll.u32 s18, $0x7;
	v1 =	vld.idx.msk [tilespmem:v0+s19+$0x30 ss:$0x1], $0xffff  }
0x2b: {  	s18 =	sand.u32 $0x3FFFFF80, s31;
	v2 =	vld.idx.msk [tilespmem:v0+s19+$0x40 ss:$0x1], $0xffff  }
0x2c: {  	s18 =	sadd.s32 s18, s15;
	v3 =	vld.idx.msk [tilespmem:v0+s19+$0x50 ss:$0x1], $0xffff  }
0x2d: {  	v4 =	vld.idx.msk [tilespmem:v0+s19+$0x60 ss:$0x1], $0xffff;
	[tilespmem:v0+s18+$0x70 ss:$0x1] =	vst.idx.msk $0xffff, v5  }
0x2e: {  	v5 =	vld.idx.msk [tilespmem:v0+s19+$0x0 ss:$0x1], $0xffff;
	[tilespmem:v0+s18+$0x10 ss:$0x1] =	vst.idx.msk $0xffff, v6;
	s19 =	sadd.s32 $0x80, s19  }
0x2f: {  	p0 =	por p1, p1;
	s20 =	simm.s32 $0x6;
	[tilespmem:v0+s18+$0x20 ss:$0x1] =	vst.idx.msk $0xffff, v7;
	v6 =	vld.idx.msk [tilespmem:v0+s19+$0x70 ss:$0x1], $0xffff  }
.LBB1_5:
0x30: {  	p1 =	sne.s32 s20, $0x1;
	v7 =	vld.idx.msk [tilespmem:v0+s19+$0x10 ss:$0x1], $0xffff;
	[tilespmem:v0+s18+$0x30 ss:$0x1] =	vst.idx.msk $0xffff, v1  }
0x31: {  	v8 =	vld.idx.msk [tilespmem:v0+s19+$0x20 ss:$0x1], $0xffff;
	[tilespmem:v0+s18+$0x40 ss:$0x1] =	vst.idx.msk $0xffff, v2  }
0x32: {  	v1 =	vld.idx.msk [tilespmem:v0+s19+$0x30 ss:$0x1], $0xffff;
	[tilespmem:v0+s18+$0x50 ss:$0x1] =	vst.idx.msk $0xffff, v3  }
.Ltmp3:
0x33: {  	v2 =	vld.idx.msk [tilespmem:v0+s19+$0x40 ss:$0x1], $0xffff;
	[tilespmem:v0+s18+$0x60 ss:$0x1] =	vst.idx.msk $0xffff, v4;
	(pc) =	sbr.rel @p1 .LBB1_5-.Ltmp3, $4  }
0x34: {  	v3 =	vld.idx.msk [tilespmem:v0+s19+$0x50 ss:$0x1], $0xffff;
	[tilespmem:v0+s18+$0x0 ss:$0x1] =	vst.idx.msk $0xffff, v5;
	s18 =	sadd.s32 $0x100, s18  }
0x35: {  	v4 =	vld.idx.msk [tilespmem:v0+s19+$0x60 ss:$0x1], $0xffff;
	[tilespmem:v0+s18+$0x70 ss:$0x1] =	vst.idx.msk $0xffff, v6  }
0x36: {  	v5 =	vld.idx.msk [tilespmem:v0+s19+$0x0 ss:$0x1], $0xffff;
	[tilespmem:v0+s18+$0x10 ss:$0x1] =	vst.idx.msk $0xffff, v7;
	s19 =	sadd.s32 $0x80, s19  }
0x37: {  	s20 =	sadd.s32 $0xFFFFFFFF, s20;
	v6 =	vld.idx.msk [tilespmem:v0+s19+$0x70 ss:$0x1], $0xffff;
	[tilespmem:v0+s18+$0x20 ss:$0x1] =	vst.idx.msk $0xffff, v8  }
0x38: {  	_ =	sdelay $0x3  }
0x39: {  	[tilespmem:v0+s18+$0x30 ss:$0x1] =	vst.idx.msk $0xffff, v1  }
0x3a: {  	v1 =	vld.idx.msk [tilespmem:v0+s19+$0x10 ss:$0x1], $0xffff;
	[tilespmem:v0+s18+$0x40 ss:$0x1] =	vst.idx.msk $0xffff, v2  }
0x3b: {  	v2 =	vld.idx.msk [tilespmem:v0+s19+$0x20 ss:$0x1], $0xffff;
	[tilespmem:v0+s18+$0x50 ss:$0x1] =	vst.idx.msk $0xffff, v3  }
0x3c: {  	v61 =	vld.idx.msk [tilespmem:v0+s19+$0x40 ss:$0x1], $0xffff;
	[tilespmem:v0+s18+$0x60 ss:$0x1] =	vst.idx.msk $0xffff, v4  }
0x3d: {  	s31 =	sadd.s32 $0x100, s18;
	v62 =	vld.idx.msk [tilespmem:v0+s19+$0x50 ss:$0x1], $0xffff;
	[tilespmem:v0+s18+$0x0 ss:$0x1] =	vst.idx.msk $0xffff, v5  }
0x3e: {  	v63 =	vld.idx.msk [tilespmem:v0+s19+$0x60 ss:$0x1], $0xffff;
	[tilespmem:v0+s31+$0x70 ss:$0x1] =	vst.idx.msk $0xffff, v6  }
0x3f: {  	v3 =	vld.idx.msk [tilespmem:v0+s19+$0x30 ss:$0x1], $0xffff;
	[tilespmem:v0+s31+$0x10 ss:$0x1] =	vst.idx.msk $0xffff, v1  }
0x40: {  	v1 =	vld.idx.msk [tilespmem:v0+s19+$0x0 ss:$0x1], $0xffff;
	[tilespmem:v0+s31+$0x20 ss:$0x1] =	vst.idx.msk $0xffff, v2  }
.Ltmp4:
0x41: {  	[tilespmem:v0+s31+$0x40 ss:$0x1] =	vst.idx.msk $0xffff, v61;
	(pc) =	sbr.rel @p0 .LBB1_4-.Ltmp4, $4  }
0x42: {  	[tilespmem:v0+s31+$0x50 ss:$0x1] =	vst.idx.msk $0xffff, v62  }
0x43: {  	[tilespmem:v0+s31+$0x60 ss:$0x1] =	vst.idx.msk $0xffff, v63  }
0x44: {  	[tilespmem:v0+s31+$0x30 ss:$0x1] =	vst.idx.msk $0xffff, v3  }
0x45: {  	p1 =	por $0x0, $0x0;
	s18 =	simm.s32 $0x1;
	[tilespmem:v0+s31+$0x0 ss:$0x1] =	vst.idx.msk $0xffff, v1  }
0x46: {  	s17 =	sadd.s32 $0x1, s17  }
0x47: {  	p0 =	sne.s32 s17, $0x8  }
.Ltmp5:
0x48: {  	_ = 	snop;
	(pc) =	sbr.rel @p0 .LBB1_3-.Ltmp5, $2  }
0x49: {  	_ =	sdelay $0x2  }
0x4a: {  	s16 =	sadd.s32 $0x2000, s16  }
.Ltmp6:
0x4b: {  	(pc) =	sbr.rel .LBB1_9-.Ltmp6, $4  }
0x4c: {  	_ = 	snop  }
0x4d: {  	s12 =	sshll.u32 s12, $0x8  }
0x4e: {  	s12 =	sadd.s32 s4, s12  }
0x4f: {  	[hbm4b:s12+s8] =	stream.linear.scatter [tilespmem:s13], [sflag:$0x2], $0x4000, $0x38;
	[tilespmem:$0x10000] =	vst v63  }
.LBB1_10:
0x50: {  	_ =	sfence.sel $0x180000  }
0x51: {  	s2 =	simm.s32 $0x1;
	[bflag:$0x0] =	sbarrier.arrive $0xFFFF  }
0x52: {  	s31 =	simm.s32 $0x2;
	[sflag:s2] =	ssyncpa.u1 $0x1  }
0x53: {  	[sflag:s31] =	ssyncpa.u1 $0x1  }
0x54: {  	p0 =	sne.s32 s0, $0x0;
	_ =	strace $0x90000047  }
0x55: {  	s0 =	sadd.s32 @!p0 $0x100000, s1;
	[bflag:$0x2] =	sbarrier.arrive $0xFFFF  }
0x56: {  	[sflag:s0] =	ssyncadd.tile.s32 @!p0 $0x1;
	_ =	shalt  }
.Lfunc_end1:
_tile_overlayer_lowered:
.L_overlay_start_2:
0x57: {  	(tag) =	ssettag $0x2  }
0x58: {  	s0 =	rddreg [dreg:$0x0];
	s2 =	stileid.u32  }
0x59: {  	s1 =	rddreg [dreg:$0x1];
	p0 =	sne.s32 s2, $0x0  }
0x5a: {  	s3 =	rddreg [dreg:$0x2];
	[bflag:$0x3] =	sbarrier.arrive $0xFFFF;
	s2 =	simm.s32 @!p0 $0x1C01  }
0x5b: {  	[timem:s3], [sflag:s2] =	dma.local @!p0 [hbm:s0], s1  }
0x5c: {  	s0 =	simm.s32 @!p0 $0x1  }
0x5d: {  	_ =	swait.ge @!p0 [sflag:s0], s1  }
0x5e: {  	s1 =	ssub.s32 @!p0 $0x0, s1;
	[sflag:s0] =	ssyncset.done @!p0 $0x0  }
0x5f: {  	[sflag:s0] =	ssyncadd.s32 @!p0 s1  }
0x60: {  	[bflag:$0x3] =	sbarrier.arrive $0xFFFF  }
0x61: {  	_ =	shalt  }

</sc_bundles>
